<compile_context>
chip_gen: v7x
topology: tpu7x:2x2x1
jax: 0.10.2.dev20260603
libtpu: 0.0.44.dev20260713+nightly
codegen_flags: <defaults>
</compile_context>

<pallas_src>
import functools

import numpy as np
import jax
import jax.numpy as jnp
from jax import lax
from jax.experimental import pallas as pl
from jax.experimental.pallas import tpu as pltpu
from jax.experimental.pallas import tpu_sc as plsc

_SCALES = (0.1, 0.25, 0.5)
_K = 16
_DE = 64
_BM = 256
_BN = 256

_INV_SQRT2 = float(1.0 / np.sqrt(2.0))


def _gelu(z):
    return 0.5 * z * (1.0 + lax.erf(z * _INV_SQRT2))


def _select_body(gpos_ref, ppos_ref,
                 idxphi_ref, cntphi_ref, idxpsi_ref, cntpsi_ref,
                 cnt1_ref, cnt2_ref, *, nbn, nbm, r2s):
    nb = pl.program_id(1)
    mb = pl.program_id(2)
    kf = float(_K)

    @pl.when(nb == 0)
    def _():
        cnt1_ref[:, pl.ds(mb * _BM, _BM), :] = jnp.zeros((3, _BM, 1), jnp.float32)
        idxphi_ref[0, :, pl.ds(mb * _BM, _BM), :] = jnp.zeros(
            (3, _BM, _K), jnp.float32)

    @pl.when(mb == 0)
    def _():
        cnt2_ref[...] = jnp.zeros_like(cnt2_ref)
        idxpsi_ref[0, :, :, pl.ds(nb * _BN, _BN)] = jnp.zeros(
            (3, _K, _BN), jnp.float32)

    done1 = jnp.min(cnt1_ref[:, pl.ds(mb * _BM, _BM), :]) >= kf
    done2 = jnp.min(cnt2_ref[...]) >= kf

    @pl.when(jnp.logical_not(jnp.logical_and(done1, done2)))
    def _():
        gp = gpos_ref[0]
        cx, cy = gp[:, 0:1], gp[:, 1:2]
        pp = ppos_ref[0]
        px, py = pp[0:1, :], pp[1:2, :]
        c2 = cx * cx + cy * cy
        p2 = px * px + py * py
        cxb = cx.astype(jnp.bfloat16).astype(jnp.float32)
        cyb = cy.astype(jnp.bfloat16).astype(jnp.float32)
        pxb = px.astype(jnp.bfloat16).astype(jnp.float32)
        pyb = py.astype(jnp.bfloat16).astype(jnp.float32)
        d2 = jnp.maximum((c2 + p2) - 2.0 * (cxb * pxb + cyb * pyb), 0.0)

        rowi = lax.broadcasted_iota(jnp.int32, (_BM, _BN), 0).astype(jnp.float32)
        coli = lax.broadcasted_iota(jnp.int32, (_BM, _BN), 1).astype(jnp.float32)
        n_glob = coli + float(_BN) * nb.astype(jnp.float32)
        m_glob = rowi + float(_BM) * mb.astype(jnp.float32)
        tu = (rowi <= coli).astype(jnp.float32)
        tl = (coli <= rowi).astype(jnp.float32)

        for s, r in enumerate(r2s):
            within = d2 <= r
            wf = within.astype(jnp.float32)

            prev1 = cnt1_ref[s, pl.ds(mb * _BM, _BM), :]

            @pl.when(jnp.min(prev1) < kf)
            def _(within=within, wf=wf, prev1=prev1, s=s):
                rank = prev1 + jnp.dot(wf, tu, preferred_element_type=jnp.float32)
                sel = within & (rank <= kf)
                val = jnp.where(sel, n_glob, 0.0)
                rnk = jnp.where(sel, rank, 0.0)
                cols = [jnp.sum(jnp.where(rnk == float(j + 1), val, 0.0),
                                axis=1, keepdims=True) for j in range(_K)]
                idxphi_ref[0, s, pl.ds(mb * _BM, _BM), :] += jnp.concatenate(
                    cols, axis=1)
                cnt1_ref[s, pl.ds(mb * _BM, _BM), :] = (
                    prev1 + jnp.sum(wf, axis=1, keepdims=True))

            prev2 = cnt2_ref[s]

            @pl.when(jnp.min(prev2) < kf)
            def _(within=within, wf=wf, prev2=prev2, s=s):
                rank = prev2 + jnp.dot(tl, wf, preferred_element_type=jnp.float32)
                sel = within & (rank <= kf)
                val = jnp.where(sel, m_glob, 0.0)
                rnk = jnp.where(sel, rank, 0.0)
                rows = [jnp.sum(jnp.where(rnk == float(j + 1), val, 0.0),
                                axis=0, keepdims=True) for j in range(_K)]
                idxpsi_ref[0, s, :, pl.ds(nb * _BN, _BN)] += jnp.concatenate(
                    rows, axis=0)
                cnt2_ref[s] = prev2 + jnp.sum(wf, axis=0, keepdims=True)

    @pl.when(nb == nbn - 1)
    def _():
        cntphi_ref[0, :, pl.ds(mb * _BM, _BM), :] = jnp.minimum(
            cnt1_ref[:, pl.ds(mb * _BM, _BM), :], kf)

    @pl.when(mb == nbm - 1)
    def _():
        cntpsi_ref[0, :, :, pl.ds(nb * _BN, _BN)] = jnp.minimum(
            cnt2_ref[...], kf)


def _select(gpos, ppos_t):
    B, M, _ = gpos.shape
    N = ppos_t.shape[2]
    nbn, nbm = N // _BN, M // _BM
    r2s = tuple(float(np.float32(r * r)) for r in _SCALES)
    out_shapes = (
        jax.ShapeDtypeStruct((B, 3, M, _K), jnp.float32),
        jax.ShapeDtypeStruct((B, 3, M, 1), jnp.float32),
        jax.ShapeDtypeStruct((B, 3, _K, N), jnp.float32),
        jax.ShapeDtypeStruct((B, 3, 1, N), jnp.float32),
    )
    return pl.pallas_call(
        functools.partial(_select_body, nbn=nbn, nbm=nbm, r2s=r2s),
        grid=(B, nbn, nbm),
        in_specs=[
            pl.BlockSpec((1, _BM, 2), lambda b, nb, mb: (b, mb, 0)),
            pl.BlockSpec((1, 2, _BN), lambda b, nb, mb: (b, 0, nb)),
        ],
        out_specs=[
            pl.BlockSpec((1, 3, M, _K), lambda b, nb, mb: (b, 0, 0, 0)),
            pl.BlockSpec((1, 3, M, 1), lambda b, nb, mb: (b, 0, 0, 0)),
            pl.BlockSpec((1, 3, _K, N), lambda b, nb, mb: (b, 0, 0, 0)),
            pl.BlockSpec((1, 3, 1, N), lambda b, nb, mb: (b, 0, 0, 0)),
        ],
        out_shape=out_shapes,
        scratch_shapes=[
            pltpu.VMEM((3, M, 1), jnp.float32),
            pltpu.VMEM((3, 1, _BN), jnp.float32),
        ],
    )(gpos, ppos_t)


def _sc_gather(table, idx, chunk=2048):
    R = idx.shape[0]
    width = table.shape[1]
    nw = 32
    per_w = R // nw
    nch = per_w // chunk
    mesh = plsc.VectorSubcoreMesh(core_axis_name="c", subcore_axis_name="s")

    @functools.partial(
        pl.kernel,
        out_type=jax.ShapeDtypeStruct((R, width), jnp.float32),
        mesh=mesh,
        compiler_params=pltpu.CompilerParams(use_tc_tiling_on_sc=False),
        scratch_types=[
            pltpu.VMEM((chunk,), jnp.int32),
            pltpu.VMEM((chunk,), jnp.int32),
            pltpu.VMEM((chunk, width), jnp.float32),
            pltpu.VMEM((chunk, width), jnp.float32),
            pltpu.SemaphoreType.DMA,
            pltpu.SemaphoreType.DMA,
        ],
    )
    def gk(tab_hbm, idx_hbm, out_hbm, idx0, idx1, rows0, rows1, sem0, sem1):
        wid = lax.axis_index("s") * 2 + lax.axis_index("c")
        base = pl.multiple_of(wid * per_w, 8)
        idx_v = (idx0, idx1)
        rows_v = (rows0, rows1)
        sems = (sem0, sem1)

        def offs(c):
            return pl.multiple_of(base + c * chunk, 8)

        pltpu.sync_copy(idx_hbm.at[pl.ds(offs(0), chunk)], idx0)
        pending = [pltpu.async_copy(tab_hbm.at[idx0], rows0, sem0)]
        for c in range(nch):
            nxt = c + 1
            if nxt < nch:
                pltpu.sync_copy(idx_hbm.at[pl.ds(offs(nxt), chunk)],
                                idx_v[nxt % 2])
                pending.append(pltpu.async_copy(tab_hbm.at[idx_v[nxt % 2]],
                                                rows_v[nxt % 2], sems[nxt % 2]))
            pending.pop(0).wait()
            pltpu.sync_copy(rows_v[c % 2], out_hbm.at[pl.ds(offs(c), chunk)])

    return gk(table, idx)


def _pool_body(gath_ref, ctr_ref, cnt_ref, w1_ref, b1_ref, w2_ref, b2_ref,
               out_ref, *, din, cm, accumulate, width):
    g = gath_ref[0, 0]
    g3 = g.reshape(cm, _K, width)
    ctr = ctr_ref[0]
    rel = g3[:, :, din:din + 2] - ctr[:, None, :]
    x = jnp.concatenate([g3[:, :, 0:din], rel], axis=-1).reshape(cm * _K, din + 2)
    z = jnp.dot(x, w1_ref[0], preferred_element_type=jnp.float32) + b1_ref[0]
    h = jnp.dot(_gelu(z), w2_ref[0], preferred_element_type=jnp.float32) + b2_ref[0]
    cnt = cnt_ref[0, 0]
    kio = lax.broadcasted_iota(jnp.int32, (cm, _K), 1).astype(jnp.float32)
    msk = (kio < cnt).astype(jnp.float32)
    h3 = h.reshape(cm, _K, _DE)
    hm = jnp.sum(h3 * msk[:, :, None], axis=1) / jnp.maximum(cnt, 1.0)

    if accumulate:
        @pl.when(pl.program_id(2) == 0)
        def _():
            out_ref[0, 0] = jnp.zeros_like(out_ref[0, 0])
        out_ref[0, 0] += jnp.sum(hm, axis=0, keepdims=True)
    else:
        out_ref[0, 0] = hm


def _pool(gath, centers, cnt, w1, b1, w2, b2, din, accumulate, cm=256):
    B = gath.shape[0]
    width = gath.shape[3]
    R = gath.shape[2] // _K
    nc = R // cm
    if accumulate:
        out_shape = jax.ShapeDtypeStruct((B, 3, 1, _DE), jnp.float32)
        out_spec = pl.BlockSpec((1, 1, 1, _DE), lambda b, s, c: (b, s, 0, 0))
    else:
        out_shape = jax.ShapeDtypeStruct((B, 3, R, _DE), jnp.float32)
        out_spec = pl.BlockSpec((1, 1, cm, _DE), lambda b, s, c: (b, s, c, 0))
    return pl.pallas_call(
        functools.partial(_pool_body, din=din, cm=cm, accumulate=accumulate,
                          width=width),
        grid=(B, 3, nc),
        in_specs=[
            pl.BlockSpec((1, 1, cm * _K, width), lambda b, s, c: (b, s, c, 0)),
            pl.BlockSpec((1, cm, 2), lambda b, s, c: (b, c, 0)),
            pl.BlockSpec((1, 1, cm, 1), lambda b, s, c: (b, s, c, 0)),
            pl.BlockSpec((1, din + 2, _DE), lambda b, s, c: (s, 0, 0)),
            pl.BlockSpec((1, 1, _DE), lambda b, s, c: (s, 0, 0)),
            pl.BlockSpec((1, _DE, _DE), lambda b, s, c: (s, 0, 0)),
            pl.BlockSpec((1, 1, _DE), lambda b, s, c: (s, 0, 0)),
        ],
        out_specs=out_spec,
        out_shape=out_shape,
    )(gath, centers, cnt, w1, b1, w2, b2)


def _head_body(gp_ref, gw1_ref, gb1_ref, gw2_ref, gb2_ref,
               gf_ref, ew1_ref, eb1_ref, ew2_ref, eb2_ref,
               es_ref, pw_ref, pb_ref, out_ref):
    B, Mg, _ = gf_ref.shape

    def mlp(x, w1, b1, w2, b2):
        z = jnp.dot(x, w1, preferred_element_type=jnp.float32) + b1
        return jnp.dot(_gelu(z), w2, preferred_element_type=jnp.float32) + b2

    p_enc = mlp(gp_ref[...], gw1_ref[...], gb1_ref[...], gw2_ref[...], gb2_ref[...])
    ge = mlp(gf_ref[...].reshape(B * Mg, 2), ew1_ref[...], eb1_ref[...],
             ew2_ref[...], eb2_ref[...])
    c_geom = jnp.mean(ge.reshape(B, Mg, _DE), axis=1)
    raw = jnp.concatenate([p_enc, c_geom, es_ref[...]], axis=1)
    out_ref[...] = jnp.dot(raw, pw_ref[...], preferred_element_type=jnp.float32) + pb_ref[...]


def _head(global_params, gw1, gb1, gw2, gb2, geometry_features,
          ew1, eb1, ew2, eb2, e_flat, proj_w, proj_b):
    B = global_params.shape[0]
    return pl.pallas_call(
        _head_body,
        out_shape=jax.ShapeDtypeStruct((B, proj_w.shape[1]), jnp.float32),
    )(global_params, gw1, gb1.reshape(1, -1), gw2, gb2.reshape(1, -1),
      geometry_features, ew1, eb1.reshape(1, -1), ew2, eb2.reshape(1, -1),
      e_flat, proj_w, proj_b.reshape(1, -1))


def kernel(global_params, geometry_positions, geometry_features,
           input_positions, input_features,
           gw1, gb1, gw2, gb2, ew1, eb1, ew2, eb2,
           phi_w1, phi_b1, phi_w2, phi_b2,
           psi_w1, psi_b1, psi_w2, psi_b2,
           proj_w, proj_b):
    f32 = jnp.float32
    B, M, _ = geometry_positions.shape
    N = input_positions.shape[1]

    ppos_t = jnp.transpose(input_positions, (0, 2, 1))
    idx_phi_f, cnt_phi, idx_psi_f, cnt_psi_t = _select(geometry_positions, ppos_t)

    idx_phi = idx_phi_f.astype(jnp.int32)
    idx_psi = jnp.transpose(idx_psi_f, (0, 1, 3, 2)).astype(jnp.int32)
    cnt_psi = jnp.transpose(cnt_psi_t, (0, 1, 3, 2))

    boff = (jnp.arange(B, dtype=jnp.int32) * N).reshape(B, 1, 1, 1)
    tab_in = jnp.concatenate(
        [input_features, input_positions, jnp.zeros((B, N, 6), f32)],
        axis=-1).reshape(B * N, 16)
    gath_phi = _sc_gather(tab_in, (idx_phi + boff).reshape(-1)
                          ).reshape(B, 3, M * _K, 16)

    goff = (jnp.arange(B, dtype=jnp.int32) * M).reshape(B, 1, 1, 1)
    tab_g = jnp.concatenate(
        [geometry_features, geometry_positions, jnp.zeros((B, M, 12), f32)],
        axis=-1).reshape(B * M, 16)
    gath_psi = _sc_gather(tab_g, (idx_psi + goff).reshape(-1)
                          ).reshape(B, 3, N * _K, 16)

    e_sums = _pool(gath_phi, geometry_positions, cnt_phi,
                   phi_w1, phi_b1.reshape(3, 1, _DE),
                   phi_w2, phi_b2.reshape(3, 1, _DE), 8, True)
    aug_s = _pool(gath_psi, input_positions, cnt_psi,
                  psi_w1, psi_b1.reshape(3, 1, _DE),
                  psi_w2, psi_b2.reshape(3, 1, _DE), 2, False)
    augmentation = jnp.concatenate([aug_s[:, 0], aug_s[:, 1], aug_s[:, 2]],
                                   axis=-1)
    e_flat = (e_sums[:, :, 0, :] / float(M)).reshape(B, 3 * _DE)
    context = _head(global_params, gw1, gb1, gw2, gb2, geometry_features,
                    ew1, eb1, ew2, eb2, e_flat, proj_w, proj_b)
    return context, augmentation

# --- scband reference (transcript-rebuilt; emitter-appended) ---
"""Pipeline reference for scband-context-projector-32658931319370 (READ-ONLY COPY).

The authoritative reference and input builder live on the scoring server;
editing this copy changes nothing except your own understanding.
"""

import jax, jax.numpy as jnp
import numpy as np

SCALES = (0.1, 0.25, 0.5)
K = 16
D_ENC = 64


def _mlp(x, w1, b1, w2, b2):
    return jax.nn.gelu(x @ w1 + b1, approximate=False) @ w2 + b2


def _ball_query_idx(centers, points, radius, k):
    # centers: (B, M, 2), points: (B, N, 2) -> idx (B, M, k) with -1 padding
    c2 = jnp.sum(centers * centers, axis=-1)
    p2 = jnp.sum(points * points, axis=-1)
    dist2 = jnp.maximum(c2[:, :, None] + p2[:, None, :] - 2.0 * jnp.einsum('bmd,bnd->bmn', centers, points), 0.0)
    n = points.shape[1]
    within = dist2 <= radius * radius
    keyv = jnp.where(within, jnp.arange(n)[None, None, :], n)
    order = jnp.argsort(keyv, axis=-1)[..., :k]
    picked = jnp.take_along_axis(keyv, order, axis=-1)
    return jnp.where(picked < n, order, -1)


def _gather(features, idx):
    safe = jnp.where(idx >= 0, idx, 0)
    return jax.vmap(lambda f, i: f[i])(features, safe)


def _forward(global_params, geometry_positions, geometry_features, input_positions, input_features,
             gw1, gb1, gw2, gb2, ew1, eb1, ew2, eb2,
             phi_w1, phi_b1, phi_w2, phi_b2, psi_w1, psi_b1, psi_w2, psi_b2,
             proj_w, proj_b):
    p_enc = _mlp(global_params, gw1, gb1, gw2, gb2)
    geom_encoded = _mlp(geometry_features, ew1, eb1, ew2, eb2)
    c_geom = jnp.mean(geom_encoded, axis=1)
    E_list = []
    for s, r in enumerate(SCALES):
        idx = _ball_query_idx(geometry_positions, input_positions, r, K)
        gf = _gather(input_features, idx)
        gp = _gather(input_positions, idx)
        rel = gp - geometry_positions[:, :, None, :]
        h = _mlp(jnp.concatenate([gf, rel], axis=-1), phi_w1[s], phi_b1[s], phi_w2[s], phi_b2[s])
        m = (idx != -1)[..., None].astype(jnp.float32)
        h = jnp.sum(h * m, axis=2) / jnp.maximum(jnp.sum(m, axis=2), 1.0)
        E_list.append(jnp.mean(h, axis=1))
    aug_list = []
    for s, r in enumerate(SCALES):
        idx = _ball_query_idx(input_positions, geometry_positions, r, K)
        gf = _gather(geometry_features, idx)
        gp = _gather(geometry_positions, idx)
        rel = gp - input_positions[:, :, None, :]
        h = _mlp(jnp.concatenate([gf, rel], axis=-1), psi_w1[s], psi_b1[s], psi_w2[s], psi_b2[s])
        m = (idx != -1)[..., None].astype(jnp.float32)
        h = jnp.sum(h * m, axis=2) / jnp.maximum(jnp.sum(m, axis=2), 1.0)
        aug_list.append(h)
    augmentation = jnp.concatenate(aug_list, axis=-1)
    raw = jnp.concatenate([p_enc, c_geom] + E_list, axis=-1)
    context = raw @ proj_w + proj_b
    return context, augmentation


def setup_inputs(seed=0):
    key = jax.random.key(seed)
    ks = jax.random.split(key, 16)
    B, N, Mg = 2, 8192, 2048
    d_global, d_geom, d_input, d_context = 16, 2, 8, 256
    d_enc = D_ENC
    S = len(SCALES)

    def w(k, shape, fan_in):
        return (jax.random.normal(k, shape, dtype=jnp.float32) / np.sqrt(fan_in)).astype(jnp.float32)

    raw_dim = d_enc + d_enc + S * d_enc
    return {
        'global_params': jax.random.normal(ks[0], (B, d_global), dtype=jnp.float32),
        'geometry_positions': jax.random.uniform(ks[1], (B, Mg, 2), dtype=jnp.float32),
        'geometry_features': jax.random.normal(ks[2], (B, Mg, d_geom), dtype=jnp.float32),
        'input_positions': jax.random.uniform(ks[3], (B, N, 2), dtype=jnp.float32),
        'input_features': jax.random.normal(ks[4], (B, N, d_input), dtype=jnp.float32),
        'gw1': w(ks[5], (d_global, d_enc), d_global), 'gb1': jnp.zeros((d_enc,), jnp.float32),
        'gw2': w(ks[6], (d_enc, d_enc), d_enc), 'gb2': jnp.zeros((d_enc,), jnp.float32),
        'ew1': w(ks[7], (d_geom, d_enc), d_geom), 'eb1': jnp.zeros((d_enc,), jnp.float32),
        'ew2': w(ks[8], (d_enc, d_enc), d_enc), 'eb2': jnp.zeros((d_enc,), jnp.float32),
        'phi_w1': w(ks[9], (S, d_input + 2, d_enc), d_input + 2), 'phi_b1': jnp.zeros((S, d_enc), jnp.float32),
        'phi_w2': w(ks[10], (S, d_enc, d_enc), d_enc), 'phi_b2': jnp.zeros((S, d_enc), jnp.float32),
        'psi_w1': w(ks[11], (S, d_geom + 2, d_enc), d_geom + 2), 'psi_b1': jnp.zeros((S, d_enc), jnp.float32),
        'psi_w2': w(ks[12], (S, d_enc, d_enc), d_enc), 'psi_b2': jnp.zeros((S, d_enc), jnp.float32),
        'proj_w': w(ks[13], (raw_dim, d_context), raw_dim), 'proj_b': jnp.zeros((d_context,), jnp.float32),
    }


def reference(global_params, geometry_positions, geometry_features, input_positions, input_features,
              gw1, gb1, gw2, gb2, ew1, eb1, ew2, eb2,
              phi_w1, phi_b1, phi_w2, phi_b2, psi_w1, psi_b1, psi_w2, psi_b2,
              proj_w, proj_b):
    return _forward(global_params, geometry_positions, geometry_features, input_positions, input_features,
                    gw1, gb1, gw2, gb2, ew1, eb1, ew2, eb2,
                    phi_w1, phi_b1, phi_w2, phi_b2, psi_w1, psi_b1, psi_w2, psi_b2,
                    proj_w, proj_b)

if __name__ == "__main__":
    import jax
    _d = setup_inputs()
    print(jax.jit(kernel)(*tuple(_d.values())))

</pallas_src>

<mosaic_0001>
#map = affine_map<(d0, d1) -> (0, 0)>
#map1 = affine_map<(d0, d1) -> (0)>
module attributes {stable_mosaic.version = 14 : i64} {
  func.func @gk(%arg0: i32, %arg1: i32, %arg2: memref<16384x16xf32, #tpu.memory_space<hbm>>, %arg3: memref<196608xi32, #tpu.memory_space<hbm>>, %arg4: memref<196608x16xf32, #tpu.memory_space<hbm>>, %arg5: memref<2048xi32, #tpu.memory_space<vmem>>, %arg6: memref<2048xi32, #tpu.memory_space<vmem>>, %arg7: memref<2048x16xf32, #tpu.memory_space<vmem>>, %arg8: memref<2048x16xf32, #tpu.memory_space<vmem>>, %arg9: memref<!tpu.dma_semaphore, #tpu.memory_space<semaphore_mem>>, %arg10: memref<!tpu.dma_semaphore, #tpu.memory_space<semaphore_mem>>) attributes {dimension_semantics = [#tpu.dimension_semantics<core_parallel>, #tpu.dimension_semantics<subcore_parallel>], iteration_bounds = array<i64: 2, 16>, scalar_prefetch = 0 : i64, scratch_operands = 6 : i64, tpu.core_type = #tpu.core_type<sc_vector_subcore>, window_params = [{transform_indices = #map}, {transform_indices = #map1}, {transform_indices = #map}]} {
    %mul3A = arith.constant 2 : i32
    %mul3A_0 = arith.muli %arg1, %mul3A : i32
    %add3A = arith.addi %mul3A_0, %arg0 : i32
    %mul3A_1 = arith.constant 6144 : i32
    %mul3A_2 = arith.muli %add3A, %mul3A_1 : i32
    %multiple_of3A = tpu.assume_multiple %mul3A_2, 8 : i32
    %add3A_3 = arith.constant 0 : i32
    %add3A_4 = arith.addi %multiple_of3A, %add3A_3 : i32
    %multiple_of3A_5 = tpu.assume_multiple %add3A_4, 8 : i32
    "tpu.region"() ({
      %run_scoped3A = tpu.sem_alloc : memref<!tpu.dma_semaphore, #tpu.memory_space<semaphore_mem>>
      %dma_start3A_37 = tpu.memref_slice %arg3[%multiple_of3A_5] : memref<196608xi32, #tpu.memory_space<hbm>> -> memref<2048xi32, #tpu.memory_space<hbm>>
      %dma_start3A_38 = tpu.memref_slice %arg3[%multiple_of3A_5] : memref<196608xi32, #tpu.memory_space<hbm>> -> memref<2048xi32, #tpu.memory_space<hbm>>
      tpu.enqueue_dma source(%dma_start3A_38 : memref<2048xi32, #tpu.memory_space<hbm>>) target(%arg5 : memref<2048xi32, #tpu.memory_space<vmem>>) target_semaphore(%run_scoped3A : memref<!tpu.dma_semaphore, #tpu.memory_space<semaphore_mem>>)
      %dma_wait3A_39 = tpu.memref_slice %arg3[%multiple_of3A_5] : memref<196608xi32, #tpu.memory_space<hbm>> -> memref<2048xi32, #tpu.memory_space<hbm>>
      %dma_wait3A_40 = tpu.memref_slice %arg3[%multiple_of3A_5] : memref<196608xi32, #tpu.memory_space<hbm>> -> memref<2048xi32, #tpu.memory_space<hbm>>
      tpu.wait_dma2 semaphore(%run_scoped3A : memref<!tpu.dma_semaphore, #tpu.memory_space<semaphore_mem>>) src(%dma_wait3A_40 : memref<2048xi32, #tpu.memory_space<hbm>>) dst(%arg5 : memref<2048xi32, #tpu.memory_space<vmem>>)
      tpu.yield
    }) : () -> ()
    %dma_start3A = arith.constant 0 : i32
    %dma_start3A_6 = arith.constant 0 : i32
    %dma_start3A_7 = tpu.memref_slice %arg2[%dma_start3A, %dma_start3A_6] : memref<16384x16xf32, #tpu.memory_space<hbm>> -> memref<16384x16xf32, #tpu.memory_space<hbm>>
    tpu.enqueue_indirect_dma source(%dma_start3A_7 : memref<16384x16xf32, #tpu.memory_space<hbm>>) target(%arg7 : memref<2048x16xf32, #tpu.memory_space<vmem>>) offsets(%arg5 : memref<2048xi32, #tpu.memory_space<vmem>>) semaphore(%arg9 : memref<!tpu.dma_semaphore, #tpu.memory_space<semaphore_mem>>)
    %add3A_8 = arith.constant 2048 : i32
    %add3A_9 = arith.addi %multiple_of3A, %add3A_8 : i32
    %multiple_of3A_10 = tpu.assume_multiple %add3A_9, 8 : i32
    "tpu.region"() ({
      %run_scoped3A = tpu.sem_alloc : memref<!tpu.dma_semaphore, #tpu.memory_space<semaphore_mem>>
      %dma_start3A_37 = tpu.memref_slice %arg3[%multiple_of3A_10] : memref<196608xi32, #tpu.memory_space<hbm>> -> memref<2048xi32, #tpu.memory_space<hbm>>
      %dma_start3A_38 = tpu.memref_slice %arg3[%multiple_of3A_10] : memref<196608xi32, #tpu.memory_space<hbm>> -> memref<2048xi32, #tpu.memory_space<hbm>>
      tpu.enqueue_dma source(%dma_start3A_38 : memref<2048xi32, #tpu.memory_space<hbm>>) target(%arg6 : memref<2048xi32, #tpu.memory_space<vmem>>) target_semaphore(%run_scoped3A : memref<!tpu.dma_semaphore, #tpu.memory_space<semaphore_mem>>)
      %dma_wait3A_39 = tpu.memref_slice %arg3[%multiple_of3A_10] : memref<196608xi32, #tpu.memory_space<hbm>> -> memref<2048xi32, #tpu.memory_space<hbm>>
      %dma_wait3A_40 = tpu.memref_slice %arg3[%multiple_of3A_10] : memref<196608xi32, #tpu.memory_space<hbm>> -> memref<2048xi32, #tpu.memory_space<hbm>>
      tpu.wait_dma2 semaphore(%run_scoped3A : memref<!tpu.dma_semaphore, #tpu.memory_space<semaphore_mem>>) src(%dma_wait3A_40 : memref<2048xi32, #tpu.memory_space<hbm>>) dst(%arg6 : memref<2048xi32, #tpu.memory_space<vmem>>)
      tpu.yield
    }) : () -> ()
    %dma_start3A_11 = arith.constant 0 : i32
    %dma_start3A_12 = arith.constant 0 : i32
    %dma_start3A_13 = tpu.memref_slice %arg2[%dma_start3A_11, %dma_start3A_12] : memref<16384x16xf32, #tpu.memory_space<hbm>> -> memref<16384x16xf32, #tpu.memory_space<hbm>>
    tpu.enqueue_indirect_dma source(%dma_start3A_13 : memref<16384x16xf32, #tpu.memory_space<hbm>>) target(%arg8 : memref<2048x16xf32, #tpu.memory_space<vmem>>) offsets(%arg6 : memref<2048xi32, #tpu.memory_space<vmem>>) semaphore(%arg10 : memref<!tpu.dma_semaphore, #tpu.memory_space<semaphore_mem>>)
    %dma_wait3A = arith.constant 0 : i32
    %dma_wait3A_14 = arith.constant 0 : i32
    %dma_wait3A_15 = tpu.memref_slice %arg2[%dma_wait3A, %dma_wait3A_14] : memref<16384x16xf32, #tpu.memory_space<hbm>> -> memref<16384x16xf32, #tpu.memory_space<hbm>>
    tpu.wait_indirect_dma semaphore(%arg9 : memref<!tpu.dma_semaphore, #tpu.memory_space<semaphore_mem>>) src(%dma_wait3A_15 : memref<16384x16xf32, #tpu.memory_space<hbm>>) dst(%arg7 : memref<2048x16xf32, #tpu.memory_space<vmem>>)
    %add3A_16 = arith.constant 0 : i32
    %add3A_17 = arith.addi %multiple_of3A, %add3A_16 : i32
    %multiple_of3A_18 = tpu.assume_multiple %add3A_17, 8 : i32
    "tpu.region"() ({
      %run_scoped3A = tpu.sem_alloc : memref<!tpu.dma_semaphore, #tpu.memory_space<semaphore_mem>>
      %dma_start3A_37 = arith.constant 0 : i32
      %dma_start3A_38 = tpu.memref_slice %arg4[%multiple_of3A_18, %dma_start3A_37] : memref<196608x16xf32, #tpu.memory_space<hbm>> -> memref<2048x16xf32, #tpu.memory_space<hbm>>
      %dma_start3A_39 = arith.constant 0 : i32
      %dma_start3A_40 = tpu.memref_slice %arg4[%multiple_of3A_18, %dma_start3A_39] : memref<196608x16xf32, #tpu.memory_space<hbm>> -> memref<2048x16xf32, #tpu.memory_space<hbm>>
      tpu.enqueue_dma source(%arg7 : memref<2048x16xf32, #tpu.memory_space<vmem>>) target(%dma_start3A_40 : memref<2048x16xf32, #tpu.memory_space<hbm>>) target_semaphore(%run_scoped3A : memref<!tpu.dma_semaphore, #tpu.memory_space<semaphore_mem>>)
      %dma_wait3A_41 = arith.constant 0 : i32
      %dma_wait3A_42 = tpu.memref_slice %arg4[%multiple_of3A_18, %dma_wait3A_41] : memref<196608x16xf32, #tpu.memory_space<hbm>> -> memref<2048x16xf32, #tpu.memory_space<hbm>>
      %dma_wait3A_43 = arith.constant 0 : i32
      %dma_wait3A_44 = tpu.memref_slice %arg4[%multiple_of3A_18, %dma_wait3A_43] : memref<196608x16xf32, #tpu.memory_space<hbm>> -> memref<2048x16xf32, #tpu.memory_space<hbm>>
      tpu.wait_dma2 semaphore(%run_scoped3A : memref<!tpu.dma_semaphore, #tpu.memory_space<semaphore_mem>>) src(%arg7 : memref<2048x16xf32, #tpu.memory_space<vmem>>) dst(%dma_wait3A_44 : memref<2048x16xf32, #tpu.memory_space<hbm>>)
      tpu.yield
    }) : () -> ()
    %add3A_19 = arith.constant 4096 : i32
    %add3A_20 = arith.addi %multiple_of3A, %add3A_19 : i32
    %multiple_of3A_21 = tpu.assume_multiple %add3A_20, 8 : i32
    "tpu.region"() ({
      %run_scoped3A = tpu.sem_alloc : memref<!tpu.dma_semaphore, #tpu.memory_space<semaphore_mem>>
      %dma_start3A_37 = tpu.memref_slice %arg3[%multiple_of3A_21] : memref<196608xi32, #tpu.memory_space<hbm>> -> memref<2048xi32, #tpu.memory_space<hbm>>
      %dma_start3A_38 = tpu.memref_slice %arg3[%multiple_of3A_21] : memref<196608xi32, #tpu.memory_space<hbm>> -> memref<2048xi32, #tpu.memory_space<hbm>>
      tpu.enqueue_dma source(%dma_start3A_38 : memref<2048xi32, #tpu.memory_space<hbm>>) target(%arg5 : memref<2048xi32, #tpu.memory_space<vmem>>) target_semaphore(%run_scoped3A : memref<!tpu.dma_semaphore, #tpu.memory_space<semaphore_mem>>)
      %dma_wait3A_39 = tpu.memref_slice %arg3[%multiple_of3A_21] : memref<196608xi32, #tpu.memory_space<hbm>> -> memref<2048xi32, #tpu.memory_space<hbm>>
      %dma_wait3A_40 = tpu.memref_slice %arg3[%multiple_of3A_21] : memref<196608xi32, #tpu.memory_space<hbm>> -> memref<2048xi32, #tpu.memory_space<hbm>>
      tpu.wait_dma2 semaphore(%run_scoped3A : memref<!tpu.dma_semaphore, #tpu.memory_space<semaphore_mem>>) src(%dma_wait3A_40 : memref<2048xi32, #tpu.memory_space<hbm>>) dst(%arg5 : memref<2048xi32, #tpu.memory_space<vmem>>)
      tpu.yield
    }) : () -> ()
    %dma_start3A_22 = arith.constant 0 : i32
    %dma_start3A_23 = arith.constant 0 : i32
    %dma_start3A_24 = tpu.memref_slice %arg2[%dma_start3A_22, %dma_start3A_23] : memref<16384x16xf32, #tpu.memory_space<hbm>> -> memref<16384x16xf32, #tpu.memory_space<hbm>>
    tpu.enqueue_indirect_dma source(%dma_start3A_24 : memref<16384x16xf32, #tpu.memory_space<hbm>>) target(%arg7 : memref<2048x16xf32, #tpu.memory_space<vmem>>) offsets(%arg5 : memref<2048xi32, #tpu.memory_space<vmem>>) semaphore(%arg9 : memref<!tpu.dma_semaphore, #tpu.memory_space<semaphore_mem>>)
    %dma_wait3A_25 = arith.constant 0 : i32
    %dma_wait3A_26 = arith.constant 0 : i32
    %dma_wait3A_27 = tpu.memref_slice %arg2[%dma_wait3A_25, %dma_wait3A_26] : memref<16384x16xf32, #tpu.memory_space<hbm>> -> memref<16384x16xf32, #tpu.memory_space<hbm>>
    tpu.wait_indirect_dma semaphore(%arg10 : memref<!tpu.dma_semaphore, #tpu.memory_space<semaphore_mem>>) src(%dma_wait3A_27 : memref<16384x16xf32, #tpu.memory_space<hbm>>) dst(%arg8 : memref<2048x16xf32, #tpu.memory_space<vmem>>)
    %add3A_28 = arith.constant 2048 : i32
    %add3A_29 = arith.addi %multiple_of3A, %add3A_28 : i32
    %multiple_of3A_30 = tpu.assume_multiple %add3A_29, 8 : i32
    "tpu.region"() ({
      %run_scoped3A = tpu.sem_alloc : memref<!tpu.dma_semaphore, #tpu.memory_space<semaphore_mem>>
      %dma_start3A_37 = arith.constant 0 : i32
      %dma_start3A_38 = tpu.memref_slice %arg4[%multiple_of3A_30, %dma_start3A_37] : memref<196608x16xf32, #tpu.memory_space<hbm>> -> memref<2048x16xf32, #tpu.memory_space<hbm>>
      %dma_start3A_39 = arith.constant 0 : i32
      %dma_start3A_40 = tpu.memref_slice %arg4[%multiple_of3A_30, %dma_start3A_39] : memref<196608x16xf32, #tpu.memory_space<hbm>> -> memref<2048x16xf32, #tpu.memory_space<hbm>>
      tpu.enqueue_dma source(%arg8 : memref<2048x16xf32, #tpu.memory_space<vmem>>) target(%dma_start3A_40 : memref<2048x16xf32, #tpu.memory_space<hbm>>) target_semaphore(%run_scoped3A : memref<!tpu.dma_semaphore, #tpu.memory_space<semaphore_mem>>)
      %dma_wait3A_41 = arith.constant 0 : i32
      %dma_wait3A_42 = tpu.memref_slice %arg4[%multiple_of3A_30, %dma_wait3A_41] : memref<196608x16xf32, #tpu.memory_space<hbm>> -> memref<2048x16xf32, #tpu.memory_space<hbm>>
      %dma_wait3A_43 = arith.constant 0 : i32
      %dma_wait3A_44 = tpu.memref_slice %arg4[%multiple_of3A_30, %dma_wait3A_43] : memref<196608x16xf32, #tpu.memory_space<hbm>> -> memref<2048x16xf32, #tpu.memory_space<hbm>>
      tpu.wait_dma2 semaphore(%run_scoped3A : memref<!tpu.dma_semaphore, #tpu.memory_space<semaphore_mem>>) src(%arg8 : memref<2048x16xf32, #tpu.memory_space<vmem>>) dst(%dma_wait3A_44 : memref<2048x16xf32, #tpu.memory_space<hbm>>)
      tpu.yield
    }) : () -> ()
    %dma_wait3A_31 = arith.constant 0 : i32
    %dma_wait3A_32 = arith.constant 0 : i32
    %dma_wait3A_33 = tpu.memref_slice %arg2[%dma_wait3A_31, %dma_wait3A_32] : memref<16384x16xf32, #tpu.memory_space<hbm>> -> memref<16384x16xf32, #tpu.memory_space<hbm>>
    tpu.wait_indirect_dma semaphore(%arg9 : memref<!tpu.dma_semaphore, #tpu.memory_space<semaphore_mem>>) src(%dma_wait3A_33 : memref<16384x16xf32, #tpu.memory_space<hbm>>) dst(%arg7 : memref<2048x16xf32, #tpu.memory_space<vmem>>)
    %add3A_34 = arith.constant 4096 : i32
    %add3A_35 = arith.addi %multiple_of3A, %add3A_34 : i32
    %multiple_of3A_36 = tpu.assume_multiple %add3A_35, 8 : i32
    "tpu.region"() ({
      %run_scoped3A = tpu.sem_alloc : memref<!tpu.dma_semaphore, #tpu.memory_space<semaphore_mem>>
      %dma_start3A_37 = arith.constant 0 : i32
      %dma_start3A_38 = tpu.memref_slice %arg4[%multiple_of3A_36, %dma_start3A_37] : memref<196608x16xf32, #tpu.memory_space<hbm>> -> memref<2048x16xf32, #tpu.memory_space<hbm>>
      %dma_start3A_39 = arith.constant 0 : i32
      %dma_start3A_40 = tpu.memref_slice %arg4[%multiple_of3A_36, %dma_start3A_39] : memref<196608x16xf32, #tpu.memory_space<hbm>> -> memref<2048x16xf32, #tpu.memory_space<hbm>>
      tpu.enqueue_dma source(%arg7 : memref<2048x16xf32, #tpu.memory_space<vmem>>) target(%dma_start3A_40 : memref<2048x16xf32, #tpu.memory_space<hbm>>) target_semaphore(%run_scoped3A : memref<!tpu.dma_semaphore, #tpu.memory_space<semaphore_mem>>)
      %dma_wait3A_41 = arith.constant 0 : i32
      %dma_wait3A_42 = tpu.memref_slice %arg4[%multiple_of3A_36, %dma_wait3A_41] : memref<196608x16xf32, #tpu.memory_space<hbm>> -> memref<2048x16xf32, #tpu.memory_space<hbm>>
      %dma_wait3A_43 = arith.constant 0 : i32
      %dma_wait3A_44 = tpu.memref_slice %arg4[%multiple_of3A_36, %dma_wait3A_43] : memref<196608x16xf32, #tpu.memory_space<hbm>> -> memref<2048x16xf32, #tpu.memory_space<hbm>>
      tpu.wait_dma2 semaphore(%run_scoped3A : memref<!tpu.dma_semaphore, #tpu.memory_space<semaphore_mem>>) src(%arg7 : memref<2048x16xf32, #tpu.memory_space<vmem>>) dst(%dma_wait3A_44 : memref<2048x16xf32, #tpu.memory_space<hbm>>)
      tpu.yield
    }) : () -> ()
    return
  }
}

#map = affine_map<(d0, d1) -> (0, 0)>
#map1 = affine_map<(d0, d1) -> (0)>
module attributes {stable_mosaic.version = 14 : i64} {
  func.func @gk(%arg0: i32, %arg1: i32, %arg2: memref<4096x16xf32, #tpu.memory_space<hbm>>, %arg3: memref<786432xi32, #tpu.memory_space<hbm>>, %arg4: memref<786432x16xf32, #tpu.memory_space<hbm>>, %arg5: memref<2048xi32, #tpu.memory_space<vmem>>, %arg6: memref<2048xi32, #tpu.memory_space<vmem>>, %arg7: memref<2048x16xf32, #tpu.memory_space<vmem>>, %arg8: memref<2048x16xf32, #tpu.memory_space<vmem>>, %arg9: memref<!tpu.dma_semaphore, #tpu.memory_space<semaphore_mem>>, %arg10: memref<!tpu.dma_semaphore, #tpu.memory_space<semaphore_mem>>) attributes {dimension_semantics = [#tpu.dimension_semantics<core_parallel>, #tpu.dimension_semantics<subcore_parallel>], iteration_bounds = array<i64: 2, 16>, scalar_prefetch = 0 : i64, scratch_operands = 6 : i64, tpu.core_type = #tpu.core_type<sc_vector_subcore>, window_params = [{transform_indices = #map}, {transform_indices = #map1}, {transform_indices = #map}]} {
    %mul3A = arith.constant 2 : i32
    %mul3A_0 = arith.muli %arg1, %mul3A : i32
    %add3A = arith.addi %mul3A_0, %arg0 : i32
    %mul3A_1 = arith.constant 24576 : i32
    %mul3A_2 = arith.muli %add3A, %mul3A_1 : i32
    %multiple_of3A = tpu.assume_multiple %mul3A_2, 8 : i32
    %add3A_3 = arith.constant 0 : i32
    %add3A_4 = arith.addi %multiple_of3A, %add3A_3 : i32
    %multiple_of3A_5 = tpu.assume_multiple %add3A_4, 8 : i32
    "tpu.region"() ({
      %run_scoped3A = tpu.sem_alloc : memref<!tpu.dma_semaphore, #tpu.memory_space<semaphore_mem>>
      %dma_start3A_145 = tpu.memref_slice %arg3[%multiple_of3A_5] : memref<786432xi32, #tpu.memory_space<hbm>> -> memref<2048xi32, #tpu.memory_space<hbm>>
      %dma_start3A_146 = tpu.memref_slice %arg3[%multiple_of3A_5] : memref<786432xi32, #tpu.memory_space<hbm>> -> memref<2048xi32, #tpu.memory_space<hbm>>
      tpu.enqueue_dma source(%dma_start3A_146 : memref<2048xi32, #tpu.memory_space<hbm>>) target(%arg5 : memref<2048xi32, #tpu.memory_space<vmem>>) target_semaphore(%run_scoped3A : memref<!tpu.dma_semaphore, #tpu.memory_space<semaphore_mem>>)
      %dma_wait3A_147 = tpu.memref_slice %arg3[%multiple_of3A_5] : memref<786432xi32, #tpu.memory_space<hbm>> -> memref<2048xi32, #tpu.memory_space<hbm>>
      %dma_wait3A_148 = tpu.memref_slice %arg3[%multiple_of3A_5] : memref<786432xi32, #tpu.memory_space<hbm>> -> memref<2048xi32, #tpu.memory_space<hbm>>
      tpu.wait_dma2 semaphore(%run_scoped3A : memref<!tpu.dma_semaphore, #tpu.memory_space<semaphore_mem>>) src(%dma_wait3A_148 : memref<2048xi32, #tpu.memory_space<hbm>>) dst(%arg5 : memref<2048xi32, #tpu.memory_space<vmem>>)
      tpu.yield
    }) : () -> ()
    %dma_start3A = arith.constant 0 : i32
    %dma_start3A_6 = arith.constant 0 : i32
    %dma_start3A_7 = tpu.memref_slice %arg2[%dma_start3A, %dma_start3A_6] : memref<4096x16xf32, #tpu.memory_space<hbm>> -> memref<4096x16xf32, #tpu.memory_space<hbm>>
    tpu.enqueue_indirect_dma source(%dma_start3A_7 : memref<4096x16xf32, #tpu.memory_space<hbm>>) target(%arg7 : memref<2048x16xf32, #tpu.memory_space<vmem>>) offsets(%arg5 : memref<2048xi32, #tpu.memory_space<vmem>>) semaphore(%arg9 : memref<!tpu.dma_semaphore, #tpu.memory_space<semaphore_mem>>)
    %add3A_8 = arith.constant 2048 : i32
    %add3A_9 = arith.addi %multiple_of3A, %add3A_8 : i32
    %multiple_of3A_10 = tpu.assume_multiple %add3A_9, 8 : i32
    "tpu.region"() ({
      %run_scoped3A = tpu.sem_alloc : memref<!tpu.dma_semaphore, #tpu.memory_space<semaphore_mem>>
      %dma_start3A_145 = tpu.memref_slice %arg3[%multiple_of3A_10] : memref<786432xi32, #tpu.memory_space<hbm>> -> memref<2048xi32, #tpu.memory_space<hbm>>
      %dma_start3A_146 = tpu.memref_slice %arg3[%multiple_of3A_10] : memref<786432xi32, #tpu.memory_space<hbm>> -> memref<2048xi32, #tpu.memory_space<hbm>>
      tpu.enqueue_dma source(%dma_start3A_146 : memref<2048xi32, #tpu.memory_space<hbm>>) target(%arg6 : memref<2048xi32, #tpu.memory_space<vmem>>) target_semaphore(%run_scoped3A : memref<!tpu.dma_semaphore, #tpu.memory_space<semaphore_mem>>)
      %dma_wait3A_147 = tpu.memref_slice %arg3[%multiple_of3A_10] : memref<786432xi32, #tpu.memory_space<hbm>> -> memref<2048xi32, #tpu.memory_space<hbm>>
      %dma_wait3A_148 = tpu.memref_slice %arg3[%multiple_of3A_10] : memref<786432xi32, #tpu.memory_space<hbm>> -> memref<2048xi32, #tpu.memory_space<hbm>>
      tpu.wait_dma2 semaphore(%run_scoped3A : memref<!tpu.dma_semaphore, #tpu.memory_space<semaphore_mem>>) src(%dma_wait3A_148 : memref<2048xi32, #tpu.memory_space<hbm>>) dst(%arg6 : memref<2048xi32, #tpu.memory_space<vmem>>)
      tpu.yield
    }) : () -> ()
    %dma_start3A_11 = arith.constant 0 : i32
    %dma_start3A_12 = arith.constant 0 : i32
    %dma_start3A_13 = tpu.memref_slice %arg2[%dma_start3A_11, %dma_start3A_12] : memref<4096x16xf32, #tpu.memory_space<hbm>> -> memref<4096x16xf32, #tpu.memory_space<hbm>>
    tpu.enqueue_indirect_dma source(%dma_start3A_13 : memref<4096x16xf32, #tpu.memory_space<hbm>>) target(%arg8 : memref<2048x16xf32, #tpu.memory_space<vmem>>) offsets(%arg6 : memref<2048xi32, #tpu.memory_space<vmem>>) semaphore(%arg10 : memref<!tpu.dma_semaphore, #tpu.memory_space<semaphore_mem>>)
    %dma_wait3A = arith.constant 0 : i32
    %dma_wait3A_14 = arith.constant 0 : i32
    %dma_wait3A_15 = tpu.memref_slice %arg2[%dma_wait3A, %dma_wait3A_14] : memref<4096x16xf32, #tpu.memory_space<hbm>> -> memref<4096x16xf32, #tpu.memory_space<hbm>>
    tpu.wait_indirect_dma semaphore(%arg9 : memref<!tpu.dma_semaphore, #tpu.memory_space<semaphore_mem>>) src(%dma_wait3A_15 : memref<4096x16xf32, #tpu.memory_space<hbm>>) dst(%arg7 : memref<2048x16xf32, #tpu.memory_space<vmem>>)
    %add3A_16 = arith.constant 0 : i32
    %add3A_17 = arith.addi %multiple_of3A, %add3A_16 : i32
    %multiple_of3A_18 = tpu.assume_multiple %add3A_17, 8 : i32
    "tpu.region"() ({
      %run_scoped3A = tpu.sem_alloc : memref<!tpu.dma_semaphore, #tpu.memory_space<semaphore_mem>>
      %dma_start3A_145 = arith.constant 0 : i32
      %dma_start3A_146 = tpu.memref_slice %arg4[%multiple_of3A_18, %dma_start3A_145] : memref<786432x16xf32, #tpu.memory_space<hbm>> -> memref<2048x16xf32, #tpu.memory_space<hbm>>
      %dma_start3A_147 = arith.constant 0 : i32
      %dma_start3A_148 = tpu.memref_slice %arg4[%multiple_of3A_18, %dma_start3A_147] : memref<786432x16xf32, #tpu.memory_space<hbm>> -> memref<2048x16xf32, #tpu.memory_space<hbm>>
      tpu.enqueue_dma source(%arg7 : memref<2048x16xf32, #tpu.memory_space<vmem>>) target(%dma_start3A_148 : memref<2048x16xf32, #tpu.memory_space<hbm>>) target_semaphore(%run_scoped3A : memref<!tpu.dma_semaphore, #tpu.memory_space<semaphore_mem>>)
      %dma_wait3A_149 = arith.constant 0 : i32
      %dma_wait3A_150 = tpu.memref_slice %arg4[%multiple_of3A_18, %dma_wait3A_149] : memref<786432x16xf32, #tpu.memory_space<hbm>> -> memref<2048x16xf32, #tpu.memory_space<hbm>>
      %dma_wait3A_151 = arith.constant 0 : i32
      %dma_wait3A_152 = tpu.memref_slice %arg4[%multiple_of3A_18, %dma_wait3A_151] : memref<786432x16xf32, #tpu.memory_space<hbm>> -> memref<2048x16xf32, #tpu.memory_space<hbm>>
      tpu.wait_dma2 semaphore(%run_scoped3A : memref<!tpu.dma_semaphore, #tpu.memory_space<semaphore_mem>>) src(%arg7 : memref<2048x16xf32, #tpu.memory_space<vmem>>) dst(%dma_wait3A_152 : memref<2048x16xf32, #tpu.memory_space<hbm>>)
      tpu.yield
    }) : () -> ()
    %add3A_19 = arith.constant 4096 : i32
    %add3A_20 = arith.addi %multiple_of3A, %add3A_19 : i32
    %multiple_of3A_21 = tpu.assume_multiple %add3A_20, 8 : i32
    "tpu.region"() ({
      %run_scoped3A = tpu.sem_alloc : memref<!tpu.dma_semaphore, #tpu.memory_space<semaphore_mem>>
      %dma_start3A_145 = tpu.memref_slice %arg3[%multiple_of3A_21] : memref<786432xi32, #tpu.memory_space<hbm>> -> memref<2048xi32, #tpu.memory_space<hbm>>
      %dma_start3A_146 = tpu.memref_slice %arg3[%multiple_of3A_21] : memref<786432xi32, #tpu.memory_space<hbm>> -> memref<2048xi32, #tpu.memory_space<hbm>>
      tpu.enqueue_dma source(%dma_start3A_146 : memref<2048xi32, #tpu.memory_space<hbm>>) target(%arg5 : memref<2048xi32, #tpu.memory_space<vmem>>) target_semaphore(%run_scoped3A : memref<!tpu.dma_semaphore, #tpu.memory_space<semaphore_mem>>)
      %dma_wait3A_147 = tpu.memref_slice %arg3[%multiple_of3A_21] : memref<786432xi32, #tpu.memory_space<hbm>> -> memref<2048xi32, #tpu.memory_space<hbm>>
      %dma_wait3A_148 = tpu.memref_slice %arg3[%multiple_of3A_21] : memref<786432xi32, #tpu.memory_space<hbm>> -> memref<2048xi32, #tpu.memory_space<hbm>>
      tpu.wait_dma2 semaphore(%run_scoped3A : memref<!tpu.dma_semaphore, #tpu.memory_space<semaphore_mem>>) src(%dma_wait3A_148 : memref<2048xi32, #tpu.memory_space<hbm>>) dst(%arg5 : memref<2048xi32, #tpu.memory_space<vmem>>)
      tpu.yield
    }) : () -> ()
    %dma_start3A_22 = arith.constant 0 : i32
    %dma_start3A_23 = arith.constant 0 : i32
    %dma_start3A_24 = tpu.memref_slice %arg2[%dma_start3A_22, %dma_start3A_23] : memref<4096x16xf32, #tpu.memory_space<hbm>> -> memref<4096x16xf32, #tpu.memory_space<hbm>>
    tpu.enqueue_indirect_dma source(%dma_start3A_24 : memref<4096x16xf32, #tpu.memory_space<hbm>>) target(%arg7 : memref<2048x16xf32, #tpu.memory_space<vmem>>) offsets(%arg5 : memref<2048xi32, #tpu.memory_space<vmem>>) semaphore(%arg9 : memref<!tpu.dma_semaphore, #tpu.memory_space<semaphore_mem>>)
    %dma_wait3A_25 = arith.constant 0 : i32
    %dma_wait3A_26 = arith.constant 0 : i32
    %dma_wait3A_27 = tpu.memref_slice %arg2[%dma_wait3A_25, %dma_wait3A_26] : memref<4096x16xf32, #tpu.memory_space<hbm>> -> memref<4096x16xf32, #tpu.memory_space<hbm>>
    tpu.wait_indirect_dma semaphore(%arg10 : memref<!tpu.dma_semaphore, #tpu.memory_space<semaphore_mem>>) src(%dma_wait3A_27 : memref<4096x16xf32, #tpu.memory_space<hbm>>) dst(%arg8 : memref<2048x16xf32, #tpu.memory_space<vmem>>)
    %add3A_28 = arith.constant 2048 : i32
    %add3A_29 = arith.addi %multiple_of3A, %add3A_28 : i32
    %multiple_of3A_30 = tpu.assume_multiple %add3A_29, 8 : i32
    "tpu.region"() ({
      %run_scoped3A = tpu.sem_alloc : memref<!tpu.dma_semaphore, #tpu.memory_space<semaphore_mem>>
      %dma_start3A_145 = arith.constant 0 : i32
      %dma_start3A_146 = tpu.memref_slice %arg4[%multiple_of3A_30, %dma_start3A_145] : memref<786432x16xf32, #tpu.memory_space<hbm>> -> memref<2048x16xf32, #tpu.memory_space<hbm>>
      %dma_start3A_147 = arith.constant 0 : i32
      %dma_start3A_148 = tpu.memref_slice %arg4[%multiple_of3A_30, %dma_start3A_147] : memref<786432x16xf32, #tpu.memory_space<hbm>> -> memref<2048x16xf32, #tpu.memory_space<hbm>>
      tpu.enqueue_dma source(%arg8 : memref<2048x16xf32, #tpu.memory_space<vmem>>) target(%dma_start3A_148 : memref<2048x16xf32, #tpu.memory_space<hbm>>) target_semaphore(%run_scoped3A : memref<!tpu.dma_semaphore, #tpu.memory_space<semaphore_mem>>)
      %dma_wait3A_149 = arith.constant 0 : i32
      %dma_wait3A_150 = tpu.memref_slice %arg4[%multiple_of3A_30, %dma_wait3A_149] : memref<786432x16xf32, #tpu.memory_space<hbm>> -> memref<2048x16xf32, #tpu.memory_space<hbm>>
      %dma_wait3A_151 = arith.constant 0 : i32
      %dma_wait3A_152 = tpu.memref_slice %arg4[%multiple_of3A_30, %dma_wait3A_151] : memref<786432x16xf32, #tpu.memory_space<hbm>> -> memref<2048x16xf32, #tpu.memory_space<hbm>>
      tpu.wait_dma2 semaphore(%run_scoped3A : memref<!tpu.dma_semaphore, #tpu.memory_space<semaphore_mem>>) src(%arg8 : memref<2048x16xf32, #tpu.memory_space<vmem>>) dst(%dma_wait3A_152 : memref<2048x16xf32, #tpu.memory_space<hbm>>)
      tpu.yield
    }) : () -> ()
    %add3A_31 = arith.constant 6144 : i32
    %add3A_32 = arith.addi %multiple_of3A, %add3A_31 : i32
    %multiple_of3A_33 = tpu.assume_multiple %add3A_32, 8 : i32
    "tpu.region"() ({
      %run_scoped3A = tpu.sem_alloc : memref<!tpu.dma_semaphore, #tpu.memory_space<semaphore_mem>>
      %dma_start3A_145 = tpu.memref_slice %arg3[%multiple_of3A_33] : memref<786432xi32, #tpu.memory_space<hbm>> -> memref<2048xi32, #tpu.memory_space<hbm>>
      %dma_start3A_146 = tpu.memref_slice %arg3[%multiple_of3A_33] : memref<786432xi32, #tpu.memory_space<hbm>> -> memref<2048xi32, #tpu.memory_space<hbm>>
      tpu.enqueue_dma source(%dma_start3A_146 : memref<2048xi32, #tpu.memory_space<hbm>>) target(%arg6 : memref<2048xi32, #tpu.memory_space<vmem>>) target_semaphore(%run_scoped3A : memref<!tpu.dma_semaphore, #tpu.memory_space<semaphore_mem>>)
      %dma_wait3A_147 = tpu.memref_slice %arg3[%multiple_of3A_33] : memref<786432xi32, #tpu.memory_space<hbm>> -> memref<2048xi32, #tpu.memory_space<hbm>>
      %dma_wait3A_148 = tpu.memref_slice %arg3[%multiple_of3A_33] : memref<786432xi32, #tpu.memory_space<hbm>> -> memref<2048xi32, #tpu.memory_space<hbm>>
      tpu.wait_dma2 semaphore(%run_scoped3A : memref<!tpu.dma_semaphore, #tpu.memory_space<semaphore_mem>>) src(%dma_wait3A_148 : memref<2048xi32, #tpu.memory_space<hbm>>) dst(%arg6 : memref<2048xi32, #tpu.memory_space<vmem>>)
      tpu.yield
    }) : () -> ()
    %dma_start3A_34 = arith.constant 0 : i32
    %dma_start3A_35 = arith.constant 0 : i32
    %dma_start3A_36 = tpu.memref_slice %arg2[%dma_start3A_34, %dma_start3A_35] : memref<4096x16xf32, #tpu.memory_space<hbm>> -> memref<4096x16xf32, #tpu.memory_space<hbm>>
    tpu.enqueue_indirect_dma source(%dma_start3A_36 : memref<4096x16xf32, #tpu.memory_space<hbm>>) target(%arg8 : memref<2048x16xf32, #tpu.memory_space<vmem>>) offsets(%arg6 : memref<2048xi32, #tpu.memory_space<vmem>>) semaphore(%arg10 : memref<!tpu.dma_semaphore, #tpu.memory_space<semaphore_mem>>)
    %dma_wait3A_37 = arith.constant 0 : i32
    %dma_wait3A_38 = arith.constant 0 : i32
    %dma_wait3A_39 = tpu.memref_slice %arg2[%dma_wait3A_37, %dma_wait3A_38] : memref<4096x16xf32, #tpu.memory_space<hbm>> -> memref<4096x16xf32, #tpu.memory_space<hbm>>
    tpu.wait_indirect_dma semaphore(%arg9 : memref<!tpu.dma_semaphore, #tpu.memory_space<semaphore_mem>>) src(%dma_wait3A_39 : memref<4096x16xf32, #tpu.memory_space<hbm>>) dst(%arg7 : memref<2048x16xf32, #tpu.memory_space<vmem>>)
    %add3A_40 = arith.constant 4096 : i32
    %add3A_41 = arith.addi %multiple_of3A, %add3A_40 : i32
    %multiple_of3A_42 = tpu.assume_multiple %add3A_41, 8 : i32
    "tpu.region"() ({
      %run_scoped3A = tpu.sem_alloc : memref<!tpu.dma_semaphore, #tpu.memory_space<semaphore_mem>>
      %dma_start3A_145 = arith.constant 0 : i32
      %dma_start3A_146 = tpu.memref_slice %arg4[%multiple_of3A_42, %dma_start3A_145] : memref<786432x16xf32, #tpu.memory_space<hbm>> -> memref<2048x16xf32, #tpu.memory_space<hbm>>
      %dma_start3A_147 = arith.constant 0 : i32
      %dma_start3A_148 = tpu.memref_slice %arg4[%multiple_of3A_42, %dma_start3A_147] : memref<786432x16xf32, #tpu.memory_space<hbm>> -> memref<2048x16xf32, #tpu.memory_space<hbm>>
      tpu.enqueue_dma source(%arg7 : memref<2048x16xf32, #tpu.memory_space<vmem>>) target(%dma_start3A_148 : memref<2048x16xf32, #tpu.memory_space<hbm>>) target_semaphore(%run_scoped3A : memref<!tpu.dma_semaphore, #tpu.memory_space<semaphore_mem>>)
      %dma_wait3A_149 = arith.constant 0 : i32
      %dma_wait3A_150 = tpu.memref_slice %arg4[%multiple_of3A_42, %dma_wait3A_149] : memref<786432x16xf32, #tpu.memory_space<hbm>> -> memref<2048x16xf32, #tpu.memory_space<hbm>>
      %dma_wait3A_151 = arith.constant 0 : i32
      %dma_wait3A_152 = tpu.memref_slice %arg4[%multiple_of3A_42, %dma_wait3A_151] : memref<786432x16xf32, #tpu.memory_space<hbm>> -> memref<2048x16xf32, #tpu.memory_space<hbm>>
      tpu.wait_dma2 semaphore(%run_scoped3A : memref<!tpu.dma_semaphore, #tpu.memory_space<semaphore_mem>>) src(%arg7 : memref<2048x16xf32, #tpu.memory_space<vmem>>) dst(%dma_wait3A_152 : memref<2048x16xf32, #tpu.memory_space<hbm>>)
      tpu.yield
    }) : () -> ()
    %add3A_43 = arith.constant 8192 : i32
    %add3A_44 = arith.addi %multiple_of3A, %add3A_43 : i32
    %multiple_of3A_45 = tpu.assume_multiple %add3A_44, 8 : i32
    "tpu.region"() ({
      %run_scoped3A = tpu.sem_alloc : memref<!tpu.dma_semaphore, #tpu.memory_space<semaphore_mem>>
      %dma_start3A_145 = tpu.memref_slice %arg3[%multiple_of3A_45] : memref<786432xi32, #tpu.memory_space<hbm>> -> memref<2048xi32, #tpu.memory_space<hbm>>
      %dma_start3A_146 = tpu.memref_slice %arg3[%multiple_of3A_45] : memref<786432xi32, #tpu.memory_space<hbm>> -> memref<2048xi32, #tpu.memory_space<hbm>>
      tpu.enqueue_dma source(%dma_start3A_146 : memref<2048xi32, #tpu.memory_space<hbm>>) target(%arg5 : memref<2048xi32, #tpu.memory_space<vmem>>) target_semaphore(%run_scoped3A : memref<!tpu.dma_semaphore, #tpu.memory_space<semaphore_mem>>)
      %dma_wait3A_147 = tpu.memref_slice %arg3[%multiple_of3A_45] : memref<786432xi32, #tpu.memory_space<hbm>> -> memref<2048xi32, #tpu.memory_space<hbm>>
      %dma_wait3A_148 = tpu.memref_slice %arg3[%multiple_of3A_45] : memref<786432xi32, #tpu.memory_space<hbm>> -> memref<2048xi32, #tpu.memory_space<hbm>>
      tpu.wait_dma2 semaphore(%run_scoped3A : memref<!tpu.dma_semaphore, #tpu.memory_space<semaphore_mem>>) src(%dma_wait3A_148 : memref<2048xi32, #tpu.memory_space<hbm>>) dst(%arg5 : memref<2048xi32, #tpu.memory_space<vmem>>)
      tpu.yield
    }) : () -> ()
    %dma_start3A_46 = arith.constant 0 : i32
    %dma_start3A_47 = arith.constant 0 : i32
    %dma_start3A_48 = tpu.memref_slice %arg2[%dma_start3A_46, %dma_start3A_47] : memref<4096x16xf32, #tpu.memory_space<hbm>> -> memref<4096x16xf32, #tpu.memory_space<hbm>>
    tpu.enqueue_indirect_dma source(%dma_start3A_48 : memref<4096x16xf32, #tpu.memory_space<hbm>>) target(%arg7 : memref<2048x16xf32, #tpu.memory_space<vmem>>) offsets(%arg5 : memref<2048xi32, #tpu.memory_space<vmem>>) semaphore(%arg9 : memref<!tpu.dma_semaphore, #tpu.memory_space<semaphore_mem>>)
    %dma_wait3A_49 = arith.constant 0 : i32
    %dma_wait3A_50 = arith.constant 0 : i32
    %dma_wait3A_51 = tpu.memref_slice %arg2[%dma_wait3A_49, %dma_wait3A_50] : memref<4096x16xf32, #tpu.memory_space<hbm>> -> memref<4096x16xf32, #tpu.memory_space<hbm>>
    tpu.wait_indirect_dma semaphore(%arg10 : memref<!tpu.dma_semaphore, #tpu.memory_space<semaphore_mem>>) src(%dma_wait3A_51 : memref<4096x16xf32, #tpu.memory_space<hbm>>) dst(%arg8 : memref<2048x16xf32, #tpu.memory_space<vmem>>)
    %add3A_52 = arith.constant 6144 : i32
    %add3A_53 = arith.addi %multiple_of3A, %add3A_52 : i32
    %multiple_of3A_54 = tpu.assume_multiple %add3A_53, 8 : i32
    "tpu.region"() ({
      %run_scoped3A = tpu.sem_alloc : memref<!tpu.dma_semaphore, #tpu.memory_space<semaphore_mem>>
      %dma_start3A_145 = arith.constant 0 : i32
      %dma_start3A_146 = tpu.memref_slice %arg4[%multiple_of3A_54, %dma_start3A_145] : memref<786432x16xf32, #tpu.memory_space<hbm>> -> memref<2048x16xf32, #tpu.memory_space<hbm>>
      %dma_start3A_147 = arith.constant 0 : i32
      %dma_start3A_148 = tpu.memref_slice %arg4[%multiple_of3A_54, %dma_start3A_147] : memref<786432x16xf32, #tpu.memory_space<hbm>> -> memref<2048x16xf32, #tpu.memory_space<hbm>>
      tpu.enqueue_dma source(%arg8 : memref<2048x16xf32, #tpu.memory_space<vmem>>) target(%dma_start3A_148 : memref<2048x16xf32, #tpu.memory_space<hbm>>) target_semaphore(%run_scoped3A : memref<!tpu.dma_semaphore, #tpu.memory_space<semaphore_mem>>)
      %dma_wait3A_149 = arith.constant 0 : i32
      %dma_wait3A_150 = tpu.memref_slice %arg4[%multiple_of3A_54, %dma_wait3A_149] : memref<786432x16xf32, #tpu.memory_space<hbm>> -> memref<2048x16xf32, #tpu.memory_space<hbm>>
      %dma_wait3A_151 = arith.constant 0 : i32
      %dma_wait3A_152 = tpu.memref_slice %arg4[%multiple_of3A_54, %dma_wait3A_151] : memref<786432x16xf32, #tpu.memory_space<hbm>> -> memref<2048x16xf32, #tpu.memory_space<hbm>>
      tpu.wait_dma2 semaphore(%run_scoped3A : memref<!tpu.dma_semaphore, #tpu.memory_space<semaphore_mem>>) src(%arg8 : memref<2048x16xf32, #tpu.memory_space<vmem>>) dst(%dma_wait3A_152 : memref<2048x16xf32, #tpu.memory_space<hbm>>)
      tpu.yield
    }) : () -> ()
    %add3A_55 = arith.constant 10240 : i32
    %add3A_56 = arith.addi %multiple_of3A, %add3A_55 : i32
    %multiple_of3A_57 = tpu.assume_multiple %add3A_56, 8 : i32
    "tpu.region"() ({
      %run_scoped3A = tpu.sem_alloc : memref<!tpu.dma_semaphore, #tpu.memory_space<semaphore_mem>>
      %dma_start3A_145 = tpu.memref_slice %arg3[%multiple_of3A_57] : memref<786432xi32, #tpu.memory_space<hbm>> -> memref<2048xi32, #tpu.memory_space<hbm>>
      %dma_start3A_146 = tpu.memref_slice %arg3[%multiple_of3A_57] : memref<786432xi32, #tpu.memory_space<hbm>> -> memref<2048xi32, #tpu.memory_space<hbm>>
      tpu.enqueue_dma source(%dma_start3A_146 : memref<2048xi32, #tpu.memory_space<hbm>>) target(%arg6 : memref<2048xi32, #tpu.memory_space<vmem>>) target_semaphore(%run_scoped3A : memref<!tpu.dma_semaphore, #tpu.memory_space<semaphore_mem>>)
      %dma_wait3A_147 = tpu.memref_slice %arg3[%multiple_of3A_57] : memref<786432xi32, #tpu.memory_space<hbm>> -> memref<2048xi32, #tpu.memory_space<hbm>>
      %dma_wait3A_148 = tpu.memref_slice %arg3[%multiple_of3A_57] : memref<786432xi32, #tpu.memory_space<hbm>> -> memref<2048xi32, #tpu.memory_space<hbm>>
      tpu.wait_dma2 semaphore(%run_scoped3A : memref<!tpu.dma_semaphore, #tpu.memory_space<semaphore_mem>>) src(%dma_wait3A_148 : memref<2048xi32, #tpu.memory_space<hbm>>) dst(%arg6 : memref<2048xi32, #tpu.memory_space<vmem>>)
      tpu.yield
    }) : () -> ()
    %dma_start3A_58 = arith.constant 0 : i32
    %dma_start3A_59 = arith.constant 0 : i32
    %dma_start3A_60 = tpu.memref_slice %arg2[%dma_start3A_58, %dma_start3A_59] : memref<4096x16xf32, #tpu.memory_space<hbm>> -> memref<4096x16xf32, #tpu.memory_space<hbm>>
    tpu.enqueue_indirect_dma source(%dma_start3A_60 : memref<4096x16xf32, #tpu.memory_space<hbm>>) target(%arg8 : memref<2048x16xf32, #tpu.memory_space<vmem>>) offsets(%arg6 : memref<2048xi32, #tpu.memory_space<vmem>>) semaphore(%arg10 : memref<!tpu.dma_semaphore, #tpu.memory_space<semaphore_mem>>)
    %dma_wait3A_61 = arith.constant 0 : i32
    %dma_wait3A_62 = arith.constant 0 : i32
    %dma_wait3A_63 = tpu.memref_slice %arg2[%dma_wait3A_61, %dma_wait3A_62] : memref<4096x16xf32, #tpu.memory_space<hbm>> -> memref<4096x16xf32, #tpu.memory_space<hbm>>
    tpu.wait_indirect_dma semaphore(%arg9 : memref<!tpu.dma_semaphore, #tpu.memory_space<semaphore_mem>>) src(%dma_wait3A_63 : memref<4096x16xf32, #tpu.memory_space<hbm>>) dst(%arg7 : memref<2048x16xf32, #tpu.memory_space<vmem>>)
    %add3A_64 = arith.constant 8192 : i32
    %add3A_65 = arith.addi %multiple_of3A, %add3A_64 : i32
    %multiple_of3A_66 = tpu.assume_multiple %add3A_65, 8 : i32
    "tpu.region"() ({
      %run_scoped3A = tpu.sem_alloc : memref<!tpu.dma_semaphore, #tpu.memory_space<semaphore_mem>>
      %dma_start3A_145 = arith.constant 0 : i32
      %dma_start3A_146 = tpu.memref_slice %arg4[%multiple_of3A_66, %dma_start3A_145] : memref<786432x16xf32, #tpu.memory_space<hbm>> -> memref<2048x16xf32, #tpu.memory_space<hbm>>
      %dma_start3A_147 = arith.constant 0 : i32
      %dma_start3A_148 = tpu.memref_slice %arg4[%multiple_of3A_66, %dma_start3A_147] : memref<786432x16xf32, #tpu.memory_space<hbm>> -> memref<2048x16xf32, #tpu.memory_space<hbm>>
      tpu.enqueue_dma source(%arg7 : memref<2048x16xf32, #tpu.memory_space<vmem>>) target(%dma_start3A_148 : memref<2048x16xf32, #tpu.memory_space<hbm>>) target_semaphore(%run_scoped3A : memref<!tpu.dma_semaphore, #tpu.memory_space<semaphore_mem>>)
      %dma_wait3A_149 = arith.constant 0 : i32
      %dma_wait3A_150 = tpu.memref_slice %arg4[%multiple_of3A_66, %dma_wait3A_149] : memref<786432x16xf32, #tpu.memory_space<hbm>> -> memref<2048x16xf32, #tpu.memory_space<hbm>>
      %dma_wait3A_151 = arith.constant 0 : i32
      %dma_wait3A_152 = tpu.memref_slice %arg4[%multiple_of3A_66, %dma_wait3A_151] : memref<786432x16xf32, #tpu.memory_space<hbm>> -> memref<2048x16xf32, #tpu.memory_space<hbm>>
      tpu.wait_dma2 semaphore(%run_scoped3A : memref<!tpu.dma_semaphore, #tpu.memory_space<semaphore_mem>>) src(%arg7 : memref<2048x16xf32, #tpu.memory_space<vmem>>) dst(%dma_wait3A_152 : memref<2048x16xf32, #tpu.memory_space<hbm>>)
      tpu.yield
    }) : () -> ()
    %add3A_67 = arith.constant 12288 : i32
    %add3A_68 = arith.addi %multiple_of3A, %add3A_67 : i32
    %multiple_of3A_69 = tpu.assume_multiple %add3A_68, 8 : i32
    "tpu.region"() ({
      %run_scoped3A = tpu.sem_alloc : memref<!tpu.dma_semaphore, #tpu.memory_space<semaphore_mem>>
      %dma_start3A_145 = tpu.memref_slice %arg3[%multiple_of3A_69] : memref<786432xi32, #tpu.memory_space<hbm>> -> memref<2048xi32, #tpu.memory_space<hbm>>
      %dma_start3A_146 = tpu.memref_slice %arg3[%multiple_of3A_69] : memref<786432xi32, #tpu.memory_space<hbm>> -> memref<2048xi32, #tpu.memory_space<hbm>>
      tpu.enqueue_dma source(%dma_start3A_146 : memref<2048xi32, #tpu.memory_space<hbm>>) target(%arg5 : memref<2048xi32, #tpu.memory_space<vmem>>) target_semaphore(%run_scoped3A : memref<!tpu.dma_semaphore, #tpu.memory_space<semaphore_mem>>)
      %dma_wait3A_147 = tpu.memref_slice %arg3[%multiple_of3A_69] : memref<786432xi32, #tpu.memory_space<hbm>> -> memref<2048xi32, #tpu.memory_space<hbm>>
      %dma_wait3A_148 = tpu.memref_slice %arg3[%multiple_of3A_69] : memref<786432xi32, #tpu.memory_space<hbm>> -> memref<2048xi32, #tpu.memory_space<hbm>>
      tpu.wait_dma2 semaphore(%run_scoped3A : memref<!tpu.dma_semaphore, #tpu.memory_space<semaphore_mem>>) src(%dma_wait3A_148 : memref<2048xi32, #tpu.memory_space<hbm>>) dst(%arg5 : memref<2048xi32, #tpu.memory_space<vmem>>)
      tpu.yield
    }) : () -> ()
    %dma_start3A_70 = arith.constant 0 : i32
    %dma_start3A_71 = arith.constant 0 : i32
    %dma_start3A_72 = tpu.memref_slice %arg2[%dma_start3A_70, %dma_start3A_71] : memref<4096x16xf32, #tpu.memory_space<hbm>> -> memref<4096x16xf32, #tpu.memory_space<hbm>>
    tpu.enqueue_indirect_dma source(%dma_start3A_72 : memref<4096x16xf32, #tpu.memory_space<hbm>>) target(%arg7 : memref<2048x16xf32, #tpu.memory_space<vmem>>) offsets(%arg5 : memref<2048xi32, #tpu.memory_space<vmem>>) semaphore(%arg9 : memref<!tpu.dma_semaphore, #tpu.memory_space<semaphore_mem>>)
    %dma_wait3A_73 = arith.constant 0 : i32
    %dma_wait3A_74 = arith.constant 0 : i32
    %dma_wait3A_75 = tpu.memref_slice %arg2[%dma_wait3A_73, %dma_wait3A_74] : memref<4096x16xf32, #tpu.memory_space<hbm>> -> memref<4096x16xf32, #tpu.memory_space<hbm>>
    tpu.wait_indirect_dma semaphore(%arg10 : memref<!tpu.dma_semaphore, #tpu.memory_space<semaphore_mem>>) src(%dma_wait3A_75 : memref<4096x16xf32, #tpu.memory_space<hbm>>) dst(%arg8 : memref<2048x16xf32, #tpu.memory_space<vmem>>)
    %add3A_76 = arith.constant 10240 : i32
    %add3A_77 = arith.addi %multiple_of3A, %add3A_76 : i32
    %multiple_of3A_78 = tpu.assume_multiple %add3A_77, 8 : i32
    "tpu.region"() ({
      %run_scoped3A = tpu.sem_alloc : memref<!tpu.dma_semaphore, #tpu.memory_space<semaphore_mem>>
      %dma_start3A_145 = arith.constant 0 : i32
      %dma_start3A_146 = tpu.memref_slice %arg4[%multiple_of3A_78, %dma_start3A_145] : memref<786432x16xf32, #tpu.memory_space<hbm>> -> memref<2048x16xf32, #tpu.memory_space<hbm>>
      %dma_start3A_147 = arith.constant 0 : i32
      %dma_start3A_148 = tpu.memref_slice %arg4[%multiple_of3A_78, %dma_start3A_147] : memref<786432x16xf32, #tpu.memory_space<hbm>> -> memref<2048x16xf32, #tpu.memory_space<hbm>>
      tpu.enqueue_dma source(%arg8 : memref<2048x16xf32, #tpu.memory_space<vmem>>) target(%dma_start3A_148 : memref<2048x16xf32, #tpu.memory_space<hbm>>) target_semaphore(%run_scoped3A : memref<!tpu.dma_semaphore, #tpu.memory_space<semaphore_mem>>)
      %dma_wait3A_149 = arith.constant 0 : i32
      %dma_wait3A_150 = tpu.memref_slice %arg4[%multiple_of3A_78, %dma_wait3A_149] : memref<786432x16xf32, #tpu.memory_space<hbm>> -> memref<2048x16xf32, #tpu.memory_space<hbm>>
      %dma_wait3A_151 = arith.constant 0 : i32
      %dma_wait3A_152 = tpu.memref_slice %arg4[%multiple_of3A_78, %dma_wait3A_151] : memref<786432x16xf32, #tpu.memory_space<hbm>> -> memref<2048x16xf32, #tpu.memory_space<hbm>>
      tpu.wait_dma2 semaphore(%run_scoped3A : memref<!tpu.dma_semaphore, #tpu.memory_space<semaphore_mem>>) src(%arg8 : memref<2048x16xf32, #tpu.memory_space<vmem>>) dst(%dma_wait3A_152 : memref<2048x16xf32, #tpu.memory_space<hbm>>)
      tpu.yield
    }) : () -> ()
    %add3A_79 = arith.constant 14336 : i32
    %add3A_80 = arith.addi %multiple_of3A, %add3A_79 : i32
    %multiple_of3A_81 = tpu.assume_multiple %add3A_80, 8 : i32
    "tpu.region"() ({
      %run_scoped3A = tpu.sem_alloc : memref<!tpu.dma_semaphore, #tpu.memory_space<semaphore_mem>>
      %dma_start3A_145 = tpu.memref_slice %arg3[%multiple_of3A_81] : memref<786432xi32, #tpu.memory_space<hbm>> -> memref<2048xi32, #tpu.memory_space<hbm>>
      %dma_start3A_146 = tpu.memref_slice %arg3[%multiple_of3A_81] : memref<786432xi32, #tpu.memory_space<hbm>> -> memref<2048xi32, #tpu.memory_space<hbm>>
      tpu.enqueue_dma source(%dma_start3A_146 : memref<2048xi32, #tpu.memory_space<hbm>>) target(%arg6 : memref<2048xi32, #tpu.memory_space<vmem>>) target_semaphore(%run_scoped3A : memref<!tpu.dma_semaphore, #tpu.memory_space<semaphore_mem>>)
      %dma_wait3A_147 = tpu.memref_slice %arg3[%multiple_of3A_81] : memref<786432xi32, #tpu.memory_space<hbm>> -> memref<2048xi32, #tpu.memory_space<hbm>>
      %dma_wait3A_148 = tpu.memref_slice %arg3[%multiple_of3A_81] : memref<786432xi32, #tpu.memory_space<hbm>> -> memref<2048xi32, #tpu.memory_space<hbm>>
      tpu.wait_dma2 semaphore(%run_scoped3A : memref<!tpu.dma_semaphore, #tpu.memory_space<semaphore_mem>>) src(%dma_wait3A_148 : memref<2048xi32, #tpu.memory_space<hbm>>) dst(%arg6 : memref<2048xi32, #tpu.memory_space<vmem>>)
      tpu.yield
    }) : () -> ()
    %dma_start3A_82 = arith.constant 0 : i32
    %dma_start3A_83 = arith.constant 0 : i32
    %dma_start3A_84 = tpu.memref_slice %arg2[%dma_start3A_82, %dma_start3A_83] : memref<4096x16xf32, #tpu.memory_space<hbm>> -> memref<4096x16xf32, #tpu.memory_space<hbm>>
    tpu.enqueue_indirect_dma source(%dma_start3A_84 : memref<4096x16xf32, #tpu.memory_space<hbm>>) target(%arg8 : memref<2048x16xf32, #tpu.memory_space<vmem>>) offsets(%arg6 : memref<2048xi32, #tpu.memory_space<vmem>>) semaphore(%arg10 : memref<!tpu.dma_semaphore, #tpu.memory_space<semaphore_mem>>)
    %dma_wait3A_85 = arith.constant 0 : i32
    %dma_wait3A_86 = arith.constant 0 : i32
    %dma_wait3A_87 = tpu.memref_slice %arg2[%dma_wait3A_85, %dma_wait3A_86] : memref<4096x16xf32, #tpu.memory_space<hbm>> -> memref<4096x16xf32, #tpu.memory_space<hbm>>
    tpu.wait_indirect_dma semaphore(%arg9 : memref<!tpu.dma_semaphore, #tpu.memory_space<semaphore_mem>>) src(%dma_wait3A_87 : memref<4096x16xf32, #tpu.memory_space<hbm>>) dst(%arg7 : memref<2048x16xf32, #tpu.memory_space<vmem>>)
    %add3A_88 = arith.constant 12288 : i32
    %add3A_89 = arith.addi %multiple_of3A, %add3A_88 : i32
    %multiple_of3A_90 = tpu.assume_multiple %add3A_89, 8 : i32
    "tpu.region"() ({
      %run_scoped3A = tpu.sem_alloc : memref<!tpu.dma_semaphore, #tpu.memory_space<semaphore_mem>>
      %dma_start3A_145 = arith.constant 0 : i32
      %dma_start3A_146 = tpu.memref_slice %arg4[%multiple_of3A_90, %dma_start3A_145] : memref<786432x16xf32, #tpu.memory_space<hbm>> -> memref<2048x16xf32, #tpu.memory_space<hbm>>
      %dma_start3A_147 = arith.constant 0 : i32
      %dma_start3A_148 = tpu.memref_slice %arg4[%multiple_of3A_90, %dma_start3A_147] : memref<786432x16xf32, #tpu.memory_space<hbm>> -> memref<2048x16xf32, #tpu.memory_space<hbm>>
      tpu.enqueue_dma source(%arg7 : memref<2048x16xf32, #tpu.memory_space<vmem>>) target(%dma_start3A_148 : memref<2048x16xf32, #tpu.memory_space<hbm>>) target_semaphore(%run_scoped3A : memref<!tpu.dma_semaphore, #tpu.memory_space<semaphore_mem>>)
      %dma_wait3A_149 = arith.constant 0 : i32
      %dma_wait3A_150 = tpu.memref_slice %arg4[%multiple_of3A_90, %dma_wait3A_149] : memref<786432x16xf32, #tpu.memory_space<hbm>> -> memref<2048x16xf32, #tpu.memory_space<hbm>>
      %dma_wait3A_151 = arith.constant 0 : i32
      %dma_wait3A_152 = tpu.memref_slice %arg4[%multiple_of3A_90, %dma_wait3A_151] : memref<786432x16xf32, #tpu.memory_space<hbm>> -> memref<2048x16xf32, #tpu.memory_space<hbm>>
      tpu.wait_dma2 semaphore(%run_scoped3A : memref<!tpu.dma_semaphore, #tpu.memory_space<semaphore_mem>>) src(%arg7 : memref<2048x16xf32, #tpu.memory_space<vmem>>) dst(%dma_wait3A_152 : memref<2048x16xf32, #tpu.memory_space<hbm>>)
      tpu.yield
    }) : () -> ()
    %add3A_91 = arith.constant 16384 : i32
    %add3A_92 = arith.addi %multiple_of3A, %add3A_91 : i32
    %multiple_of3A_93 = tpu.assume_multiple %add3A_92, 8 : i32
    "tpu.region"() ({
      %run_scoped3A = tpu.sem_alloc : memref<!tpu.dma_semaphore, #tpu.memory_space<semaphore_mem>>
      %dma_start3A_145 = tpu.memref_slice %arg3[%multiple_of3A_93] : memref<786432xi32, #tpu.memory_space<hbm>> -> memref<2048xi32, #tpu.memory_space<hbm>>
      %dma_start3A_146 = tpu.memref_slice %arg3[%multiple_of3A_93] : memref<786432xi32, #tpu.memory_space<hbm>> -> memref<2048xi32, #tpu.memory_space<hbm>>
      tpu.enqueue_dma source(%dma_start3A_146 : memref<2048xi32, #tpu.memory_space<hbm>>) target(%arg5 : memref<2048xi32, #tpu.memory_space<vmem>>) target_semaphore(%run_scoped3A : memref<!tpu.dma_semaphore, #tpu.memory_space<semaphore_mem>>)
      %dma_wait3A_147 = tpu.memref_slice %arg3[%multiple_of3A_93] : memref<786432xi32, #tpu.memory_space<hbm>> -> memref<2048xi32, #tpu.memory_space<hbm>>
      %dma_wait3A_148 = tpu.memref_slice %arg3[%multiple_of3A_93] : memref<786432xi32, #tpu.memory_space<hbm>> -> memref<2048xi32, #tpu.memory_space<hbm>>
      tpu.wait_dma2 semaphore(%run_scoped3A : memref<!tpu.dma_semaphore, #tpu.memory_space<semaphore_mem>>) src(%dma_wait3A_148 : memref<2048xi32, #tpu.memory_space<hbm>>) dst(%arg5 : memref<2048xi32, #tpu.memory_space<vmem>>)
      tpu.yield
    }) : () -> ()
    %dma_start3A_94 = arith.constant 0 : i32
    %dma_start3A_95 = arith.constant 0 : i32
    %dma_start3A_96 = tpu.memref_slice %arg2[%dma_start3A_94, %dma_start3A_95] : memref<4096x16xf32, #tpu.memory_space<hbm>> -> memref<4096x16xf32, #tpu.memory_space<hbm>>
    tpu.enqueue_indirect_dma source(%dma_start3A_96 : memref<4096x16xf32, #tpu.memory_space<hbm>>) target(%arg7 : memref<2048x16xf32, #tpu.memory_space<vmem>>) offsets(%arg5 : memref<2048xi32, #tpu.memory_space<vmem>>) semaphore(%arg9 : memref<!tpu.dma_semaphore, #tpu.memory_space<semaphore_mem>>)
    %dma_wait3A_97 = arith.constant 0 : i32
    %dma_wait3A_98 = arith.constant 0 : i32
    %dma_wait3A_99 = tpu.memref_slice %arg2[%dma_wait3A_97, %dma_wait3A_98] : memref<4096x16xf32, #tpu.memory_space<hbm>> -> memref<4096x16xf32, #tpu.memory_space<hbm>>
    tpu.wait_indirect_dma semaphore(%arg10 : memref<!tpu.dma_semaphore, #tpu.memory_space<semaphore_mem>>) src(%dma_wait3A_99 : memref<4096x16xf32, #tpu.memory_space<hbm>>) dst(%arg8 : memref<2048x16xf32, #tpu.memory_space<vmem>>)
    %add3A_100 = arith.constant 14336 : i32
    %add3A_101 = arith.addi %multiple_of3A, %add3A_100 : i32
    %multiple_of3A_102 = tpu.assume_multiple %add3A_101, 8 : i32
    "tpu.region"() ({
      %run_scoped3A = tpu.sem_alloc : memref<!tpu.dma_semaphore, #tpu.memory_space<semaphore_mem>>
      %dma_start3A_145 = arith.constant 0 : i32
      %dma_start3A_146 = tpu.memref_slice %arg4[%multiple_of3A_102, %dma_start3A_145] : memref<786432x16xf32, #tpu.memory_space<hbm>> -> memref<2048x16xf32, #tpu.memory_space<hbm>>
      %dma_start3A_147 = arith.constant 0 : i32
      %dma_start3A_148 = tpu.memref_slice %arg4[%multiple_of3A_102, %dma_start3A_147] : memref<786432x16xf32, #tpu.memory_space<hbm>> -> memref<2048x16xf32, #tpu.memory_space<hbm>>
      tpu.enqueue_dma source(%arg8 : memref<2048x16xf32, #tpu.memory_space<vmem>>) target(%dma_start3A_148 : memref<2048x16xf32, #tpu.memory_space<hbm>>) target_semaphore(%run_scoped3A : memref<!tpu.dma_semaphore, #tpu.memory_space<semaphore_mem>>)
      %dma_wait3A_149 = arith.constant 0 : i32
      %dma_wait3A_150 = tpu.memref_slice %arg4[%multiple_of3A_102, %dma_wait3A_149] : memref<786432x16xf32, #tpu.memory_space<hbm>> -> memref<2048x16xf32, #tpu.memory_space<hbm>>
      %dma_wait3A_151 = arith.constant 0 : i32
      %dma_wait3A_152 = tpu.memref_slice %arg4[%multiple_of3A_102, %dma_wait3A_151] : memref<786432x16xf32, #tpu.memory_space<hbm>> -> memref<2048x16xf32, #tpu.memory_space<hbm>>
      tpu.wait_dma2 semaphore(%run_scoped3A : memref<!tpu.dma_semaphore, #tpu.memory_space<semaphore_mem>>) src(%arg8 : memref<2048x16xf32, #tpu.memory_space<vmem>>) dst(%dma_wait3A_152 : memref<2048x16xf32, #tpu.memory_space<hbm>>)
      tpu.yield
    }) : () -> ()
    %add3A_103 = arith.constant 18432 : i32
    %add3A_104 = arith.addi %multiple_of3A, %add3A_103 : i32
    %multiple_of3A_105 = tpu.assume_multiple %add3A_104, 8 : i32
    "tpu.region"() ({
      %run_scoped3A = tpu.sem_alloc : memref<!tpu.dma_semaphore, #tpu.memory_space<semaphore_mem>>
      %dma_start3A_145 = tpu.memref_slice %arg3[%multiple_of3A_105] : memref<786432xi32, #tpu.memory_space<hbm>> -> memref<2048xi32, #tpu.memory_space<hbm>>
      %dma_start3A_146 = tpu.memref_slice %arg3[%multiple_of3A_105] : memref<786432xi32, #tpu.memory_space<hbm>> -> memref<2048xi32, #tpu.memory_space<hbm>>
      tpu.enqueue_dma source(%dma_start3A_146 : memref<2048xi32, #tpu.memory_space<hbm>>) target(%arg6 : memref<2048xi32, #tpu.memory_space<vmem>>) target_semaphore(%run_scoped3A : memref<!tpu.dma_semaphore, #tpu.memory_space<semaphore_mem>>)
      %dma_wait3A_147 = tpu.memref_slice %arg3[%multiple_of3A_105] : memref<786432xi32, #tpu.memory_space<hbm>> -> memref<2048xi32, #tpu.memory_space<hbm>>
      %dma_wait3A_148 = tpu.memref_slice %arg3[%multiple_of3A_105] : memref<786432xi32, #tpu.memory_space<hbm>> -> memref<2048xi32, #tpu.memory_space<hbm>>
      tpu.wait_dma2 semaphore(%run_scoped3A : memref<!tpu.dma_semaphore, #tpu.memory_space<semaphore_mem>>) src(%dma_wait3A_148 : memref<2048xi32, #tpu.memory_space<hbm>>) dst(%arg6 : memref<2048xi32, #tpu.memory_space<vmem>>)
      tpu.yield
    }) : () -> ()
    %dma_start3A_106 = arith.constant 0 : i32
    %dma_start3A_107 = arith.constant 0 : i32
    %dma_start3A_108 = tpu.memref_slice %arg2[%dma_start3A_106, %dma_start3A_107] : memref<4096x16xf32, #tpu.memory_space<hbm>> -> memref<4096x16xf32, #tpu.memory_space<hbm>>
    tpu.enqueue_indirect_dma source(%dma_start3A_108 : memref<4096x16xf32, #tpu.memory_space<hbm>>) target(%arg8 : memref<2048x16xf32, #tpu.memory_space<vmem>>) offsets(%arg6 : memref<2048xi32, #tpu.memory_space<vmem>>) semaphore(%arg10 : memref<!tpu.dma_semaphore, #tpu.memory_space<semaphore_mem>>)
    %dma_wait3A_109 = arith.constant 0 : i32
    %dma_wait3A_110 = arith.constant 0 : i32
    %dma_wait3A_111 = tpu.memref_slice %arg2[%dma_wait3A_109, %dma_wait3A_110] : memref<4096x16xf32, #tpu.memory_space<hbm>> -> memref<4096x16xf32, #tpu.memory_space<hbm>>
    tpu.wait_indirect_dma semaphore(%arg9 : memref<!tpu.dma_semaphore, #tpu.memory_space<semaphore_mem>>) src(%dma_wait3A_111 : memref<4096x16xf32, #tpu.memory_space<hbm>>) dst(%arg7 : memref<2048x16xf32, #tpu.memory_space<vmem>>)
    %add3A_112 = arith.constant 16384 : i32
    %add3A_113 = arith.addi %multiple_of3A, %add3A_112 : i32
    %multiple_of3A_114 = tpu.assume_multiple %add3A_113, 8 : i32
    "tpu.region"() ({
      %run_scoped3A = tpu.sem_alloc : memref<!tpu.dma_semaphore, #tpu.memory_space<semaphore_mem>>
      %dma_start3A_145 = arith.constant 0 : i32
      %dma_start3A_146 = tpu.memref_slice %arg4[%multiple_of3A_114, %dma_start3A_145] : memref<786432x16xf32, #tpu.memory_space<hbm>> -> memref<2048x16xf32, #tpu.memory_space<hbm>>
      %dma_start3A_147 = arith.constant 0 : i32
      %dma_start3A_148 = tpu.memref_slice %arg4[%multiple_of3A_114, %dma_start3A_147] : memref<786432x16xf32, #tpu.memory_space<hbm>> -> memref<2048x16xf32, #tpu.memory_space<hbm>>
      tpu.enqueue_dma source(%arg7 : memref<2048x16xf32, #tpu.memory_space<vmem>>) target(%dma_start3A_148 : memref<2048x16xf32, #tpu.memory_space<hbm>>) target_semaphore(%run_scoped3A : memref<!tpu.dma_semaphore, #tpu.memory_space<semaphore_mem>>)
      %dma_wait3A_149 = arith.constant 0 : i32
      %dma_wait3A_150 = tpu.memref_slice %arg4[%multiple_of3A_114, %dma_wait3A_149] : memref<786432x16xf32, #tpu.memory_space<hbm>> -> memref<2048x16xf32, #tpu.memory_space<hbm>>
      %dma_wait3A_151 = arith.constant 0 : i32
      %dma_wait3A_152 = tpu.memref_slice %arg4[%multiple_of3A_114, %dma_wait3A_151] : memref<786432x16xf32, #tpu.memory_space<hbm>> -> memref<2048x16xf32, #tpu.memory_space<hbm>>
      tpu.wait_dma2 semaphore(%run_scoped3A : memref<!tpu.dma_semaphore, #tpu.memory_space<semaphore_mem>>) src(%arg7 : memref<2048x16xf32, #tpu.memory_space<vmem>>) dst(%dma_wait3A_152 : memref<2048x16xf32, #tpu.memory_space<hbm>>)
      tpu.yield
    }) : () -> ()
    %add3A_115 = arith.constant 20480 : i32
    %add3A_116 = arith.addi %multiple_of3A, %add3A_115 : i32
    %multiple_of3A_117 = tpu.assume_multiple %add3A_116, 8 : i32
    "tpu.region"() ({
      %run_scoped3A = tpu.sem_alloc : memref<!tpu.dma_semaphore, #tpu.memory_space<semaphore_mem>>
      %dma_start3A_145 = tpu.memref_slice %arg3[%multiple_of3A_117] : memref<786432xi32, #tpu.memory_space<hbm>> -> memref<2048xi32, #tpu.memory_space<hbm>>
      %dma_start3A_146 = tpu.memref_slice %arg3[%multiple_of3A_117] : memref<786432xi32, #tpu.memory_space<hbm>> -> memref<2048xi32, #tpu.memory_space<hbm>>
      tpu.enqueue_dma source(%dma_start3A_146 : memref<2048xi32, #tpu.memory_space<hbm>>) target(%arg5 : memref<2048xi32, #tpu.memory_space<vmem>>) target_semaphore(%run_scoped3A : memref<!tpu.dma_semaphore, #tpu.memory_space<semaphore_mem>>)
      %dma_wait3A_147 = tpu.memref_slice %arg3[%multiple_of3A_117] : memref<786432xi32, #tpu.memory_space<hbm>> -> memref<2048xi32, #tpu.memory_space<hbm>>
      %dma_wait3A_148 = tpu.memref_slice %arg3[%multiple_of3A_117] : memref<786432xi32, #tpu.memory_space<hbm>> -> memref<2048xi32, #tpu.memory_space<hbm>>
      tpu.wait_dma2 semaphore(%run_scoped3A : memref<!tpu.dma_semaphore, #tpu.memory_space<semaphore_mem>>) src(%dma_wait3A_148 : memref<2048xi32, #tpu.memory_space<hbm>>) dst(%arg5 : memref<2048xi32, #tpu.memory_space<vmem>>)
      tpu.yield
    }) : () -> ()
    %dma_start3A_118 = arith.constant 0 : i32
    %dma_start3A_119 = arith.constant 0 : i32
    %dma_start3A_120 = tpu.memref_slice %arg2[%dma_start3A_118, %dma_start3A_119] : memref<4096x16xf32, #tpu.memory_space<hbm>> -> memref<4096x16xf32, #tpu.memory_space<hbm>>
    tpu.enqueue_indirect_dma source(%dma_start3A_120 : memref<4096x16xf32, #tpu.memory_space<hbm>>) target(%arg7 : memref<2048x16xf32, #tpu.memory_space<vmem>>) offsets(%arg5 : memref<2048xi32, #tpu.memory_space<vmem>>) semaphore(%arg9 : memref<!tpu.dma_semaphore, #tpu.memory_space<semaphore_mem>>)
    %dma_wait3A_121 = arith.constant 0 : i32
    %dma_wait3A_122 = arith.constant 0 : i32
    %dma_wait3A_123 = tpu.memref_slice %arg2[%dma_wait3A_121, %dma_wait3A_122] : memref<4096x16xf32, #tpu.memory_space<hbm>> -> memref<4096x16xf32, #tpu.memory_space<hbm>>
    tpu.wait_indirect_dma semaphore(%arg10 : memref<!tpu.dma_semaphore, #tpu.memory_space<semaphore_mem>>) src(%dma_wait3A_123 : memref<4096x16xf32, #tpu.memory_space<hbm>>) dst(%arg8 : memref<2048x16xf32, #tpu.memory_space<vmem>>)
    %add3A_124 = arith.constant 18432 : i32
    %add3A_125 = arith.addi %multiple_of3A, %add3A_124 : i32
    %multiple_of3A_126 = tpu.assume_multiple %add3A_125, 8 : i32
    "tpu.region"() ({
      %run_scoped3A = tpu.sem_alloc : memref<!tpu.dma_semaphore, #tpu.memory_space<semaphore_mem>>
      %dma_start3A_145 = arith.constant 0 : i32
      %dma_start3A_146 = tpu.memref_slice %arg4[%multiple_of3A_126, %dma_start3A_145] : memref<786432x16xf32, #tpu.memory_space<hbm>> -> memref<2048x16xf32, #tpu.memory_space<hbm>>
      %dma_start3A_147 = arith.constant 0 : i32
      %dma_start3A_148 = tpu.memref_slice %arg4[%multiple_of3A_126, %dma_start3A_147] : memref<786432x16xf32, #tpu.memory_space<hbm>> -> memref<2048x16xf32, #tpu.memory_space<hbm>>
      tpu.enqueue_dma source(%arg8 : memref<2048x16xf32, #tpu.memory_space<vmem>>) target(%dma_start3A_148 : memref<2048x16xf32, #tpu.memory_space<hbm>>) target_semaphore(%run_scoped3A : memref<!tpu.dma_semaphore, #tpu.memory_space<semaphore_mem>>)
      %dma_wait3A_149 = arith.constant 0 : i32
      %dma_wait3A_150 = tpu.memref_slice %arg4[%multiple_of3A_126, %dma_wait3A_149] : memref<786432x16xf32, #tpu.memory_space<hbm>> -> memref<2048x16xf32, #tpu.memory_space<hbm>>
      %dma_wait3A_151 = arith.constant 0 : i32
      %dma_wait3A_152 = tpu.memref_slice %arg4[%multiple_of3A_126, %dma_wait3A_151] : memref<786432x16xf32, #tpu.memory_space<hbm>> -> memref<2048x16xf32, #tpu.memory_space<hbm>>
      tpu.wait_dma2 semaphore(%run_scoped3A : memref<!tpu.dma_semaphore, #tpu.memory_space<semaphore_mem>>) src(%arg8 : memref<2048x16xf32, #tpu.memory_space<vmem>>) dst(%dma_wait3A_152 : memref<2048x16xf32, #tpu.memory_space<hbm>>)
      tpu.yield
    }) : () -> ()
    %add3A_127 = arith.constant 22528 : i32
    %add3A_128 = arith.addi %multiple_of3A, %add3A_127 : i32
    %multiple_of3A_129 = tpu.assume_multiple %add3A_128, 8 : i32
    "tpu.region"() ({
      %run_scoped3A = tpu.sem_alloc : memref<!tpu.dma_semaphore, #tpu.memory_space<semaphore_mem>>
      %dma_start3A_145 = tpu.memref_slice %arg3[%multiple_of3A_129] : memref<786432xi32, #tpu.memory_space<hbm>> -> memref<2048xi32, #tpu.memory_space<hbm>>
      %dma_start3A_146 = tpu.memref_slice %arg3[%multiple_of3A_129] : memref<786432xi32, #tpu.memory_space<hbm>> -> memref<2048xi32, #tpu.memory_space<hbm>>
      tpu.enqueue_dma source(%dma_start3A_146 : memref<2048xi32, #tpu.memory_space<hbm>>) target(%arg6 : memref<2048xi32, #tpu.memory_space<vmem>>) target_semaphore(%run_scoped3A : memref<!tpu.dma_semaphore, #tpu.memory_space<semaphore_mem>>)
      %dma_wait3A_147 = tpu.memref_slice %arg3[%multiple_of3A_129] : memref<786432xi32, #tpu.memory_space<hbm>> -> memref<2048xi32, #tpu.memory_space<hbm>>
      %dma_wait3A_148 = tpu.memref_slice %arg3[%multiple_of3A_129] : memref<786432xi32, #tpu.memory_space<hbm>> -> memref<2048xi32, #tpu.memory_space<hbm>>
      tpu.wait_dma2 semaphore(%run_scoped3A : memref<!tpu.dma_semaphore, #tpu.memory_space<semaphore_mem>>) src(%dma_wait3A_148 : memref<2048xi32, #tpu.memory_space<hbm>>) dst(%arg6 : memref<2048xi32, #tpu.memory_space<vmem>>)
      tpu.yield
    }) : () -> ()
    %dma_start3A_130 = arith.constant 0 : i32
    %dma_start3A_131 = arith.constant 0 : i32
    %dma_start3A_132 = tpu.memref_slice %arg2[%dma_start3A_130, %dma_start3A_131] : memref<4096x16xf32, #tpu.memory_space<hbm>> -> memref<4096x16xf32, #tpu.memory_space<hbm>>
    tpu.enqueue_indirect_dma source(%dma_start3A_132 : memref<4096x16xf32, #tpu.memory_space<hbm>>) target(%arg8 : memref<2048x16xf32, #tpu.memory_space<vmem>>) offsets(%arg6 : memref<2048xi32, #tpu.memory_space<vmem>>) semaphore(%arg10 : memref<!tpu.dma_semaphore, #tpu.memory_space<semaphore_mem>>)
    %dma_wait3A_133 = arith.constant 0 : i32
    %dma_wait3A_134 = arith.constant 0 : i32
    %dma_wait3A_135 = tpu.memref_slice %arg2[%dma_wait3A_133, %dma_wait3A_134] : memref<4096x16xf32, #tpu.memory_space<hbm>> -> memref<4096x16xf32, #tpu.memory_space<hbm>>
    tpu.wait_indirect_dma semaphore(%arg9 : memref<!tpu.dma_semaphore, #tpu.memory_space<semaphore_mem>>) src(%dma_wait3A_135 : memref<4096x16xf32, #tpu.memory_space<hbm>>) dst(%arg7 : memref<2048x16xf32, #tpu.memory_space<vmem>>)
    %add3A_136 = arith.constant 20480 : i32
    %add3A_137 = arith.addi %multiple_of3A, %add3A_136 : i32
    %multiple_of3A_138 = tpu.assume_multiple %add3A_137, 8 : i32
    "tpu.region"() ({
      %run_scoped3A = tpu.sem_alloc : memref<!tpu.dma_semaphore, #tpu.memory_space<semaphore_mem>>
      %dma_start3A_145 = arith.constant 0 : i32
      %dma_start3A_146 = tpu.memref_slice %arg4[%multiple_of3A_138, %dma_start3A_145] : memref<786432x16xf32, #tpu.memory_space<hbm>> -> memref<2048x16xf32, #tpu.memory_space<hbm>>
      %dma_start3A_147 = arith.constant 0 : i32
      %dma_start3A_148 = tpu.memref_slice %arg4[%multiple_of3A_138, %dma_start3A_147] : memref<786432x16xf32, #tpu.memory_space<hbm>> -> memref<2048x16xf32, #tpu.memory_space<hbm>>
      tpu.enqueue_dma source(%arg7 : memref<2048x16xf32, #tpu.memory_space<vmem>>) target(%dma_start3A_148 : memref<2048x16xf32, #tpu.memory_space<hbm>>) target_semaphore(%run_scoped3A : memref<!tpu.dma_semaphore, #tpu.memory_space<semaphore_mem>>)
      %dma_wait3A_149 = arith.constant 0 : i32
      %dma_wait3A_150 = tpu.memref_slice %arg4[%multiple_of3A_138, %dma_wait3A_149] : memref<786432x16xf32, #tpu.memory_space<hbm>> -> memref<2048x16xf32, #tpu.memory_space<hbm>>
      %dma_wait3A_151 = arith.constant 0 : i32
      %dma_wait3A_152 = tpu.memref_slice %arg4[%multiple_of3A_138, %dma_wait3A_151] : memref<786432x16xf32, #tpu.memory_space<hbm>> -> memref<2048x16xf32, #tpu.memory_space<hbm>>
      tpu.wait_dma2 semaphore(%run_scoped3A : memref<!tpu.dma_semaphore, #tpu.memory_space<semaphore_mem>>) src(%arg7 : memref<2048x16xf32, #tpu.memory_space<vmem>>) dst(%dma_wait3A_152 : memref<2048x16xf32, #tpu.memory_space<hbm>>)
      tpu.yield
    }) : () -> ()
    %dma_wait3A_139 = arith.constant 0 : i32
    %dma_wait3A_140 = arith.constant 0 : i32
    %dma_wait3A_141 = tpu.memref_slice %arg2[%dma_wait3A_139, %dma_wait3A_140] : memref<4096x16xf32, #tpu.memory_space<hbm>> -> memref<4096x16xf32, #tpu.memory_space<hbm>>
    tpu.wait_indirect_dma semaphore(%arg10 : memref<!tpu.dma_semaphore, #tpu.memory_space<semaphore_mem>>) src(%dma_wait3A_141 : memref<4096x16xf32, #tpu.memory_space<hbm>>) dst(%arg8 : memref<2048x16xf32, #tpu.memory_space<vmem>>)
    %add3A_142 = arith.constant 22528 : i32
    %add3A_143 = arith.addi %multiple_of3A, %add3A_142 : i32
    %multiple_of3A_144 = tpu.assume_multiple %add3A_143, 8 : i32
    "tpu.region"() ({
      %run_scoped3A = tpu.sem_alloc : memref<!tpu.dma_semaphore, #tpu.memory_space<semaphore_mem>>
      %dma_start3A_145 = arith.constant 0 : i32
      %dma_start3A_146 = tpu.memref_slice %arg4[%multiple_of3A_144, %dma_start3A_145] : memref<786432x16xf32, #tpu.memory_space<hbm>> -> memref<2048x16xf32, #tpu.memory_space<hbm>>
      %dma_start3A_147 = arith.constant 0 : i32
      %dma_start3A_148 = tpu.memref_slice %arg4[%multiple_of3A_144, %dma_start3A_147] : memref<786432x16xf32, #tpu.memory_space<hbm>> -> memref<2048x16xf32, #tpu.memory_space<hbm>>
      tpu.enqueue_dma source(%arg8 : memref<2048x16xf32, #tpu.memory_space<vmem>>) target(%dma_start3A_148 : memref<2048x16xf32, #tpu.memory_space<hbm>>) target_semaphore(%run_scoped3A : memref<!tpu.dma_semaphore, #tpu.memory_space<semaphore_mem>>)
      %dma_wait3A_149 = arith.constant 0 : i32
      %dma_wait3A_150 = tpu.memref_slice %arg4[%multiple_of3A_144, %dma_wait3A_149] : memref<786432x16xf32, #tpu.memory_space<hbm>> -> memref<2048x16xf32, #tpu.memory_space<hbm>>
      %dma_wait3A_151 = arith.constant 0 : i32
      %dma_wait3A_152 = tpu.memref_slice %arg4[%multiple_of3A_144, %dma_wait3A_151] : memref<786432x16xf32, #tpu.memory_space<hbm>> -> memref<2048x16xf32, #tpu.memory_space<hbm>>
      tpu.wait_dma2 semaphore(%run_scoped3A : memref<!tpu.dma_semaphore, #tpu.memory_space<semaphore_mem>>) src(%arg8 : memref<2048x16xf32, #tpu.memory_space<vmem>>) dst(%dma_wait3A_152 : memref<2048x16xf32, #tpu.memory_space<hbm>>)
      tpu.yield
    }) : () -> ()
    return
  }
}

module attributes {stable_mosaic.version = 14 : i64} {
  func.func @_select_body(%arg0: i32, %arg1: i32, %arg2: i32, %arg3: memref<1x256x2xf32, #tpu.memory_space<vmem>>, %arg4: memref<1x2x256xf32, #tpu.memory_space<vmem>>, %arg5: memref<1x3x2048x16xf32, #tpu.memory_space<vmem>>, %arg6: memref<1x3x2048x1xf32, #tpu.memory_space<vmem>>, %arg7: memref<1x3x16x8192xf32, #tpu.memory_space<vmem>>, %arg8: memref<1x3x1x8192xf32, #tpu.memory_space<vmem>>, %arg9: memref<3x2048x1xf32, #tpu.memory_space<vmem>>, %arg10: memref<3x1x256xf32, #tpu.memory_space<vmem>>) attributes {dimension_semantics = [#tpu.dimension_semantics<arbitrary>, #tpu.dimension_semantics<arbitrary>, #tpu.dimension_semantics<arbitrary>], iteration_bounds = array<i64: 2, 32, 8>, scalar_prefetch = 0 : i64, scratch_operands = 2 : i64, tpu.core_type = #tpu.core_type<tc>, window_params = [{transform_indices = @transform_0, window_bounds = array<i64: 1, 256, 2>}, {transform_indices = @transform_1, window_bounds = array<i64: 1, 2, 256>}, {transform_indices = @transform_2, window_bounds = array<i64: 1, 3, 2048, 16>}, {transform_indices = @transform_3, window_bounds = array<i64: 1, 3, 2048, 1>}, {transform_indices = @transform_4, window_bounds = array<i64: 1, 3, 16, 8192>}, {transform_indices = @transform_5, window_bounds = array<i64: 1, 3, 1, 8192>}]} {
    %eq3A = arith.constant 0 : i32
    %eq3A_0 = arith.cmpi eq, %arg1, %eq3A : i32
    %convert_element_type3A = arith.extui %eq3A_0 : i1 to i32
    %cond3A = arith.constant 0 : i32
    %cond3A_1 = arith.cmpi ne, %convert_element_type3A, %cond3A : i32
    scf.if %cond3A_1 {
      %broadcast_in_dim3A = arith.constant 0.000000e+00 : f32
      %broadcast_in_dim3A_41 = vector.broadcast %broadcast_in_dim3A : f32 to vector<3x256x1xf32>
      %mul3A_42 = arith.constant 256 : i32
      %mul3A_43 = arith.muli %arg2, %mul3A_42 : i32
      %swap3A = arith.constant 0 : index
      %swap3A_44 = arith.index_cast %mul3A_43 : i32 to index
      %swap3A_45 = arith.constant 0 : index
      %swap3A_46 = vector.load %arg9[%swap3A, %swap3A_44, %swap3A_45] : memref<3x2048x1xf32, #tpu.memory_space<vmem>>, vector<3x256x1xf32>
      tpu.vector_store %arg9[%swap3A, %swap3A_44, %swap3A_45], %broadcast_in_dim3A_41 {strides = array<i32>} : memref<3x2048x1xf32, #tpu.memory_space<vmem>>, vector<3x256x1xf32>,
      %broadcast_in_dim3A_47 = arith.constant 0.000000e+00 : f32
      %broadcast_in_dim3A_48 = vector.broadcast %broadcast_in_dim3A_47 : f32 to vector<3x256x16xf32>
      %mul3A_49 = arith.constant 256 : i32
      %mul3A_50 = arith.muli %arg2, %mul3A_49 : i32
      %swap3A_51 = arith.constant 0 : index
      %swap3A_52 = arith.constant 0 : index
      %swap3A_53 = arith.index_cast %mul3A_50 : i32 to index
      %swap3A_54 = arith.constant 0 : index
      %swap3A_55 = vector.load %arg5[%swap3A_51, %swap3A_52, %swap3A_53, %swap3A_54] : memref<1x3x2048x16xf32, #tpu.memory_space<vmem>>, vector<1x3x256x16xf32>
      %swap3A_56 = vector.shape_cast %swap3A_55 : vector<1x3x256x16xf32> to vector<3x256x16xf32>
      %swap3A_57 = vector.shape_cast %broadcast_in_dim3A_48 : vector<3x256x16xf32> to vector<1x3x256x16xf32>
      tpu.vector_store %arg5[%swap3A_51, %swap3A_52, %swap3A_53, %swap3A_54], %swap3A_57 {strides = array<i32>} : memref<1x3x2048x16xf32, #tpu.memory_space<vmem>>, vector<1x3x256x16xf32>,
    } else {
    }
    %eq3A_2 = arith.constant 0 : i32
    %eq3A_3 = arith.cmpi eq, %arg2, %eq3A_2 : i32
    %convert_element_type3A_4 = arith.extui %eq3A_3 : i1 to i32
    %cond3A_5 = arith.constant 0 : i32
    %cond3A_6 = arith.cmpi ne, %convert_element_type3A_4, %cond3A_5 : i32
    scf.if %cond3A_6 {
      %broadcast_in_dim3A = arith.constant 0.000000e+00 : f32
      %broadcast_in_dim3A_41 = vector.broadcast %broadcast_in_dim3A : f32 to vector<3x1x256xf32>
      %swap3A = arith.constant 0 : index
      %swap3A_42 = arith.constant 0 : index
      %swap3A_43 = arith.constant 0 : index
      %swap3A_44 = vector.load %arg10[%swap3A, %swap3A_42, %swap3A_43] : memref<3x1x256xf32, #tpu.memory_space<vmem>>, vector<3x1x256xf32>
      tpu.vector_store %arg10[%swap3A, %swap3A_42, %swap3A_43], %broadcast_in_dim3A_41 {strides = array<i32>} : memref<3x1x256xf32, #tpu.memory_space<vmem>>, vector<3x1x256xf32>,
      %broadcast_in_dim3A_45 = arith.constant 0.000000e+00 : f32
      %broadcast_in_dim3A_46 = vector.broadcast %broadcast_in_dim3A_45 : f32 to vector<3x16x256xf32>
      %mul3A_47 = arith.constant 256 : i32
      %mul3A_48 = arith.muli %arg1, %mul3A_47 : i32
      %swap3A_49 = arith.constant 0 : index
      %swap3A_50 = arith.constant 0 : index
      %swap3A_51 = arith.constant 0 : index
      %swap3A_52 = arith.index_cast %mul3A_48 : i32 to index
      %swap3A_53 = vector.load %arg7[%swap3A_49, %swap3A_50, %swap3A_51, %swap3A_52] : memref<1x3x16x8192xf32, #tpu.memory_space<vmem>>, vector<1x3x16x256xf32>
      %swap3A_54 = vector.shape_cast %swap3A_53 : vector<1x3x16x256xf32> to vector<3x16x256xf32>
      %swap3A_55 = vector.shape_cast %broadcast_in_dim3A_46 : vector<3x16x256xf32> to vector<1x3x16x256xf32>
      tpu.vector_store %arg7[%swap3A_49, %swap3A_50, %swap3A_51, %swap3A_52], %swap3A_55 {strides = array<i32>} : memref<1x3x16x8192xf32, #tpu.memory_space<vmem>>, vector<1x3x16x256xf32>,
    } else {
    }
    %mul3A = arith.constant 256 : i32
    %mul3A_7 = arith.muli %arg2, %mul3A : i32
    %get3A = arith.constant 0 : index
    %get3A_8 = arith.index_cast %mul3A_7 : i32 to index
    %get3A_9 = arith.constant 0 : index
    %get3A_10 = vector.load %arg9[%get3A, %get3A_8, %get3A_9] : memref<3x2048x1xf32, #tpu.memory_space<vmem>>, vector<3x256x1xf32>
    %reduce_min3A = vector.shape_cast %get3A_10 : vector<3x256x1xf32> to vector<1x3x256x1xf32>
    %reduce_min3A_11 = arith.constant dense<0x7F800000> : vector<1xf32>
    %reduce_min3A_12 = vector.multi_reduction <minimumf>, %reduce_min3A, %reduce_min3A_11 [1, 2, 3] : vector<1x3x256x1xf32> to vector<1xf32>
    %reduce_min3A_13 = vector.shape_cast %reduce_min3A_12 : vector<1xf32> to vector<1x1x1x1xf32>
    %reduce_min3A_14 = vector.extract %reduce_min3A_13[0, 0, 0, 0] : f32 from vector<1x1x1x1xf32>
    %ge3A = arith.constant 1.600000e+01 : f32
    %ge3A_15 = arith.cmpf oge, %reduce_min3A_14, %ge3A : f32
    %get3A_16 = arith.constant 0 : index
    %get3A_17 = arith.constant 0 : index
    %get3A_18 = arith.constant 0 : index
    %get3A_19 = vector.load %arg10[%get3A_16, %get3A_17, %get3A_18] : memref<3x1x256xf32, #tpu.memory_space<vmem>>, vector<3x1x256xf32>
    %reduce_min3A_20 = vector.shape_cast %get3A_19 : vector<3x1x256xf32> to vector<1x3x1x256xf32>
    %reduce_min3A_21 = arith.constant dense<0x7F800000> : vector<1xf32>
    %reduce_min3A_22 = vector.multi_reduction <minimumf>, %reduce_min3A_20, %reduce_min3A_21 [1, 2, 3] : vector<1x3x1x256xf32> to vector<1xf32>
    %reduce_min3A_23 = vector.shape_cast %reduce_min3A_22 : vector<1xf32> to vector<1x1x1x1xf32>
    %reduce_min3A_24 = vector.extract %reduce_min3A_23[0, 0, 0, 0] : f32 from vector<1x1x1x1xf32>
    %ge3A_25 = arith.constant 1.600000e+01 : f32
    %ge3A_26 = arith.cmpf oge, %reduce_min3A_24, %ge3A_25 : f32
    %and3A = arith.andi %ge3A_15, %ge3A_26 : i1
    %not3A = arith.constant true
    %not3A_27 = arith.xori %and3A, %not3A : i1
    %convert_element_type3A_28 = arith.extui %not3A_27 : i1 to i32
    %cond3A_29 = arith.constant 0 : i32
    %cond3A_30 = arith.cmpi ne, %convert_element_type3A_28, %cond3A_29 : i32
    scf.if %cond3A_30 {
      %get3A_41 = arith.constant 0 : index
      %get3A_42 = arith.constant 0 : index
      %get3A_43 = arith.constant 0 : index
      %get3A_44 = vector.load %arg3[%get3A_41, %get3A_42, %get3A_43] : memref<1x256x2xf32, #tpu.memory_space<vmem>>, vector<1x256x2xf32>
      %get3A_45 = vector.shape_cast %get3A_44 : vector<1x256x2xf32> to vector<256x2xf32>
      %slice3A = vector.extract_strided_slice %get3A_45 {offsets = [0, 0], sizes = [256, 1], strides = [1, 1]} : vector<256x2xf32> to vector<256x1xf32>
      %slice3A_46 = vector.extract_strided_slice %get3A_45 {offsets = [0, 1], sizes = [256, 1], strides = [1, 1]} : vector<256x2xf32> to vector<256x1xf32>
      %get3A_47 = arith.constant 0 : index
      %get3A_48 = arith.constant 0 : index
      %get3A_49 = arith.constant 0 : index
      %get3A_50 = vector.load %arg4[%get3A_47, %get3A_48, %get3A_49] : memref<1x2x256xf32, #tpu.memory_space<vmem>>, vector<1x2x256xf32>
      %get3A_51 = vector.shape_cast %get3A_50 : vector<1x2x256xf32> to vector<2x256xf32>
      %slice3A_52 = vector.extract_strided_slice %get3A_51 {offsets = [0, 0], sizes = [1, 256], strides = [1, 1]} : vector<2x256xf32> to vector<1x256xf32>
      %slice3A_53 = vector.extract_strided_slice %get3A_51 {offsets = [1, 0], sizes = [1, 256], strides = [1, 1]} : vector<2x256xf32> to vector<1x256xf32>
      %mul3A_54 = arith.mulf %slice3A, %slice3A : vector<256x1xf32>
      %mul3A_55 = arith.mulf %slice3A_46, %slice3A_46 : vector<256x1xf32>
      %add3A = arith.addf %mul3A_54, %mul3A_55 : vector<256x1xf32>
      %mul3A_56 = arith.mulf %slice3A_52, %slice3A_52 : vector<1x256xf32>
      %mul3A_57 = arith.mulf %slice3A_53, %slice3A_53 : vector<1x256xf32>
      %add3A_58 = arith.addf %mul3A_56, %mul3A_57 : vector<1x256xf32>
      %convert_element_type3A_59 = arith.truncf %slice3A : vector<256x1xf32> to vector<256x1xbf16>
      %convert_element_type3A_60 = arith.extf %convert_element_type3A_59 : vector<256x1xbf16> to vector<256x1xf32>
      %convert_element_type3A_61 = arith.truncf %slice3A_46 : vector<256x1xf32> to vector<256x1xbf16>
      %convert_element_type3A_62 = arith.extf %convert_element_type3A_61 : vector<256x1xbf16> to vector<256x1xf32>
      %convert_element_type3A_63 = arith.truncf %slice3A_52 : vector<1x256xf32> to vector<1x256xbf16>
      %convert_element_type3A_64 = arith.extf %convert_element_type3A_63 : vector<1x256xbf16> to vector<1x256xf32>
      %convert_element_type3A_65 = arith.truncf %slice3A_53 : vector<1x256xf32> to vector<1x256xbf16>
      %convert_element_type3A_66 = arith.extf %convert_element_type3A_65 : vector<1x256xbf16> to vector<1x256xf32>
      %add3A_67 = vector.broadcast %add3A : vector<256x1xf32> to vector<256x256xf32>
      %add3A_68 = vector.broadcast %add3A_58 : vector<1x256xf32> to vector<256x256xf32>
      %add3A_69 = arith.addf %add3A_67, %add3A_68 : vector<256x256xf32>
      %mul3A_70 = vector.broadcast %convert_element_type3A_60 : vector<256x1xf32> to vector<256x256xf32>
      %mul3A_71 = vector.broadcast %convert_element_type3A_64 : vector<1x256xf32> to vector<256x256xf32>
      %mul3A_72 = arith.mulf %mul3A_70, %mul3A_71 : vector<256x256xf32>
      %mul3A_73 = vector.broadcast %convert_element_type3A_62 : vector<256x1xf32> to vector<256x256xf32>
      %mul3A_74 = vector.broadcast %convert_element_type3A_66 : vector<1x256xf32> to vector<256x256xf32>
      %mul3A_75 = arith.mulf %mul3A_73, %mul3A_74 : vector<256x256xf32>
      %add3A_76 = arith.addf %mul3A_72, %mul3A_75 : vector<256x256xf32>
      %mul3A_77 = arith.constant 2.000000e+00 : f32
      %mul3A_78 = vector.broadcast %mul3A_77 : f32 to vector<256x256xf32>
      %mul3A_79 = arith.mulf %mul3A_78, %add3A_76 : vector<256x256xf32>
      %sub3A = arith.subf %add3A_69, %mul3A_79 : vector<256x256xf32>
      %max3A = arith.constant 0.000000e+00 : f32
      %max3A_80 = vector.broadcast %max3A : f32 to vector<256x256xf32>
      %max3A_81 = arith.maximumf %sub3A, %max3A_80 : vector<256x256xf32>
      %iota3A = tpu.iota {dimensions = array<i32: 0>} : vector<256x256xi32>
      %convert_element_type3A_82 = arith.sitofp %iota3A : vector<256x256xi32> to vector<256x256xf32>
      %iota3A_83 = tpu.iota {dimensions = array<i32: 1>} : vector<256x256xi32>
      %convert_element_type3A_84 = arith.sitofp %iota3A_83 : vector<256x256xi32> to vector<256x256xf32>
      %convert_element_type3A_85 = arith.sitofp %arg1 : i32 to f32
      %mul3A_86 = arith.constant 2.560000e+02 : f32
      %mul3A_87 = arith.mulf %mul3A_86, %convert_element_type3A_85 : f32
      %add3A_88 = vector.broadcast %mul3A_87 : f32 to vector<256x256xf32>
      %add3A_89 = arith.addf %convert_element_type3A_84, %add3A_88 : vector<256x256xf32>
      %convert_element_type3A_90 = arith.sitofp %arg2 : i32 to f32
      %mul3A_91 = arith.constant 2.560000e+02 : f32
      %mul3A_92 = arith.mulf %mul3A_91, %convert_element_type3A_90 : f32
      %add3A_93 = vector.broadcast %mul3A_92 : f32 to vector<256x256xf32>
      %add3A_94 = arith.addf %convert_element_type3A_82, %add3A_93 : vector<256x256xf32>
      %le3A = arith.cmpf ole, %convert_element_type3A_82, %convert_element_type3A_84 : vector<256x256xf32>
      %convert_element_type3A_95 = arith.extui %le3A : vector<256x256xi1> to vector<256x256xi32>
      %convert_element_type3A_96 = arith.sitofp %convert_element_type3A_95 : vector<256x256xi32> to vector<256x256xf32>
      %le3A_97 = arith.cmpf ole, %convert_element_type3A_84, %convert_element_type3A_82 : vector<256x256xf32>
      %convert_element_type3A_98 = arith.extui %le3A_97 : vector<256x256xi1> to vector<256x256xi32>
      %convert_element_type3A_99 = arith.sitofp %convert_element_type3A_98 : vector<256x256xi32> to vector<256x256xf32>
      %le3A_100 = arith.constant 0.00999999977 : f32
      %le3A_101 = vector.broadcast %le3A_100 : f32 to vector<256x256xf32>
      %le3A_102 = arith.cmpf ole, %max3A_81, %le3A_101 : vector<256x256xf32>
      %convert_element_type3A_103 = arith.extui %le3A_102 : vector<256x256xi1> to vector<256x256xi32>
      %convert_element_type3A_104 = arith.sitofp %convert_element_type3A_103 : vector<256x256xi32> to vector<256x256xf32>
      %mul3A_105 = arith.constant 256 : i32
      %mul3A_106 = arith.muli %arg2, %mul3A_105 : i32
      %get3A_107 = arith.constant 0 : index
      %get3A_108 = arith.index_cast %mul3A_106 : i32 to index
      %get3A_109 = arith.constant 0 : index
      %get3A_110 = vector.load %arg9[%get3A_107, %get3A_108, %get3A_109] : memref<3x2048x1xf32, #tpu.memory_space<vmem>>, vector<1x256x1xf32>
      %get3A_111 = vector.shape_cast %get3A_110 : vector<1x256x1xf32> to vector<256x1xf32>
      %reduce_min3A_112 = vector.shape_cast %get3A_111 : vector<256x1xf32> to vector<1x256x1xf32>
      %reduce_min3A_113 = arith.constant dense<0x7F800000> : vector<1xf32>
      %reduce_min3A_114 = vector.multi_reduction <minimumf>, %reduce_min3A_112, %reduce_min3A_113 [1, 2] : vector<1x256x1xf32> to vector<1xf32>
      %reduce_min3A_115 = vector.shape_cast %reduce_min3A_114 : vector<1xf32> to vector<1x1x1xf32>
      %reduce_min3A_116 = vector.extract %reduce_min3A_115[0, 0, 0] : f32 from vector<1x1x1xf32>
      %lt3A = arith.constant 1.600000e+01 : f32
      %lt3A_117 = arith.cmpf olt, %reduce_min3A_116, %lt3A : f32
      %convert_element_type3A_118 = arith.extui %lt3A_117 : i1 to i32
      %cond3A_119 = arith.constant 0 : i32
      %cond3A_120 = arith.cmpi ne, %convert_element_type3A_118, %cond3A_119 : i32
      scf.if %cond3A_120 {
        %dot_general3A = arith.constant dense<0.000000e+00> : vector<256x256xf32>
        %dot_general3A_210 = tpu.matmul %convert_element_type3A_104, %convert_element_type3A_96, %dot_general3A {dimension_numbers = #tpu.dot_dimension_numbers<[1], [0], [0], [1], [0, 0, 1, 1], [], []>, transpose_lhs_hint = false} : vector<256x256xf32>, vector<256x256xf32>, vector<256x256xf32> -> vector<256x256xf32>
        %add3A_211 = vector.broadcast %get3A_111 : vector<256x1xf32> to vector<256x256xf32>
        %add3A_212 = arith.addf %add3A_211, %dot_general3A_210 : vector<256x256xf32>
        %le3A_213 = arith.constant 1.600000e+01 : f32
        %le3A_214 = vector.broadcast %le3A_213 : f32 to vector<256x256xf32>
        %le3A_215 = arith.cmpf ole, %add3A_212, %le3A_214 : vector<256x256xf32>
        %and3A_216 = arith.andi %le3A_102, %le3A_215 : vector<256x256xi1>
        %jit3A = arith.constant 0.000000e+00 : f32
        %broadcast_in_dim3A = vector.broadcast %jit3A : f32 to vector<256x256xf32>
        %select_n3A = arith.select %and3A_216, %add3A_89, %broadcast_in_dim3A : vector<256x256xi1>, vector<256x256xf32>
        %jit3A_217 = arith.constant 0.000000e+00 : f32
        %broadcast_in_dim3A_218 = vector.broadcast %jit3A_217 : f32 to vector<256x256xf32>
        %select_n3A_219 = arith.select %and3A_216, %add3A_212, %broadcast_in_dim3A_218 : vector<256x256xi1>, vector<256x256xf32>
        %eq3A_220 = arith.constant 1.000000e+00 : f32
        %eq3A_221 = vector.broadcast %eq3A_220 : f32 to vector<256x256xf32>
        %eq3A_222 = arith.cmpf oeq, %select_n3A_219, %eq3A_221 : vector<256x256xf32>
        %jit3A_223 = arith.constant 0.000000e+00 : f32
        %broadcast_in_dim3A_224 = vector.broadcast %jit3A_223 : f32 to vector<256x256xf32>
        %select_n3A_225 = arith.select %eq3A_222, %select_n3A, %broadcast_in_dim3A_224 : vector<256x256xi1>, vector<256x256xf32>
        %reduce_sum3A = arith.constant dense<0.000000e+00> : vector<256xf32>
        %reduce_sum3A_226 = vector.multi_reduction <add>, %select_n3A_225, %reduce_sum3A [1] : vector<256x256xf32> to vector<256xf32>
        %broadcast_in_dim3A_227 = vector.shape_cast %reduce_sum3A_226 : vector<256xf32> to vector<256x1xf32>
        %eq3A_228 = arith.constant 2.000000e+00 : f32
        %eq3A_229 = vector.broadcast %eq3A_228 : f32 to vector<256x256xf32>
        %eq3A_230 = arith.cmpf oeq, %select_n3A_219, %eq3A_229 : vector<256x256xf32>
        %jit3A_231 = arith.constant 0.000000e+00 : f32
        %broadcast_in_dim3A_232 = vector.broadcast %jit3A_231 : f32 to vector<256x256xf32>
        %select_n3A_233 = arith.select %eq3A_230, %select_n3A, %broadcast_in_dim3A_232 : vector<256x256xi1>, vector<256x256xf32>
        %reduce_sum3A_234 = arith.constant dense<0.000000e+00> : vector<256xf32>
        %reduce_sum3A_235 = vector.multi_reduction <add>, %select_n3A_233, %reduce_sum3A_234 [1] : vector<256x256xf32> to vector<256xf32>
        %broadcast_in_dim3A_236 = vector.shape_cast %reduce_sum3A_235 : vector<256xf32> to vector<256x1xf32>
        %eq3A_237 = arith.constant 3.000000e+00 : f32
        %eq3A_238 = vector.broadcast %eq3A_237 : f32 to vector<256x256xf32>
        %eq3A_239 = arith.cmpf oeq, %select_n3A_219, %eq3A_238 : vector<256x256xf32>
        %jit3A_240 = arith.constant 0.000000e+00 : f32
        %broadcast_in_dim3A_241 = vector.broadcast %jit3A_240 : f32 to vector<256x256xf32>
        %select_n3A_242 = arith.select %eq3A_239, %select_n3A, %broadcast_in_dim3A_241 : vector<256x256xi1>, vector<256x256xf32>
        %reduce_sum3A_243 = arith.constant dense<0.000000e+00> : vector<256xf32>
        %reduce_sum3A_244 = vector.multi_reduction <add>, %select_n3A_242, %reduce_sum3A_243 [1] : vector<256x256xf32> to vector<256xf32>
        %broadcast_in_dim3A_245 = vector.shape_cast %reduce_sum3A_244 : vector<256xf32> to vector<256x1xf32>
        %eq3A_246 = arith.constant 4.000000e+00 : f32
        %eq3A_247 = vector.broadcast %eq3A_246 : f32 to vector<256x256xf32>
        %eq3A_248 = arith.cmpf oeq, %select_n3A_219, %eq3A_247 : vector<256x256xf32>
        %jit3A_249 = arith.constant 0.000000e+00 : f32
        %broadcast_in_dim3A_250 = vector.broadcast %jit3A_249 : f32 to vector<256x256xf32>
        %select_n3A_251 = arith.select %eq3A_248, %select_n3A, %broadcast_in_dim3A_250 : vector<256x256xi1>, vector<256x256xf32>
        %reduce_sum3A_252 = arith.constant dense<0.000000e+00> : vector<256xf32>
        %reduce_sum3A_253 = vector.multi_reduction <add>, %select_n3A_251, %reduce_sum3A_252 [1] : vector<256x256xf32> to vector<256xf32>
        %broadcast_in_dim3A_254 = vector.shape_cast %reduce_sum3A_253 : vector<256xf32> to vector<256x1xf32>
        %eq3A_255 = arith.constant 5.000000e+00 : f32
        %eq3A_256 = vector.broadcast %eq3A_255 : f32 to vector<256x256xf32>
        %eq3A_257 = arith.cmpf oeq, %select_n3A_219, %eq3A_256 : vector<256x256xf32>
        %jit3A_258 = arith.constant 0.000000e+00 : f32
        %broadcast_in_dim3A_259 = vector.broadcast %jit3A_258 : f32 to vector<256x256xf32>
        %select_n3A_260 = arith.select %eq3A_257, %select_n3A, %broadcast_in_dim3A_259 : vector<256x256xi1>, vector<256x256xf32>
        %reduce_sum3A_261 = arith.constant dense<0.000000e+00> : vector<256xf32>
        %reduce_sum3A_262 = vector.multi_reduction <add>, %select_n3A_260, %reduce_sum3A_261 [1] : vector<256x256xf32> to vector<256xf32>
        %broadcast_in_dim3A_263 = vector.shape_cast %reduce_sum3A_262 : vector<256xf32> to vector<256x1xf32>
        %eq3A_264 = arith.constant 6.000000e+00 : f32
        %eq3A_265 = vector.broadcast %eq3A_264 : f32 to vector<256x256xf32>
        %eq3A_266 = arith.cmpf oeq, %select_n3A_219, %eq3A_265 : vector<256x256xf32>
        %jit3A_267 = arith.constant 0.000000e+00 : f32
        %broadcast_in_dim3A_268 = vector.broadcast %jit3A_267 : f32 to vector<256x256xf32>
        %select_n3A_269 = arith.select %eq3A_266, %select_n3A, %broadcast_in_dim3A_268 : vector<256x256xi1>, vector<256x256xf32>
        %reduce_sum3A_270 = arith.constant dense<0.000000e+00> : vector<256xf32>
        %reduce_sum3A_271 = vector.multi_reduction <add>, %select_n3A_269, %reduce_sum3A_270 [1] : vector<256x256xf32> to vector<256xf32>
        %broadcast_in_dim3A_272 = vector.shape_cast %reduce_sum3A_271 : vector<256xf32> to vector<256x1xf32>
        %eq3A_273 = arith.constant 7.000000e+00 : f32
        %eq3A_274 = vector.broadcast %eq3A_273 : f32 to vector<256x256xf32>
        %eq3A_275 = arith.cmpf oeq, %select_n3A_219, %eq3A_274 : vector<256x256xf32>
        %jit3A_276 = arith.constant 0.000000e+00 : f32
        %broadcast_in_dim3A_277 = vector.broadcast %jit3A_276 : f32 to vector<256x256xf32>
        %select_n3A_278 = arith.select %eq3A_275, %select_n3A, %broadcast_in_dim3A_277 : vector<256x256xi1>, vector<256x256xf32>
        %reduce_sum3A_279 = arith.constant dense<0.000000e+00> : vector<256xf32>
        %reduce_sum3A_280 = vector.multi_reduction <add>, %select_n3A_278, %reduce_sum3A_279 [1] : vector<256x256xf32> to vector<256xf32>
        %broadcast_in_dim3A_281 = vector.shape_cast %reduce_sum3A_280 : vector<256xf32> to vector<256x1xf32>
        %eq3A_282 = arith.constant 8.000000e+00 : f32
        %eq3A_283 = vector.broadcast %eq3A_282 : f32 to vector<256x256xf32>
        %eq3A_284 = arith.cmpf oeq, %select_n3A_219, %eq3A_283 : vector<256x256xf32>
        %jit3A_285 = arith.constant 0.000000e+00 : f32
        %broadcast_in_dim3A_286 = vector.broadcast %jit3A_285 : f32 to vector<256x256xf32>
        %select_n3A_287 = arith.select %eq3A_284, %select_n3A, %broadcast_in_dim3A_286 : vector<256x256xi1>, vector<256x256xf32>
        %reduce_sum3A_288 = arith.constant dense<0.000000e+00> : vector<256xf32>
        %reduce_sum3A_289 = vector.multi_reduction <add>, %select_n3A_287, %reduce_sum3A_288 [1] : vector<256x256xf32> to vector<256xf32>
        %broadcast_in_dim3A_290 = vector.shape_cast %reduce_sum3A_289 : vector<256xf32> to vector<256x1xf32>
        %eq3A_291 = arith.constant 9.000000e+00 : f32
        %eq3A_292 = vector.broadcast %eq3A_291 : f32 to vector<256x256xf32>
        %eq3A_293 = arith.cmpf oeq, %select_n3A_219, %eq3A_292 : vector<256x256xf32>
        %jit3A_294 = arith.constant 0.000000e+00 : f32
        %broadcast_in_dim3A_295 = vector.broadcast %jit3A_294 : f32 to vector<256x256xf32>
        %select_n3A_296 = arith.select %eq3A_293, %select_n3A, %broadcast_in_dim3A_295 : vector<256x256xi1>, vector<256x256xf32>
        %reduce_sum3A_297 = arith.constant dense<0.000000e+00> : vector<256xf32>
        %reduce_sum3A_298 = vector.multi_reduction <add>, %select_n3A_296, %reduce_sum3A_297 [1] : vector<256x256xf32> to vector<256xf32>
        %broadcast_in_dim3A_299 = vector.shape_cast %reduce_sum3A_298 : vector<256xf32> to vector<256x1xf32>
        %eq3A_300 = arith.constant 1.000000e+01 : f32
        %eq3A_301 = vector.broadcast %eq3A_300 : f32 to vector<256x256xf32>
        %eq3A_302 = arith.cmpf oeq, %select_n3A_219, %eq3A_301 : vector<256x256xf32>
        %jit3A_303 = arith.constant 0.000000e+00 : f32
        %broadcast_in_dim3A_304 = vector.broadcast %jit3A_303 : f32 to vector<256x256xf32>
        %select_n3A_305 = arith.select %eq3A_302, %select_n3A, %broadcast_in_dim3A_304 : vector<256x256xi1>, vector<256x256xf32>
        %reduce_sum3A_306 = arith.constant dense<0.000000e+00> : vector<256xf32>
        %reduce_sum3A_307 = vector.multi_reduction <add>, %select_n3A_305, %reduce_sum3A_306 [1] : vector<256x256xf32> to vector<256xf32>
        %broadcast_in_dim3A_308 = vector.shape_cast %reduce_sum3A_307 : vector<256xf32> to vector<256x1xf32>
        %eq3A_309 = arith.constant 1.100000e+01 : f32
        %eq3A_310 = vector.broadcast %eq3A_309 : f32 to vector<256x256xf32>
        %eq3A_311 = arith.cmpf oeq, %select_n3A_219, %eq3A_310 : vector<256x256xf32>
        %jit3A_312 = arith.constant 0.000000e+00 : f32
        %broadcast_in_dim3A_313 = vector.broadcast %jit3A_312 : f32 to vector<256x256xf32>
        %select_n3A_314 = arith.select %eq3A_311, %select_n3A, %broadcast_in_dim3A_313 : vector<256x256xi1>, vector<256x256xf32>
        %reduce_sum3A_315 = arith.constant dense<0.000000e+00> : vector<256xf32>
        %reduce_sum3A_316 = vector.multi_reduction <add>, %select_n3A_314, %reduce_sum3A_315 [1] : vector<256x256xf32> to vector<256xf32>
        %broadcast_in_dim3A_317 = vector.shape_cast %reduce_sum3A_316 : vector<256xf32> to vector<256x1xf32>
        %eq3A_318 = arith.constant 1.200000e+01 : f32
        %eq3A_319 = vector.broadcast %eq3A_318 : f32 to vector<256x256xf32>
        %eq3A_320 = arith.cmpf oeq, %select_n3A_219, %eq3A_319 : vector<256x256xf32>
        %jit3A_321 = arith.constant 0.000000e+00 : f32
        %broadcast_in_dim3A_322 = vector.broadcast %jit3A_321 : f32 to vector<256x256xf32>
        %select_n3A_323 = arith.select %eq3A_320, %select_n3A, %broadcast_in_dim3A_322 : vector<256x256xi1>, vector<256x256xf32>
        %reduce_sum3A_324 = arith.constant dense<0.000000e+00> : vector<256xf32>
        %reduce_sum3A_325 = vector.multi_reduction <add>, %select_n3A_323, %reduce_sum3A_324 [1] : vector<256x256xf32> to vector<256xf32>
        %broadcast_in_dim3A_326 = vector.shape_cast %reduce_sum3A_325 : vector<256xf32> to vector<256x1xf32>
        %eq3A_327 = arith.constant 1.300000e+01 : f32
        %eq3A_328 = vector.broadcast %eq3A_327 : f32 to vector<256x256xf32>
        %eq3A_329 = arith.cmpf oeq, %select_n3A_219, %eq3A_328 : vector<256x256xf32>
        %jit3A_330 = arith.constant 0.000000e+00 : f32
        %broadcast_in_dim3A_331 = vector.broadcast %jit3A_330 : f32 to vector<256x256xf32>
        %select_n3A_332 = arith.select %eq3A_329, %select_n3A, %broadcast_in_dim3A_331 : vector<256x256xi1>, vector<256x256xf32>
        %reduce_sum3A_333 = arith.constant dense<0.000000e+00> : vector<256xf32>
        %reduce_sum3A_334 = vector.multi_reduction <add>, %select_n3A_332, %reduce_sum3A_333 [1] : vector<256x256xf32> to vector<256xf32>
        %broadcast_in_dim3A_335 = vector.shape_cast %reduce_sum3A_334 : vector<256xf32> to vector<256x1xf32>
        %eq3A_336 = arith.constant 1.400000e+01 : f32
        %eq3A_337 = vector.broadcast %eq3A_336 : f32 to vector<256x256xf32>
        %eq3A_338 = arith.cmpf oeq, %select_n3A_219, %eq3A_337 : vector<256x256xf32>
        %jit3A_339 = arith.constant 0.000000e+00 : f32
        %broadcast_in_dim3A_340 = vector.broadcast %jit3A_339 : f32 to vector<256x256xf32>
        %select_n3A_341 = arith.select %eq3A_338, %select_n3A, %broadcast_in_dim3A_340 : vector<256x256xi1>, vector<256x256xf32>
        %reduce_sum3A_342 = arith.constant dense<0.000000e+00> : vector<256xf32>
        %reduce_sum3A_343 = vector.multi_reduction <add>, %select_n3A_341, %reduce_sum3A_342 [1] : vector<256x256xf32> to vector<256xf32>
        %broadcast_in_dim3A_344 = vector.shape_cast %reduce_sum3A_343 : vector<256xf32> to vector<256x1xf32>
        %eq3A_345 = arith.constant 1.500000e+01 : f32
        %eq3A_346 = vector.broadcast %eq3A_345 : f32 to vector<256x256xf32>
        %eq3A_347 = arith.cmpf oeq, %select_n3A_219, %eq3A_346 : vector<256x256xf32>
        %jit3A_348 = arith.constant 0.000000e+00 : f32
        %broadcast_in_dim3A_349 = vector.broadcast %jit3A_348 : f32 to vector<256x256xf32>
        %select_n3A_350 = arith.select %eq3A_347, %select_n3A, %broadcast_in_dim3A_349 : vector<256x256xi1>, vector<256x256xf32>
        %reduce_sum3A_351 = arith.constant dense<0.000000e+00> : vector<256xf32>
        %reduce_sum3A_352 = vector.multi_reduction <add>, %select_n3A_350, %reduce_sum3A_351 [1] : vector<256x256xf32> to vector<256xf32>
        %broadcast_in_dim3A_353 = vector.shape_cast %reduce_sum3A_352 : vector<256xf32> to vector<256x1xf32>
        %eq3A_354 = arith.constant 1.600000e+01 : f32
        %eq3A_355 = vector.broadcast %eq3A_354 : f32 to vector<256x256xf32>
        %eq3A_356 = arith.cmpf oeq, %select_n3A_219, %eq3A_355 : vector<256x256xf32>
        %jit3A_357 = arith.constant 0.000000e+00 : f32
        %broadcast_in_dim3A_358 = vector.broadcast %jit3A_357 : f32 to vector<256x256xf32>
        %select_n3A_359 = arith.select %eq3A_356, %select_n3A, %broadcast_in_dim3A_358 : vector<256x256xi1>, vector<256x256xf32>
        %reduce_sum3A_360 = arith.constant dense<0.000000e+00> : vector<256xf32>
        %reduce_sum3A_361 = vector.multi_reduction <add>, %select_n3A_359, %reduce_sum3A_360 [1] : vector<256x256xf32> to vector<256xf32>
        %broadcast_in_dim3A_362 = vector.shape_cast %reduce_sum3A_361 : vector<256xf32> to vector<256x1xf32>
        %mul3A_363 = arith.constant 256 : i32
        %mul3A_364 = arith.muli %arg2, %mul3A_363 : i32
        %get3A_365 = arith.constant 0 : index
        %get3A_366 = arith.constant 0 : index
        %get3A_367 = arith.index_cast %mul3A_364 : i32 to index
        %get3A_368 = arith.constant 0 : index
        %get3A_369 = vector.load %arg5[%get3A_365, %get3A_366, %get3A_367, %get3A_368] : memref<1x3x2048x16xf32, #tpu.memory_space<vmem>>, vector<1x1x256x16xf32>
        %get3A_370 = vector.shape_cast %get3A_369 : vector<1x1x256x16xf32> to vector<256x16xf32>
        %concatenate3A = tpu.concatenate %broadcast_in_dim3A_227, %broadcast_in_dim3A_236, %broadcast_in_dim3A_245, %broadcast_in_dim3A_254, %broadcast_in_dim3A_263, %broadcast_in_dim3A_272, %broadcast_in_dim3A_281, %broadcast_in_dim3A_290, %broadcast_in_dim3A_299, %broadcast_in_dim3A_308, %broadcast_in_dim3A_317, %broadcast_in_dim3A_326, %broadcast_in_dim3A_335, %broadcast_in_dim3A_344, %broadcast_in_dim3A_353, %broadcast_in_dim3A_362 in 1 : vector<256x1xf32>, vector<256x1xf32>, vector<256x1xf32>, vector<256x1xf32>, vector<256x1xf32>, vector<256x1xf32>, vector<256x1xf32>, vector<256x1xf32>, vector<256x1xf32>, vector<256x1xf32>, vector<256x1xf32>, vector<256x1xf32>, vector<256x1xf32>, vector<256x1xf32>, vector<256x1xf32>, vector<256x1xf32> -> vector<256x16xf32>
        %add3A_371 = arith.addf %get3A_370, %concatenate3A : vector<256x16xf32>
        %swap3A = arith.constant 0 : index
        %swap3A_372 = arith.constant 0 : index
        %swap3A_373 = arith.index_cast %mul3A_364 : i32 to index
        %swap3A_374 = arith.constant 0 : index
        %swap3A_375 = vector.load %arg5[%swap3A, %swap3A_372, %swap3A_373, %swap3A_374] : memref<1x3x2048x16xf32, #tpu.memory_space<vmem>>, vector<1x1x256x16xf32>
        %swap3A_376 = vector.shape_cast %swap3A_375 : vector<1x1x256x16xf32> to vector<256x16xf32>
        %swap3A_377 = vector.shape_cast %add3A_371 : vector<256x16xf32> to vector<1x1x256x16xf32>
        tpu.vector_store %arg5[%swap3A, %swap3A_372, %swap3A_373, %swap3A_374], %swap3A_377 {strides = array<i32>} : memref<1x3x2048x16xf32, #tpu.memory_space<vmem>>, vector<1x1x256x16xf32>,
        %reduce_sum3A_378 = arith.constant dense<0.000000e+00> : vector<256xf32>
        %reduce_sum3A_379 = vector.multi_reduction <add>, %convert_element_type3A_104, %reduce_sum3A_378 [1] : vector<256x256xf32> to vector<256xf32>
        %broadcast_in_dim3A_380 = vector.shape_cast %reduce_sum3A_379 : vector<256xf32> to vector<256x1xf32>
        %add3A_381 = arith.addf %get3A_111, %broadcast_in_dim3A_380 : vector<256x1xf32>
        %mul3A_382 = arith.constant 256 : i32
        %mul3A_383 = arith.muli %arg2, %mul3A_382 : i32
        %swap3A_384 = arith.constant 0 : index
        %swap3A_385 = arith.index_cast %mul3A_383 : i32 to index
        %swap3A_386 = arith.constant 0 : index
        %swap3A_387 = vector.load %arg9[%swap3A_384, %swap3A_385, %swap3A_386] : memref<3x2048x1xf32, #tpu.memory_space<vmem>>, vector<1x256x1xf32>
        %swap3A_388 = vector.shape_cast %swap3A_387 : vector<1x256x1xf32> to vector<256x1xf32>
        %swap3A_389 = vector.shape_cast %add3A_381 : vector<256x1xf32> to vector<1x256x1xf32>
        tpu.vector_store %arg9[%swap3A_384, %swap3A_385, %swap3A_386], %swap3A_389 {strides = array<i32>} : memref<3x2048x1xf32, #tpu.memory_space<vmem>>, vector<1x256x1xf32>,
      } else {
      }
      %get3A_121 = arith.constant 0 : index
      %get3A_122 = arith.constant 0 : index
      %get3A_123 = arith.constant 0 : index
      %get3A_124 = vector.load %arg10[%get3A_121, %get3A_122, %get3A_123] : memref<3x1x256xf32, #tpu.memory_space<vmem>>, vector<1x1x256xf32>
      %get3A_125 = vector.shape_cast %get3A_124 : vector<1x1x256xf32> to vector<1x256xf32>
      %reduce_min3A_126 = vector.shape_cast %get3A_125 : vector<1x256xf32> to vector<1x1x256xf32>
      %reduce_min3A_127 = arith.constant dense<0x7F800000> : vector<1xf32>
      %reduce_min3A_128 = vector.multi_reduction <minimumf>, %reduce_min3A_126, %reduce_min3A_127 [1, 2] : vector<1x1x256xf32> to vector<1xf32>
      %reduce_min3A_129 = vector.shape_cast %reduce_min3A_128 : vector<1xf32> to vector<1x1x1xf32>
      %reduce_min3A_130 = vector.extract %reduce_min3A_129[0, 0, 0] : f32 from vector<1x1x1xf32>
      %lt3A_131 = arith.constant 1.600000e+01 : f32
      %lt3A_132 = arith.cmpf olt, %reduce_min3A_130, %lt3A_131 : f32
      %convert_element_type3A_133 = arith.extui %lt3A_132 : i1 to i32
      %cond3A_134 = arith.constant 0 : i32
      %cond3A_135 = arith.cmpi ne, %convert_element_type3A_133, %cond3A_134 : i32
      scf.if %cond3A_135 {
        %dot_general3A = arith.constant dense<0.000000e+00> : vector<256x256xf32>
        %dot_general3A_210 = tpu.matmul %convert_element_type3A_99, %convert_element_type3A_104, %dot_general3A {dimension_numbers = #tpu.dot_dimension_numbers<[1], [0], [0], [1], [0, 0, 1, 1], [], []>, transpose_lhs_hint = false} : vector<256x256xf32>, vector<256x256xf32>, vector<256x256xf32> -> vector<256x256xf32>
        %add3A_211 = vector.broadcast %get3A_125 : vector<1x256xf32> to vector<256x256xf32>
        %add3A_212 = arith.addf %add3A_211, %dot_general3A_210 : vector<256x256xf32>
        %le3A_213 = arith.constant 1.600000e+01 : f32
        %le3A_214 = vector.broadcast %le3A_213 : f32 to vector<256x256xf32>
        %le3A_215 = arith.cmpf ole, %add3A_212, %le3A_214 : vector<256x256xf32>
        %and3A_216 = arith.andi %le3A_102, %le3A_215 : vector<256x256xi1>
        %jit3A = arith.constant 0.000000e+00 : f32
        %broadcast_in_dim3A = vector.broadcast %jit3A : f32 to vector<256x256xf32>
        %select_n3A = arith.select %and3A_216, %add3A_94, %broadcast_in_dim3A : vector<256x256xi1>, vector<256x256xf32>
        %jit3A_217 = arith.constant 0.000000e+00 : f32
        %broadcast_in_dim3A_218 = vector.broadcast %jit3A_217 : f32 to vector<256x256xf32>
        %select_n3A_219 = arith.select %and3A_216, %add3A_212, %broadcast_in_dim3A_218 : vector<256x256xi1>, vector<256x256xf32>
        %eq3A_220 = arith.constant 1.000000e+00 : f32
        %eq3A_221 = vector.broadcast %eq3A_220 : f32 to vector<256x256xf32>
        %eq3A_222 = arith.cmpf oeq, %select_n3A_219, %eq3A_221 : vector<256x256xf32>
        %jit3A_223 = arith.constant 0.000000e+00 : f32
        %broadcast_in_dim3A_224 = vector.broadcast %jit3A_223 : f32 to vector<256x256xf32>
        %select_n3A_225 = arith.select %eq3A_222, %select_n3A, %broadcast_in_dim3A_224 : vector<256x256xi1>, vector<256x256xf32>
        %reduce_sum3A = arith.constant dense<0.000000e+00> : vector<256xf32>
        %reduce_sum3A_226 = vector.multi_reduction <add>, %select_n3A_225, %reduce_sum3A [0] : vector<256x256xf32> to vector<256xf32>
        %broadcast_in_dim3A_227 = vector.shape_cast %reduce_sum3A_226 : vector<256xf32> to vector<1x256xf32>
        %eq3A_228 = arith.constant 2.000000e+00 : f32
        %eq3A_229 = vector.broadcast %eq3A_228 : f32 to vector<256x256xf32>
        %eq3A_230 = arith.cmpf oeq, %select_n3A_219, %eq3A_229 : vector<256x256xf32>
        %jit3A_231 = arith.constant 0.000000e+00 : f32
        %broadcast_in_dim3A_232 = vector.broadcast %jit3A_231 : f32 to vector<256x256xf32>
        %select_n3A_233 = arith.select %eq3A_230, %select_n3A, %broadcast_in_dim3A_232 : vector<256x256xi1>, vector<256x256xf32>
        %reduce_sum3A_234 = arith.constant dense<0.000000e+00> : vector<256xf32>
        %reduce_sum3A_235 = vector.multi_reduction <add>, %select_n3A_233, %reduce_sum3A_234 [0] : vector<256x256xf32> to vector<256xf32>
        %broadcast_in_dim3A_236 = vector.shape_cast %reduce_sum3A_235 : vector<256xf32> to vector<1x256xf32>
        %eq3A_237 = arith.constant 3.000000e+00 : f32
        %eq3A_238 = vector.broadcast %eq3A_237 : f32 to vector<256x256xf32>
        %eq3A_239 = arith.cmpf oeq, %select_n3A_219, %eq3A_238 : vector<256x256xf32>
        %jit3A_240 = arith.constant 0.000000e+00 : f32
        %broadcast_in_dim3A_241 = vector.broadcast %jit3A_240 : f32 to vector<256x256xf32>
        %select_n3A_242 = arith.select %eq3A_239, %select_n3A, %broadcast_in_dim3A_241 : vector<256x256xi1>, vector<256x256xf32>
        %reduce_sum3A_243 = arith.constant dense<0.000000e+00> : vector<256xf32>
        %reduce_sum3A_244 = vector.multi_reduction <add>, %select_n3A_242, %reduce_sum3A_243 [0] : vector<256x256xf32> to vector<256xf32>
        %broadcast_in_dim3A_245 = vector.shape_cast %reduce_sum3A_244 : vector<256xf32> to vector<1x256xf32>
        %eq3A_246 = arith.constant 4.000000e+00 : f32
        %eq3A_247 = vector.broadcast %eq3A_246 : f32 to vector<256x256xf32>
        %eq3A_248 = arith.cmpf oeq, %select_n3A_219, %eq3A_247 : vector<256x256xf32>
        %jit3A_249 = arith.constant 0.000000e+00 : f32
        %broadcast_in_dim3A_250 = vector.broadcast %jit3A_249 : f32 to vector<256x256xf32>
        %select_n3A_251 = arith.select %eq3A_248, %select_n3A, %broadcast_in_dim3A_250 : vector<256x256xi1>, vector<256x256xf32>
        %reduce_sum3A_252 = arith.constant dense<0.000000e+00> : vector<256xf32>
        %reduce_sum3A_253 = vector.multi_reduction <add>, %select_n3A_251, %reduce_sum3A_252 [0] : vector<256x256xf32> to vector<256xf32>
        %broadcast_in_dim3A_254 = vector.shape_cast %reduce_sum3A_253 : vector<256xf32> to vector<1x256xf32>
        %eq3A_255 = arith.constant 5.000000e+00 : f32
        %eq3A_256 = vector.broadcast %eq3A_255 : f32 to vector<256x256xf32>
        %eq3A_257 = arith.cmpf oeq, %select_n3A_219, %eq3A_256 : vector<256x256xf32>
        %jit3A_258 = arith.constant 0.000000e+00 : f32
        %broadcast_in_dim3A_259 = vector.broadcast %jit3A_258 : f32 to vector<256x256xf32>
        %select_n3A_260 = arith.select %eq3A_257, %select_n3A, %broadcast_in_dim3A_259 : vector<256x256xi1>, vector<256x256xf32>
        %reduce_sum3A_261 = arith.constant dense<0.000000e+00> : vector<256xf32>
        %reduce_sum3A_262 = vector.multi_reduction <add>, %select_n3A_260, %reduce_sum3A_261 [0] : vector<256x256xf32> to vector<256xf32>
        %broadcast_in_dim3A_263 = vector.shape_cast %reduce_sum3A_262 : vector<256xf32> to vector<1x256xf32>
        %eq3A_264 = arith.constant 6.000000e+00 : f32
        %eq3A_265 = vector.broadcast %eq3A_264 : f32 to vector<256x256xf32>
        %eq3A_266 = arith.cmpf oeq, %select_n3A_219, %eq3A_265 : vector<256x256xf32>
        %jit3A_267 = arith.constant 0.000000e+00 : f32
        %broadcast_in_dim3A_268 = vector.broadcast %jit3A_267 : f32 to vector<256x256xf32>
        %select_n3A_269 = arith.select %eq3A_266, %select_n3A, %broadcast_in_dim3A_268 : vector<256x256xi1>, vector<256x256xf32>
        %reduce_sum3A_270 = arith.constant dense<0.000000e+00> : vector<256xf32>
        %reduce_sum3A_271 = vector.multi_reduction <add>, %select_n3A_269, %reduce_sum3A_270 [0] : vector<256x256xf32> to vector<256xf32>
        %broadcast_in_dim3A_272 = vector.shape_cast %reduce_sum3A_271 : vector<256xf32> to vector<1x256xf32>
        %eq3A_273 = arith.constant 7.000000e+00 : f32
        %eq3A_274 = vector.broadcast %eq3A_273 : f32 to vector<256x256xf32>
        %eq3A_275 = arith.cmpf oeq, %select_n3A_219, %eq3A_274 : vector<256x256xf32>
        %jit3A_276 = arith.constant 0.000000e+00 : f32
        %broadcast_in_dim3A_277 = vector.broadcast %jit3A_276 : f32 to vector<256x256xf32>
        %select_n3A_278 = arith.select %eq3A_275, %select_n3A, %broadcast_in_dim3A_277 : vector<256x256xi1>, vector<256x256xf32>
        %reduce_sum3A_279 = arith.constant dense<0.000000e+00> : vector<256xf32>
        %reduce_sum3A_280 = vector.multi_reduction <add>, %select_n3A_278, %reduce_sum3A_279 [0] : vector<256x256xf32> to vector<256xf32>
        %broadcast_in_dim3A_281 = vector.shape_cast %reduce_sum3A_280 : vector<256xf32> to vector<1x256xf32>
        %eq3A_282 = arith.constant 8.000000e+00 : f32
        %eq3A_283 = vector.broadcast %eq3A_282 : f32 to vector<256x256xf32>
        %eq3A_284 = arith.cmpf oeq, %select_n3A_219, %eq3A_283 : vector<256x256xf32>
        %jit3A_285 = arith.constant 0.000000e+00 : f32
        %broadcast_in_dim3A_286 = vector.broadcast %jit3A_285 : f32 to vector<256x256xf32>
        %select_n3A_287 = arith.select %eq3A_284, %select_n3A, %broadcast_in_dim3A_286 : vector<256x256xi1>, vector<256x256xf32>
        %reduce_sum3A_288 = arith.constant dense<0.000000e+00> : vector<256xf32>
        %reduce_sum3A_289 = vector.multi_reduction <add>, %select_n3A_287, %reduce_sum3A_288 [0] : vector<256x256xf32> to vector<256xf32>
        %broadcast_in_dim3A_290 = vector.shape_cast %reduce_sum3A_289 : vector<256xf32> to vector<1x256xf32>
        %eq3A_291 = arith.constant 9.000000e+00 : f32
        %eq3A_292 = vector.broadcast %eq3A_291 : f32 to vector<256x256xf32>
        %eq3A_293 = arith.cmpf oeq, %select_n3A_219, %eq3A_292 : vector<256x256xf32>
        %jit3A_294 = arith.constant 0.000000e+00 : f32
        %broadcast_in_dim3A_295 = vector.broadcast %jit3A_294 : f32 to vector<256x256xf32>
        %select_n3A_296 = arith.select %eq3A_293, %select_n3A, %broadcast_in_dim3A_295 : vector<256x256xi1>, vector<256x256xf32>
        %reduce_sum3A_297 = arith.constant dense<0.000000e+00> : vector<256xf32>
        %reduce_sum3A_298 = vector.multi_reduction <add>, %select_n3A_296, %reduce_sum3A_297 [0] : vector<256x256xf32> to vector<256xf32>
        %broadcast_in_dim3A_299 = vector.shape_cast %reduce_sum3A_298 : vector<256xf32> to vector<1x256xf32>
        %eq3A_300 = arith.constant 1.000000e+01 : f32
        %eq3A_301 = vector.broadcast %eq3A_300 : f32 to vector<256x256xf32>
        %eq3A_302 = arith.cmpf oeq, %select_n3A_219, %eq3A_301 : vector<256x256xf32>
        %jit3A_303 = arith.constant 0.000000e+00 : f32
        %broadcast_in_dim3A_304 = vector.broadcast %jit3A_303 : f32 to vector<256x256xf32>
        %select_n3A_305 = arith.select %eq3A_302, %select_n3A, %broadcast_in_dim3A_304 : vector<256x256xi1>, vector<256x256xf32>
        %reduce_sum3A_306 = arith.constant dense<0.000000e+00> : vector<256xf32>
        %reduce_sum3A_307 = vector.multi_reduction <add>, %select_n3A_305, %reduce_sum3A_306 [0] : vector<256x256xf32> to vector<256xf32>
        %broadcast_in_dim3A_308 = vector.shape_cast %reduce_sum3A_307 : vector<256xf32> to vector<1x256xf32>
        %eq3A_309 = arith.constant 1.100000e+01 : f32
        %eq3A_310 = vector.broadcast %eq3A_309 : f32 to vector<256x256xf32>
        %eq3A_311 = arith.cmpf oeq, %select_n3A_219, %eq3A_310 : vector<256x256xf32>
        %jit3A_312 = arith.constant 0.000000e+00 : f32
        %broadcast_in_dim3A_313 = vector.broadcast %jit3A_312 : f32 to vector<256x256xf32>
        %select_n3A_314 = arith.select %eq3A_311, %select_n3A, %broadcast_in_dim3A_313 : vector<256x256xi1>, vector<256x256xf32>
        %reduce_sum3A_315 = arith.constant dense<0.000000e+00> : vector<256xf32>
        %reduce_sum3A_316 = vector.multi_reduction <add>, %select_n3A_314, %reduce_sum3A_315 [0] : vector<256x256xf32> to vector<256xf32>
        %broadcast_in_dim3A_317 = vector.shape_cast %reduce_sum3A_316 : vector<256xf32> to vector<1x256xf32>
        %eq3A_318 = arith.constant 1.200000e+01 : f32
        %eq3A_319 = vector.broadcast %eq3A_318 : f32 to vector<256x256xf32>
        %eq3A_320 = arith.cmpf oeq, %select_n3A_219, %eq3A_319 : vector<256x256xf32>
        %jit3A_321 = arith.constant 0.000000e+00 : f32
        %broadcast_in_dim3A_322 = vector.broadcast %jit3A_321 : f32 to vector<256x256xf32>
        %select_n3A_323 = arith.select %eq3A_320, %select_n3A, %broadcast_in_dim3A_322 : vector<256x256xi1>, vector<256x256xf32>
        %reduce_sum3A_324 = arith.constant dense<0.000000e+00> : vector<256xf32>
        %reduce_sum3A_325 = vector.multi_reduction <add>, %select_n3A_323, %reduce_sum3A_324 [0] : vector<256x256xf32> to vector<256xf32>
        %broadcast_in_dim3A_326 = vector.shape_cast %reduce_sum3A_325 : vector<256xf32> to vector<1x256xf32>
        %eq3A_327 = arith.constant 1.300000e+01 : f32
        %eq3A_328 = vector.broadcast %eq3A_327 : f32 to vector<256x256xf32>
        %eq3A_329 = arith.cmpf oeq, %select_n3A_219, %eq3A_328 : vector<256x256xf32>
        %jit3A_330 = arith.constant 0.000000e+00 : f32
        %broadcast_in_dim3A_331 = vector.broadcast %jit3A_330 : f32 to vector<256x256xf32>
        %select_n3A_332 = arith.select %eq3A_329, %select_n3A, %broadcast_in_dim3A_331 : vector<256x256xi1>, vector<256x256xf32>
        %reduce_sum3A_333 = arith.constant dense<0.000000e+00> : vector<256xf32>
        %reduce_sum3A_334 = vector.multi_reduction <add>, %select_n3A_332, %reduce_sum3A_333 [0] : vector<256x256xf32> to vector<256xf32>
        %broadcast_in_dim3A_335 = vector.shape_cast %reduce_sum3A_334 : vector<256xf32> to vector<1x256xf32>
        %eq3A_336 = arith.constant 1.400000e+01 : f32
        %eq3A_337 = vector.broadcast %eq3A_336 : f32 to vector<256x256xf32>
        %eq3A_338 = arith.cmpf oeq, %select_n3A_219, %eq3A_337 : vector<256x256xf32>
        %jit3A_339 = arith.constant 0.000000e+00 : f32
        %broadcast_in_dim3A_340 = vector.broadcast %jit3A_339 : f32 to vector<256x256xf32>
        %select_n3A_341 = arith.select %eq3A_338, %select_n3A, %broadcast_in_dim3A_340 : vector<256x256xi1>, vector<256x256xf32>
        %reduce_sum3A_342 = arith.constant dense<0.000000e+00> : vector<256xf32>
        %reduce_sum3A_343 = vector.multi_reduction <add>, %select_n3A_341, %reduce_sum3A_342 [0] : vector<256x256xf32> to vector<256xf32>
        %broadcast_in_dim3A_344 = vector.shape_cast %reduce_sum3A_343 : vector<256xf32> to vector<1x256xf32>
        %eq3A_345 = arith.constant 1.500000e+01 : f32
        %eq3A_346 = vector.broadcast %eq3A_345 : f32 to vector<256x256xf32>
        %eq3A_347 = arith.cmpf oeq, %select_n3A_219, %eq3A_346 : vector<256x256xf32>
        %jit3A_348 = arith.constant 0.000000e+00 : f32
        %broadcast_in_dim3A_349 = vector.broadcast %jit3A_348 : f32 to vector<256x256xf32>
        %select_n3A_350 = arith.select %eq3A_347, %select_n3A, %broadcast_in_dim3A_349 : vector<256x256xi1>, vector<256x256xf32>
        %reduce_sum3A_351 = arith.constant dense<0.000000e+00> : vector<256xf32>
        %reduce_sum3A_352 = vector.multi_reduction <add>, %select_n3A_350, %reduce_sum3A_351 [0] : vector<256x256xf32> to vector<256xf32>
        %broadcast_in_dim3A_353 = vector.shape_cast %reduce_sum3A_352 : vector<256xf32> to vector<1x256xf32>
        %eq3A_354 = arith.constant 1.600000e+01 : f32
        %eq3A_355 = vector.broadcast %eq3A_354 : f32 to vector<256x256xf32>
        %eq3A_356 = arith.cmpf oeq, %select_n3A_219, %eq3A_355 : vector<256x256xf32>
        %jit3A_357 = arith.constant 0.000000e+00 : f32
        %broadcast_in_dim3A_358 = vector.broadcast %jit3A_357 : f32 to vector<256x256xf32>
        %select_n3A_359 = arith.select %eq3A_356, %select_n3A, %broadcast_in_dim3A_358 : vector<256x256xi1>, vector<256x256xf32>
        %reduce_sum3A_360 = arith.constant dense<0.000000e+00> : vector<256xf32>
        %reduce_sum3A_361 = vector.multi_reduction <add>, %select_n3A_359, %reduce_sum3A_360 [0] : vector<256x256xf32> to vector<256xf32>
        %broadcast_in_dim3A_362 = vector.shape_cast %reduce_sum3A_361 : vector<256xf32> to vector<1x256xf32>
        %mul3A_363 = arith.constant 256 : i32
        %mul3A_364 = arith.muli %arg1, %mul3A_363 : i32
        %get3A_365 = arith.constant 0 : index
        %get3A_366 = arith.constant 0 : index
        %get3A_367 = arith.constant 0 : index
        %get3A_368 = arith.index_cast %mul3A_364 : i32 to index
        %get3A_369 = vector.load %arg7[%get3A_365, %get3A_366, %get3A_367, %get3A_368] : memref<1x3x16x8192xf32, #tpu.memory_space<vmem>>, vector<1x1x16x256xf32>
        %get3A_370 = vector.shape_cast %get3A_369 : vector<1x1x16x256xf32> to vector<16x256xf32>
        %concatenate3A = tpu.concatenate %broadcast_in_dim3A_227, %broadcast_in_dim3A_236, %broadcast_in_dim3A_245, %broadcast_in_dim3A_254, %broadcast_in_dim3A_263, %broadcast_in_dim3A_272, %broadcast_in_dim3A_281, %broadcast_in_dim3A_290, %broadcast_in_dim3A_299, %broadcast_in_dim3A_308, %broadcast_in_dim3A_317, %broadcast_in_dim3A_326, %broadcast_in_dim3A_335, %broadcast_in_dim3A_344, %broadcast_in_dim3A_353, %broadcast_in_dim3A_362 in 0 : vector<1x256xf32>, vector<1x256xf32>, vector<1x256xf32>, vector<1x256xf32>, vector<1x256xf32>, vector<1x256xf32>, vector<1x256xf32>, vector<1x256xf32>, vector<1x256xf32>, vector<1x256xf32>, vector<1x256xf32>, vector<1x256xf32>, vector<1x256xf32>, vector<1x256xf32>, vector<1x256xf32>, vector<1x256xf32> -> vector<16x256xf32>
        %add3A_371 = arith.addf %get3A_370, %concatenate3A : vector<16x256xf32>
        %swap3A = arith.constant 0 : index
        %swap3A_372 = arith.constant 0 : index
        %swap3A_373 = arith.constant 0 : index
        %swap3A_374 = arith.index_cast %mul3A_364 : i32 to index
        %swap3A_375 = vector.load %arg7[%swap3A, %swap3A_372, %swap3A_373, %swap3A_374] : memref<1x3x16x8192xf32, #tpu.memory_space<vmem>>, vector<1x1x16x256xf32>
        %swap3A_376 = vector.shape_cast %swap3A_375 : vector<1x1x16x256xf32> to vector<16x256xf32>
        %swap3A_377 = vector.shape_cast %add3A_371 : vector<16x256xf32> to vector<1x1x16x256xf32>
        tpu.vector_store %arg7[%swap3A, %swap3A_372, %swap3A_373, %swap3A_374], %swap3A_377 {strides = array<i32>} : memref<1x3x16x8192xf32, #tpu.memory_space<vmem>>, vector<1x1x16x256xf32>,
        %reduce_sum3A_378 = arith.constant dense<0.000000e+00> : vector<256xf32>
        %reduce_sum3A_379 = vector.multi_reduction <add>, %convert_element_type3A_104, %reduce_sum3A_378 [0] : vector<256x256xf32> to vector<256xf32>
        %broadcast_in_dim3A_380 = vector.shape_cast %reduce_sum3A_379 : vector<256xf32> to vector<1x256xf32>
        %add3A_381 = arith.addf %get3A_125, %broadcast_in_dim3A_380 : vector<1x256xf32>
        %swap3A_382 = arith.constant 0 : index
        %swap3A_383 = arith.constant 0 : index
        %swap3A_384 = arith.constant 0 : index
        %swap3A_385 = vector.load %arg10[%swap3A_382, %swap3A_383, %swap3A_384] : memref<3x1x256xf32, #tpu.memory_space<vmem>>, vector<1x1x256xf32>
        %swap3A_386 = vector.shape_cast %swap3A_385 : vector<1x1x256xf32> to vector<1x256xf32>
        %swap3A_387 = vector.shape_cast %add3A_381 : vector<1x256xf32> to vector<1x1x256xf32>
        tpu.vector_store %arg10[%swap3A_382, %swap3A_383, %swap3A_384], %swap3A_387 {strides = array<i32>} : memref<3x1x256xf32, #tpu.memory_space<vmem>>, vector<1x1x256xf32>,
      } else {
      }
      %le3A_136 = arith.constant 6.250000e-02 : f32
      %le3A_137 = vector.broadcast %le3A_136 : f32 to vector<256x256xf32>
      %le3A_138 = arith.cmpf ole, %max3A_81, %le3A_137 : vector<256x256xf32>
      %convert_element_type3A_139 = arith.extui %le3A_138 : vector<256x256xi1> to vector<256x256xi32>
      %convert_element_type3A_140 = arith.sitofp %convert_element_type3A_139 : vector<256x256xi32> to vector<256x256xf32>
      %mul3A_141 = arith.constant 256 : i32
      %mul3A_142 = arith.muli %arg2, %mul3A_141 : i32
      %get3A_143 = arith.constant 1 : index
      %get3A_144 = arith.index_cast %mul3A_142 : i32 to index
      %get3A_145 = arith.constant 0 : index
      %get3A_146 = vector.load %arg9[%get3A_143, %get3A_144, %get3A_145] : memref<3x2048x1xf32, #tpu.memory_space<vmem>>, vector<1x256x1xf32>
      %get3A_147 = vector.shape_cast %get3A_146 : vector<1x256x1xf32> to vector<256x1xf32>
      %reduce_min3A_148 = vector.shape_cast %get3A_147 : vector<256x1xf32> to vector<1x256x1xf32>
      %reduce_min3A_149 = arith.constant dense<0x7F800000> : vector<1xf32>
      %reduce_min3A_150 = vector.multi_reduction <minimumf>, %reduce_min3A_148, %reduce_min3A_149 [1, 2] : vector<1x256x1xf32> to vector<1xf32>
      %reduce_min3A_151 = vector.shape_cast %reduce_min3A_150 : vector<1xf32> to vector<1x1x1xf32>
      %reduce_min3A_152 = vector.extract %reduce_min3A_151[0, 0, 0] : f32 from vector<1x1x1xf32>
      %lt3A_153 = arith.constant 1.600000e+01 : f32
      %lt3A_154 = arith.cmpf olt, %reduce_min3A_152, %lt3A_153 : f32
      %convert_element_type3A_155 = arith.extui %lt3A_154 : i1 to i32
      %cond3A_156 = arith.constant 0 : i32
      %cond3A_157 = arith.cmpi ne, %convert_element_type3A_155, %cond3A_156 : i32
      scf.if %cond3A_157 {
        %dot_general3A = arith.constant dense<0.000000e+00> : vector<256x256xf32>
        %dot_general3A_210 = tpu.matmul %convert_element_type3A_140, %convert_element_type3A_96, %dot_general3A {dimension_numbers = #tpu.dot_dimension_numbers<[1], [0], [0], [1], [0, 0, 1, 1], [], []>, transpose_lhs_hint = false} : vector<256x256xf32>, vector<256x256xf32>, vector<256x256xf32> -> vector<256x256xf32>
        %add3A_211 = vector.broadcast %get3A_147 : vector<256x1xf32> to vector<256x256xf32>
        %add3A_212 = arith.addf %add3A_211, %dot_general3A_210 : vector<256x256xf32>
        %le3A_213 = arith.constant 1.600000e+01 : f32
        %le3A_214 = vector.broadcast %le3A_213 : f32 to vector<256x256xf32>
        %le3A_215 = arith.cmpf ole, %add3A_212, %le3A_214 : vector<256x256xf32>
        %and3A_216 = arith.andi %le3A_138, %le3A_215 : vector<256x256xi1>
        %jit3A = arith.constant 0.000000e+00 : f32
        %broadcast_in_dim3A = vector.broadcast %jit3A : f32 to vector<256x256xf32>
        %select_n3A = arith.select %and3A_216, %add3A_89, %broadcast_in_dim3A : vector<256x256xi1>, vector<256x256xf32>
        %jit3A_217 = arith.constant 0.000000e+00 : f32
        %broadcast_in_dim3A_218 = vector.broadcast %jit3A_217 : f32 to vector<256x256xf32>
        %select_n3A_219 = arith.select %and3A_216, %add3A_212, %broadcast_in_dim3A_218 : vector<256x256xi1>, vector<256x256xf32>
        %eq3A_220 = arith.constant 1.000000e+00 : f32
        %eq3A_221 = vector.broadcast %eq3A_220 : f32 to vector<256x256xf32>
        %eq3A_222 = arith.cmpf oeq, %select_n3A_219, %eq3A_221 : vector<256x256xf32>
        %jit3A_223 = arith.constant 0.000000e+00 : f32
        %broadcast_in_dim3A_224 = vector.broadcast %jit3A_223 : f32 to vector<256x256xf32>
        %select_n3A_225 = arith.select %eq3A_222, %select_n3A, %broadcast_in_dim3A_224 : vector<256x256xi1>, vector<256x256xf32>
        %reduce_sum3A = arith.constant dense<0.000000e+00> : vector<256xf32>
        %reduce_sum3A_226 = vector.multi_reduction <add>, %select_n3A_225, %reduce_sum3A [1] : vector<256x256xf32> to vector<256xf32>
        %broadcast_in_dim3A_227 = vector.shape_cast %reduce_sum3A_226 : vector<256xf32> to vector<256x1xf32>
        %eq3A_228 = arith.constant 2.000000e+00 : f32
        %eq3A_229 = vector.broadcast %eq3A_228 : f32 to vector<256x256xf32>
        %eq3A_230 = arith.cmpf oeq, %select_n3A_219, %eq3A_229 : vector<256x256xf32>
        %jit3A_231 = arith.constant 0.000000e+00 : f32
        %broadcast_in_dim3A_232 = vector.broadcast %jit3A_231 : f32 to vector<256x256xf32>
        %select_n3A_233 = arith.select %eq3A_230, %select_n3A, %broadcast_in_dim3A_232 : vector<256x256xi1>, vector<256x256xf32>
        %reduce_sum3A_234 = arith.constant dense<0.000000e+00> : vector<256xf32>
        %reduce_sum3A_235 = vector.multi_reduction <add>, %select_n3A_233, %reduce_sum3A_234 [1] : vector<256x256xf32> to vector<256xf32>
        %broadcast_in_dim3A_236 = vector.shape_cast %reduce_sum3A_235 : vector<256xf32> to vector<256x1xf32>
        %eq3A_237 = arith.constant 3.000000e+00 : f32
        %eq3A_238 = vector.broadcast %eq3A_237 : f32 to vector<256x256xf32>
        %eq3A_239 = arith.cmpf oeq, %select_n3A_219, %eq3A_238 : vector<256x256xf32>
        %jit3A_240 = arith.constant 0.000000e+00 : f32
        %broadcast_in_dim3A_241 = vector.broadcast %jit3A_240 : f32 to vector<256x256xf32>
        %select_n3A_242 = arith.select %eq3A_239, %select_n3A, %broadcast_in_dim3A_241 : vector<256x256xi1>, vector<256x256xf32>
        %reduce_sum3A_243 = arith.constant dense<0.000000e+00> : vector<256xf32>
        %reduce_sum3A_244 = vector.multi_reduction <add>, %select_n3A_242, %reduce_sum3A_243 [1] : vector<256x256xf32> to vector<256xf32>
        %broadcast_in_dim3A_245 = vector.shape_cast %reduce_sum3A_244 : vector<256xf32> to vector<256x1xf32>
        %eq3A_246 = arith.constant 4.000000e+00 : f32
        %eq3A_247 = vector.broadcast %eq3A_246 : f32 to vector<256x256xf32>
        %eq3A_248 = arith.cmpf oeq, %select_n3A_219, %eq3A_247 : vector<256x256xf32>
        %jit3A_249 = arith.constant 0.000000e+00 : f32
        %broadcast_in_dim3A_250 = vector.broadcast %jit3A_249 : f32 to vector<256x256xf32>
        %select_n3A_251 = arith.select %eq3A_248, %select_n3A, %broadcast_in_dim3A_250 : vector<256x256xi1>, vector<256x256xf32>
        %reduce_sum3A_252 = arith.constant dense<0.000000e+00> : vector<256xf32>
        %reduce_sum3A_253 = vector.multi_reduction <add>, %select_n3A_251, %reduce_sum3A_252 [1] : vector<256x256xf32> to vector<256xf32>
        %broadcast_in_dim3A_254 = vector.shape_cast %reduce_sum3A_253 : vector<256xf32> to vector<256x1xf32>
        %eq3A_255 = arith.constant 5.000000e+00 : f32
        %eq3A_256 = vector.broadcast %eq3A_255 : f32 to vector<256x256xf32>
        %eq3A_257 = arith.cmpf oeq, %select_n3A_219, %eq3A_256 : vector<256x256xf32>
        %jit3A_258 = arith.constant 0.000000e+00 : f32
        %broadcast_in_dim3A_259 = vector.broadcast %jit3A_258 : f32 to vector<256x256xf32>
        %select_n3A_260 = arith.select %eq3A_257, %select_n3A, %broadcast_in_dim3A_259 : vector<256x256xi1>, vector<256x256xf32>
        %reduce_sum3A_261 = arith.constant dense<0.000000e+00> : vector<256xf32>
        %reduce_sum3A_262 = vector.multi_reduction <add>, %select_n3A_260, %reduce_sum3A_261 [1] : vector<256x256xf32> to vector<256xf32>
        %broadcast_in_dim3A_263 = vector.shape_cast %reduce_sum3A_262 : vector<256xf32> to vector<256x1xf32>
        %eq3A_264 = arith.constant 6.000000e+00 : f32
        %eq3A_265 = vector.broadcast %eq3A_264 : f32 to vector<256x256xf32>
        %eq3A_266 = arith.cmpf oeq, %select_n3A_219, %eq3A_265 : vector<256x256xf32>
        %jit3A_267 = arith.constant 0.000000e+00 : f32
        %broadcast_in_dim3A_268 = vector.broadcast %jit3A_267 : f32 to vector<256x256xf32>
        %select_n3A_269 = arith.select %eq3A_266, %select_n3A, %broadcast_in_dim3A_268 : vector<256x256xi1>, vector<256x256xf32>
        %reduce_sum3A_270 = arith.constant dense<0.000000e+00> : vector<256xf32>
        %reduce_sum3A_271 = vector.multi_reduction <add>, %select_n3A_269, %reduce_sum3A_270 [1] : vector<256x256xf32> to vector<256xf32>
        %broadcast_in_dim3A_272 = vector.shape_cast %reduce_sum3A_271 : vector<256xf32> to vector<256x1xf32>
        %eq3A_273 = arith.constant 7.000000e+00 : f32
        %eq3A_274 = vector.broadcast %eq3A_273 : f32 to vector<256x256xf32>
        %eq3A_275 = arith.cmpf oeq, %select_n3A_219, %eq3A_274 : vector<256x256xf32>
        %jit3A_276 = arith.constant 0.000000e+00 : f32
        %broadcast_in_dim3A_277 = vector.broadcast %jit3A_276 : f32 to vector<256x256xf32>
        %select_n3A_278 = arith.select %eq3A_275, %select_n3A, %broadcast_in_dim3A_277 : vector<256x256xi1>, vector<256x256xf32>
        %reduce_sum3A_279 = arith.constant dense<0.000000e+00> : vector<256xf32>
        %reduce_sum3A_280 = vector.multi_reduction <add>, %select_n3A_278, %reduce_sum3A_279 [1] : vector<256x256xf32> to vector<256xf32>
        %broadcast_in_dim3A_281 = vector.shape_cast %reduce_sum3A_280 : vector<256xf32> to vector<256x1xf32>
        %eq3A_282 = arith.constant 8.000000e+00 : f32
        %eq3A_283 = vector.broadcast %eq3A_282 : f32 to vector<256x256xf32>
        %eq3A_284 = arith.cmpf oeq, %select_n3A_219, %eq3A_283 : vector<256x256xf32>
        %jit3A_285 = arith.constant 0.000000e+00 : f32
        %broadcast_in_dim3A_286 = vector.broadcast %jit3A_285 : f32 to vector<256x256xf32>
        %select_n3A_287 = arith.select %eq3A_284, %select_n3A, %broadcast_in_dim3A_286 : vector<256x256xi1>, vector<256x256xf32>
        %reduce_sum3A_288 = arith.constant dense<0.000000e+00> : vector<256xf32>
        %reduce_sum3A_289 = vector.multi_reduction <add>, %select_n3A_287, %reduce_sum3A_288 [1] : vector<256x256xf32> to vector<256xf32>
        %broadcast_in_dim3A_290 = vector.shape_cast %reduce_sum3A_289 : vector<256xf32> to vector<256x1xf32>
        %eq3A_291 = arith.constant 9.000000e+00 : f32
        %eq3A_292 = vector.broadcast %eq3A_291 : f32 to vector<256x256xf32>
        %eq3A_293 = arith.cmpf oeq, %select_n3A_219, %eq3A_292 : vector<256x256xf32>
        %jit3A_294 = arith.constant 0.000000e+00 : f32
        %broadcast_in_dim3A_295 = vector.broadcast %jit3A_294 : f32 to vector<256x256xf32>
        %select_n3A_296 = arith.select %eq3A_293, %select_n3A, %broadcast_in_dim3A_295 : vector<256x256xi1>, vector<256x256xf32>
        %reduce_sum3A_297 = arith.constant dense<0.000000e+00> : vector<256xf32>
        %reduce_sum3A_298 = vector.multi_reduction <add>, %select_n3A_296, %reduce_sum3A_297 [1] : vector<256x256xf32> to vector<256xf32>
        %broadcast_in_dim3A_299 = vector.shape_cast %reduce_sum3A_298 : vector<256xf32> to vector<256x1xf32>
        %eq3A_300 = arith.constant 1.000000e+01 : f32
        %eq3A_301 = vector.broadcast %eq3A_300 : f32 to vector<256x256xf32>
        %eq3A_302 = arith.cmpf oeq, %select_n3A_219, %eq3A_301 : vector<256x256xf32>
        %jit3A_303 = arith.constant 0.000000e+00 : f32
        %broadcast_in_dim3A_304 = vector.broadcast %jit3A_303 : f32 to vector<256x256xf32>
        %select_n3A_305 = arith.select %eq3A_302, %select_n3A, %broadcast_in_dim3A_304 : vector<256x256xi1>, vector<256x256xf32>
        %reduce_sum3A_306 = arith.constant dense<0.000000e+00> : vector<256xf32>
        %reduce_sum3A_307 = vector.multi_reduction <add>, %select_n3A_305, %reduce_sum3A_306 [1] : vector<256x256xf32> to vector<256xf32>
        %broadcast_in_dim3A_308 = vector.shape_cast %reduce_sum3A_307 : vector<256xf32> to vector<256x1xf32>
        %eq3A_309 = arith.constant 1.100000e+01 : f32
        %eq3A_310 = vector.broadcast %eq3A_309 : f32 to vector<256x256xf32>
        %eq3A_311 = arith.cmpf oeq, %select_n3A_219, %eq3A_310 : vector<256x256xf32>
        %jit3A_312 = arith.constant 0.000000e+00 : f32
        %broadcast_in_dim3A_313 = vector.broadcast %jit3A_312 : f32 to vector<256x256xf32>
        %select_n3A_314 = arith.select %eq3A_311, %select_n3A, %broadcast_in_dim3A_313 : vector<256x256xi1>, vector<256x256xf32>
        %reduce_sum3A_315 = arith.constant dense<0.000000e+00> : vector<256xf32>
        %reduce_sum3A_316 = vector.multi_reduction <add>, %select_n3A_314, %reduce_sum3A_315 [1] : vector<256x256xf32> to vector<256xf32>
        %broadcast_in_dim3A_317 = vector.shape_cast %reduce_sum3A_316 : vector<256xf32> to vector<256x1xf32>
        %eq3A_318 = arith.constant 1.200000e+01 : f32
        %eq3A_319 = vector.broadcast %eq3A_318 : f32 to vector<256x256xf32>
        %eq3A_320 = arith.cmpf oeq, %select_n3A_219, %eq3A_319 : vector<256x256xf32>
        %jit3A_321 = arith.constant 0.000000e+00 : f32
        %broadcast_in_dim3A_322 = vector.broadcast %jit3A_321 : f32 to vector<256x256xf32>
        %select_n3A_323 = arith.select %eq3A_320, %select_n3A, %broadcast_in_dim3A_322 : vector<256x256xi1>, vector<256x256xf32>
        %reduce_sum3A_324 = arith.constant dense<0.000000e+00> : vector<256xf32>
        %reduce_sum3A_325 = vector.multi_reduction <add>, %select_n3A_323, %reduce_sum3A_324 [1] : vector<256x256xf32> to vector<256xf32>
        %broadcast_in_dim3A_326 = vector.shape_cast %reduce_sum3A_325 : vector<256xf32> to vector<256x1xf32>
        %eq3A_327 = arith.constant 1.300000e+01 : f32
        %eq3A_328 = vector.broadcast %eq3A_327 : f32 to vector<256x256xf32>
        %eq3A_329 = arith.cmpf oeq, %select_n3A_219, %eq3A_328 : vector<256x256xf32>
        %jit3A_330 = arith.constant 0.000000e+00 : f32
        %broadcast_in_dim3A_331 = vector.broadcast %jit3A_330 : f32 to vector<256x256xf32>
        %select_n3A_332 = arith.select %eq3A_329, %select_n3A, %broadcast_in_dim3A_331 : vector<256x256xi1>, vector<256x256xf32>
        %reduce_sum3A_333 = arith.constant dense<0.000000e+00> : vector<256xf32>
        %reduce_sum3A_334 = vector.multi_reduction <add>, %select_n3A_332, %reduce_sum3A_333 [1] : vector<256x256xf32> to vector<256xf32>
        %broadcast_in_dim3A_335 = vector.shape_cast %reduce_sum3A_334 : vector<256xf32> to vector<256x1xf32>
        %eq3A_336 = arith.constant 1.400000e+01 : f32
        %eq3A_337 = vector.broadcast %eq3A_336 : f32 to vector<256x256xf32>
        %eq3A_338 = arith.cmpf oeq, %select_n3A_219, %eq3A_337 : vector<256x256xf32>
        %jit3A_339 = arith.constant 0.000000e+00 : f32
        %broadcast_in_dim3A_340 = vector.broadcast %jit3A_339 : f32 to vector<256x256xf32>
        %select_n3A_341 = arith.select %eq3A_338, %select_n3A, %broadcast_in_dim3A_340 : vector<256x256xi1>, vector<256x256xf32>
        %reduce_sum3A_342 = arith.constant dense<0.000000e+00> : vector<256xf32>
        %reduce_sum3A_343 = vector.multi_reduction <add>, %select_n3A_341, %reduce_sum3A_342 [1] : vector<256x256xf32> to vector<256xf32>
        %broadcast_in_dim3A_344 = vector.shape_cast %reduce_sum3A_343 : vector<256xf32> to vector<256x1xf32>
        %eq3A_345 = arith.constant 1.500000e+01 : f32
        %eq3A_346 = vector.broadcast %eq3A_345 : f32 to vector<256x256xf32>
        %eq3A_347 = arith.cmpf oeq, %select_n3A_219, %eq3A_346 : vector<256x256xf32>
        %jit3A_348 = arith.constant 0.000000e+00 : f32
        %broadcast_in_dim3A_349 = vector.broadcast %jit3A_348 : f32 to vector<256x256xf32>
        %select_n3A_350 = arith.select %eq3A_347, %select_n3A, %broadcast_in_dim3A_349 : vector<256x256xi1>, vector<256x256xf32>
        %reduce_sum3A_351 = arith.constant dense<0.000000e+00> : vector<256xf32>
        %reduce_sum3A_352 = vector.multi_reduction <add>, %select_n3A_350, %reduce_sum3A_351 [1] : vector<256x256xf32> to vector<256xf32>
        %broadcast_in_dim3A_353 = vector.shape_cast %reduce_sum3A_352 : vector<256xf32> to vector<256x1xf32>
        %eq3A_354 = arith.constant 1.600000e+01 : f32
        %eq3A_355 = vector.broadcast %eq3A_354 : f32 to vector<256x256xf32>
        %eq3A_356 = arith.cmpf oeq, %select_n3A_219, %eq3A_355 : vector<256x256xf32>
        %jit3A_357 = arith.constant 0.000000e+00 : f32
        %broadcast_in_dim3A_358 = vector.broadcast %jit3A_357 : f32 to vector<256x256xf32>
        %select_n3A_359 = arith.select %eq3A_356, %select_n3A, %broadcast_in_dim3A_358 : vector<256x256xi1>, vector<256x256xf32>
        %reduce_sum3A_360 = arith.constant dense<0.000000e+00> : vector<256xf32>
        %reduce_sum3A_361 = vector.multi_reduction <add>, %select_n3A_359, %reduce_sum3A_360 [1] : vector<256x256xf32> to vector<256xf32>
        %broadcast_in_dim3A_362 = vector.shape_cast %reduce_sum3A_361 : vector<256xf32> to vector<256x1xf32>
        %mul3A_363 = arith.constant 256 : i32
        %mul3A_364 = arith.muli %arg2, %mul3A_363 : i32
        %get3A_365 = arith.constant 0 : index
        %get3A_366 = arith.constant 1 : index
        %get3A_367 = arith.index_cast %mul3A_364 : i32 to index
        %get3A_368 = arith.constant 0 : index
        %get3A_369 = vector.load %arg5[%get3A_365, %get3A_366, %get3A_367, %get3A_368] : memref<1x3x2048x16xf32, #tpu.memory_space<vmem>>, vector<1x1x256x16xf32>
        %get3A_370 = vector.shape_cast %get3A_369 : vector<1x1x256x16xf32> to vector<256x16xf32>
        %concatenate3A = tpu.concatenate %broadcast_in_dim3A_227, %broadcast_in_dim3A_236, %broadcast_in_dim3A_245, %broadcast_in_dim3A_254, %broadcast_in_dim3A_263, %broadcast_in_dim3A_272, %broadcast_in_dim3A_281, %broadcast_in_dim3A_290, %broadcast_in_dim3A_299, %broadcast_in_dim3A_308, %broadcast_in_dim3A_317, %broadcast_in_dim3A_326, %broadcast_in_dim3A_335, %broadcast_in_dim3A_344, %broadcast_in_dim3A_353, %broadcast_in_dim3A_362 in 1 : vector<256x1xf32>, vector<256x1xf32>, vector<256x1xf32>, vector<256x1xf32>, vector<256x1xf32>, vector<256x1xf32>, vector<256x1xf32>, vector<256x1xf32>, vector<256x1xf32>, vector<256x1xf32>, vector<256x1xf32>, vector<256x1xf32>, vector<256x1xf32>, vector<256x1xf32>, vector<256x1xf32>, vector<256x1xf32> -> vector<256x16xf32>
        %add3A_371 = arith.addf %get3A_370, %concatenate3A : vector<256x16xf32>
        %swap3A = arith.constant 0 : index
        %swap3A_372 = arith.constant 1 : index
        %swap3A_373 = arith.index_cast %mul3A_364 : i32 to index
        %swap3A_374 = arith.constant 0 : index
        %swap3A_375 = vector.load %arg5[%swap3A, %swap3A_372, %swap3A_373, %swap3A_374] : memref<1x3x2048x16xf32, #tpu.memory_space<vmem>>, vector<1x1x256x16xf32>
        %swap3A_376 = vector.shape_cast %swap3A_375 : vector<1x1x256x16xf32> to vector<256x16xf32>
        %swap3A_377 = vector.shape_cast %add3A_371 : vector<256x16xf32> to vector<1x1x256x16xf32>
        tpu.vector_store %arg5[%swap3A, %swap3A_372, %swap3A_373, %swap3A_374], %swap3A_377 {strides = array<i32>} : memref<1x3x2048x16xf32, #tpu.memory_space<vmem>>, vector<1x1x256x16xf32>,
        %reduce_sum3A_378 = arith.constant dense<0.000000e+00> : vector<256xf32>
        %reduce_sum3A_379 = vector.multi_reduction <add>, %convert_element_type3A_140, %reduce_sum3A_378 [1] : vector<256x256xf32> to vector<256xf32>
        %broadcast_in_dim3A_380 = vector.shape_cast %reduce_sum3A_379 : vector<256xf32> to vector<256x1xf32>
        %add3A_381 = arith.addf %get3A_147, %broadcast_in_dim3A_380 : vector<256x1xf32>
        %mul3A_382 = arith.constant 256 : i32
        %mul3A_383 = arith.muli %arg2, %mul3A_382 : i32
        %swap3A_384 = arith.constant 1 : index
        %swap3A_385 = arith.index_cast %mul3A_383 : i32 to index
        %swap3A_386 = arith.constant 0 : index
        %swap3A_387 = vector.load %arg9[%swap3A_384, %swap3A_385, %swap3A_386] : memref<3x2048x1xf32, #tpu.memory_space<vmem>>, vector<1x256x1xf32>
        %swap3A_388 = vector.shape_cast %swap3A_387 : vector<1x256x1xf32> to vector<256x1xf32>
        %swap3A_389 = vector.shape_cast %add3A_381 : vector<256x1xf32> to vector<1x256x1xf32>
        tpu.vector_store %arg9[%swap3A_384, %swap3A_385, %swap3A_386], %swap3A_389 {strides = array<i32>} : memref<3x2048x1xf32, #tpu.memory_space<vmem>>, vector<1x256x1xf32>,
      } else {
      }
      %get3A_158 = arith.constant 1 : index
      %get3A_159 = arith.constant 0 : index
      %get3A_160 = arith.constant 0 : index
      %get3A_161 = vector.load %arg10[%get3A_158, %get3A_159, %get3A_160] : memref<3x1x256xf32, #tpu.memory_space<vmem>>, vector<1x1x256xf32>
      %get3A_162 = vector.shape_cast %get3A_161 : vector<1x1x256xf32> to vector<1x256xf32>
      %reduce_min3A_163 = vector.shape_cast %get3A_162 : vector<1x256xf32> to vector<1x1x256xf32>
      %reduce_min3A_164 = arith.constant dense<0x7F800000> : vector<1xf32>
      %reduce_min3A_165 = vector.multi_reduction <minimumf>, %reduce_min3A_163, %reduce_min3A_164 [1, 2] : vector<1x1x256xf32> to vector<1xf32>
      %reduce_min3A_166 = vector.shape_cast %reduce_min3A_165 : vector<1xf32> to vector<1x1x1xf32>
      %reduce_min3A_167 = vector.extract %reduce_min3A_166[0, 0, 0] : f32 from vector<1x1x1xf32>
      %lt3A_168 = arith.constant 1.600000e+01 : f32
      %lt3A_169 = arith.cmpf olt, %reduce_min3A_167, %lt3A_168 : f32
      %convert_element_type3A_170 = arith.extui %lt3A_169 : i1 to i32
      %cond3A_171 = arith.constant 0 : i32
      %cond3A_172 = arith.cmpi ne, %convert_element_type3A_170, %cond3A_171 : i32
      scf.if %cond3A_172 {
        %dot_general3A = arith.constant dense<0.000000e+00> : vector<256x256xf32>
        %dot_general3A_210 = tpu.matmul %convert_element_type3A_99, %convert_element_type3A_140, %dot_general3A {dimension_numbers = #tpu.dot_dimension_numbers<[1], [0], [0], [1], [0, 0, 1, 1], [], []>, transpose_lhs_hint = false} : vector<256x256xf32>, vector<256x256xf32>, vector<256x256xf32> -> vector<256x256xf32>
        %add3A_211 = vector.broadcast %get3A_162 : vector<1x256xf32> to vector<256x256xf32>
        %add3A_212 = arith.addf %add3A_211, %dot_general3A_210 : vector<256x256xf32>
        %le3A_213 = arith.constant 1.600000e+01 : f32
        %le3A_214 = vector.broadcast %le3A_213 : f32 to vector<256x256xf32>
        %le3A_215 = arith.cmpf ole, %add3A_212, %le3A_214 : vector<256x256xf32>
        %and3A_216 = arith.andi %le3A_138, %le3A_215 : vector<256x256xi1>
        %jit3A = arith.constant 0.000000e+00 : f32
        %broadcast_in_dim3A = vector.broadcast %jit3A : f32 to vector<256x256xf32>
        %select_n3A = arith.select %and3A_216, %add3A_94, %broadcast_in_dim3A : vector<256x256xi1>, vector<256x256xf32>
        %jit3A_217 = arith.constant 0.000000e+00 : f32
        %broadcast_in_dim3A_218 = vector.broadcast %jit3A_217 : f32 to vector<256x256xf32>
        %select_n3A_219 = arith.select %and3A_216, %add3A_212, %broadcast_in_dim3A_218 : vector<256x256xi1>, vector<256x256xf32>
        %eq3A_220 = arith.constant 1.000000e+00 : f32
        %eq3A_221 = vector.broadcast %eq3A_220 : f32 to vector<256x256xf32>
        %eq3A_222 = arith.cmpf oeq, %select_n3A_219, %eq3A_221 : vector<256x256xf32>
        %jit3A_223 = arith.constant 0.000000e+00 : f32
        %broadcast_in_dim3A_224 = vector.broadcast %jit3A_223 : f32 to vector<256x256xf32>
        %select_n3A_225 = arith.select %eq3A_222, %select_n3A, %broadcast_in_dim3A_224 : vector<256x256xi1>, vector<256x256xf32>
        %reduce_sum3A = arith.constant dense<0.000000e+00> : vector<256xf32>
        %reduce_sum3A_226 = vector.multi_reduction <add>, %select_n3A_225, %reduce_sum3A [0] : vector<256x256xf32> to vector<256xf32>
        %broadcast_in_dim3A_227 = vector.shape_cast %reduce_sum3A_226 : vector<256xf32> to vector<1x256xf32>
        %eq3A_228 = arith.constant 2.000000e+00 : f32
        %eq3A_229 = vector.broadcast %eq3A_228 : f32 to vector<256x256xf32>
        %eq3A_230 = arith.cmpf oeq, %select_n3A_219, %eq3A_229 : vector<256x256xf32>
        %jit3A_231 = arith.constant 0.000000e+00 : f32
        %broadcast_in_dim3A_232 = vector.broadcast %jit3A_231 : f32 to vector<256x256xf32>
        %select_n3A_233 = arith.select %eq3A_230, %select_n3A, %broadcast_in_dim3A_232 : vector<256x256xi1>, vector<256x256xf32>
        %reduce_sum3A_234 = arith.constant dense<0.000000e+00> : vector<256xf32>
        %reduce_sum3A_235 = vector.multi_reduction <add>, %select_n3A_233, %reduce_sum3A_234 [0] : vector<256x256xf32> to vector<256xf32>
        %broadcast_in_dim3A_236 = vector.shape_cast %reduce_sum3A_235 : vector<256xf32> to vector<1x256xf32>
        %eq3A_237 = arith.constant 3.000000e+00 : f32
        %eq3A_238 = vector.broadcast %eq3A_237 : f32 to vector<256x256xf32>
        %eq3A_239 = arith.cmpf oeq, %select_n3A_219, %eq3A_238 : vector<256x256xf32>
        %jit3A_240 = arith.constant 0.000000e+00 : f32
        %broadcast_in_dim3A_241 = vector.broadcast %jit3A_240 : f32 to vector<256x256xf32>
        %select_n3A_242 = arith.select %eq3A_239, %select_n3A, %broadcast_in_dim3A_241 : vector<256x256xi1>, vector<256x256xf32>
        %reduce_sum3A_243 = arith.constant dense<0.000000e+00> : vector<256xf32>
        %reduce_sum3A_244 = vector.multi_reduction <add>, %select_n3A_242, %reduce_sum3A_243 [0] : vector<256x256xf32> to vector<256xf32>
        %broadcast_in_dim3A_245 = vector.shape_cast %reduce_sum3A_244 : vector<256xf32> to vector<1x256xf32>
        %eq3A_246 = arith.constant 4.000000e+00 : f32
        %eq3A_247 = vector.broadcast %eq3A_246 : f32 to vector<256x256xf32>
        %eq3A_248 = arith.cmpf oeq, %select_n3A_219, %eq3A_247 : vector<256x256xf32>
        %jit3A_249 = arith.constant 0.000000e+00 : f32
        %broadcast_in_dim3A_250 = vector.broadcast %jit3A_249 : f32 to vector<256x256xf32>
        %select_n3A_251 = arith.select %eq3A_248, %select_n3A, %broadcast_in_dim3A_250 : vector<256x256xi1>, vector<256x256xf32>
        %reduce_sum3A_252 = arith.constant dense<0.000000e+00> : vector<256xf32>
        %reduce_sum3A_253 = vector.multi_reduction <add>, %select_n3A_251, %reduce_sum3A_252 [0] : vector<256x256xf32> to vector<256xf32>
        %broadcast_in_dim3A_254 = vector.shape_cast %reduce_sum3A_253 : vector<256xf32> to vector<1x256xf32>
        %eq3A_255 = arith.constant 5.000000e+00 : f32
        %eq3A_256 = vector.broadcast %eq3A_255 : f32 to vector<256x256xf32>
        %eq3A_257 = arith.cmpf oeq, %select_n3A_219, %eq3A_256 : vector<256x256xf32>
        %jit3A_258 = arith.constant 0.000000e+00 : f32
        %broadcast_in_dim3A_259 = vector.broadcast %jit3A_258 : f32 to vector<256x256xf32>
        %select_n3A_260 = arith.select %eq3A_257, %select_n3A, %broadcast_in_dim3A_259 : vector<256x256xi1>, vector<256x256xf32>
        %reduce_sum3A_261 = arith.constant dense<0.000000e+00> : vector<256xf32>
        %reduce_sum3A_262 = vector.multi_reduction <add>, %select_n3A_260, %reduce_sum3A_261 [0] : vector<256x256xf32> to vector<256xf32>
        %broadcast_in_dim3A_263 = vector.shape_cast %reduce_sum3A_262 : vector<256xf32> to vector<1x256xf32>
        %eq3A_264 = arith.constant 6.000000e+00 : f32
        %eq3A_265 = vector.broadcast %eq3A_264 : f32 to vector<256x256xf32>
        %eq3A_266 = arith.cmpf oeq, %select_n3A_219, %eq3A_265 : vector<256x256xf32>
        %jit3A_267 = arith.constant 0.000000e+00 : f32
        %broadcast_in_dim3A_268 = vector.broadcast %jit3A_267 : f32 to vector<256x256xf32>
        %select_n3A_269 = arith.select %eq3A_266, %select_n3A, %broadcast_in_dim3A_268 : vector<256x256xi1>, vector<256x256xf32>
        %reduce_sum3A_270 = arith.constant dense<0.000000e+00> : vector<256xf32>
        %reduce_sum3A_271 = vector.multi_reduction <add>, %select_n3A_269, %reduce_sum3A_270 [0] : vector<256x256xf32> to vector<256xf32>
        %broadcast_in_dim3A_272 = vector.shape_cast %reduce_sum3A_271 : vector<256xf32> to vector<1x256xf32>
        %eq3A_273 = arith.constant 7.000000e+00 : f32
        %eq3A_274 = vector.broadcast %eq3A_273 : f32 to vector<256x256xf32>
        %eq3A_275 = arith.cmpf oeq, %select_n3A_219, %eq3A_274 : vector<256x256xf32>
        %jit3A_276 = arith.constant 0.000000e+00 : f32
        %broadcast_in_dim3A_277 = vector.broadcast %jit3A_276 : f32 to vector<256x256xf32>
        %select_n3A_278 = arith.select %eq3A_275, %select_n3A, %broadcast_in_dim3A_277 : vector<256x256xi1>, vector<256x256xf32>
        %reduce_sum3A_279 = arith.constant dense<0.000000e+00> : vector<256xf32>
        %reduce_sum3A_280 = vector.multi_reduction <add>, %select_n3A_278, %reduce_sum3A_279 [0] : vector<256x256xf32> to vector<256xf32>
        %broadcast_in_dim3A_281 = vector.shape_cast %reduce_sum3A_280 : vector<256xf32> to vector<1x256xf32>
        %eq3A_282 = arith.constant 8.000000e+00 : f32
        %eq3A_283 = vector.broadcast %eq3A_282 : f32 to vector<256x256xf32>
        %eq3A_284 = arith.cmpf oeq, %select_n3A_219, %eq3A_283 : vector<256x256xf32>
        %jit3A_285 = arith.constant 0.000000e+00 : f32
        %broadcast_in_dim3A_286 = vector.broadcast %jit3A_285 : f32 to vector<256x256xf32>
        %select_n3A_287 = arith.select %eq3A_284, %select_n3A, %broadcast_in_dim3A_286 : vector<256x256xi1>, vector<256x256xf32>
        %reduce_sum3A_288 = arith.constant dense<0.000000e+00> : vector<256xf32>
        %reduce_sum3A_289 = vector.multi_reduction <add>, %select_n3A_287, %reduce_sum3A_288 [0] : vector<256x256xf32> to vector<256xf32>
        %broadcast_in_dim3A_290 = vector.shape_cast %reduce_sum3A_289 : vector<256xf32> to vector<1x256xf32>
        %eq3A_291 = arith.constant 9.000000e+00 : f32
        %eq3A_292 = vector.broadcast %eq3A_291 : f32 to vector<256x256xf32>
        %eq3A_293 = arith.cmpf oeq, %select_n3A_219, %eq3A_292 : vector<256x256xf32>
        %jit3A_294 = arith.constant 0.000000e+00 : f32
        %broadcast_in_dim3A_295 = vector.broadcast %jit3A_294 : f32 to vector<256x256xf32>
        %select_n3A_296 = arith.select %eq3A_293, %select_n3A, %broadcast_in_dim3A_295 : vector<256x256xi1>, vector<256x256xf32>
        %reduce_sum3A_297 = arith.constant dense<0.000000e+00> : vector<256xf32>
        %reduce_sum3A_298 = vector.multi_reduction <add>, %select_n3A_296, %reduce_sum3A_297 [0] : vector<256x256xf32> to vector<256xf32>
        %broadcast_in_dim3A_299 = vector.shape_cast %reduce_sum3A_298 : vector<256xf32> to vector<1x256xf32>
        %eq3A_300 = arith.constant 1.000000e+01 : f32
        %eq3A_301 = vector.broadcast %eq3A_300 : f32 to vector<256x256xf32>
        %eq3A_302 = arith.cmpf oeq, %select_n3A_219, %eq3A_301 : vector<256x256xf32>
        %jit3A_303 = arith.constant 0.000000e+00 : f32
        %broadcast_in_dim3A_304 = vector.broadcast %jit3A_303 : f32 to vector<256x256xf32>
        %select_n3A_305 = arith.select %eq3A_302, %select_n3A, %broadcast_in_dim3A_304 : vector<256x256xi1>, vector<256x256xf32>
        %reduce_sum3A_306 = arith.constant dense<0.000000e+00> : vector<256xf32>
        %reduce_sum3A_307 = vector.multi_reduction <add>, %select_n3A_305, %reduce_sum3A_306 [0] : vector<256x256xf32> to vector<256xf32>
        %broadcast_in_dim3A_308 = vector.shape_cast %reduce_sum3A_307 : vector<256xf32> to vector<1x256xf32>
        %eq3A_309 = arith.constant 1.100000e+01 : f32
        %eq3A_310 = vector.broadcast %eq3A_309 : f32 to vector<256x256xf32>
        %eq3A_311 = arith.cmpf oeq, %select_n3A_219, %eq3A_310 : vector<256x256xf32>
        %jit3A_312 = arith.constant 0.000000e+00 : f32
        %broadcast_in_dim3A_313 = vector.broadcast %jit3A_312 : f32 to vector<256x256xf32>
        %select_n3A_314 = arith.select %eq3A_311, %select_n3A, %broadcast_in_dim3A_313 : vector<256x256xi1>, vector<256x256xf32>
        %reduce_sum3A_315 = arith.constant dense<0.000000e+00> : vector<256xf32>
        %reduce_sum3A_316 = vector.multi_reduction <add>, %select_n3A_314, %reduce_sum3A_315 [0] : vector<256x256xf32> to vector<256xf32>
        %broadcast_in_dim3A_317 = vector.shape_cast %reduce_sum3A_316 : vector<256xf32> to vector<1x256xf32>
        %eq3A_318 = arith.constant 1.200000e+01 : f32
        %eq3A_319 = vector.broadcast %eq3A_318 : f32 to vector<256x256xf32>
        %eq3A_320 = arith.cmpf oeq, %select_n3A_219, %eq3A_319 : vector<256x256xf32>
        %jit3A_321 = arith.constant 0.000000e+00 : f32
        %broadcast_in_dim3A_322 = vector.broadcast %jit3A_321 : f32 to vector<256x256xf32>
        %select_n3A_323 = arith.select %eq3A_320, %select_n3A, %broadcast_in_dim3A_322 : vector<256x256xi1>, vector<256x256xf32>
        %reduce_sum3A_324 = arith.constant dense<0.000000e+00> : vector<256xf32>
        %reduce_sum3A_325 = vector.multi_reduction <add>, %select_n3A_323, %reduce_sum3A_324 [0] : vector<256x256xf32> to vector<256xf32>
        %broadcast_in_dim3A_326 = vector.shape_cast %reduce_sum3A_325 : vector<256xf32> to vector<1x256xf32>
        %eq3A_327 = arith.constant 1.300000e+01 : f32
        %eq3A_328 = vector.broadcast %eq3A_327 : f32 to vector<256x256xf32>
        %eq3A_329 = arith.cmpf oeq, %select_n3A_219, %eq3A_328 : vector<256x256xf32>
        %jit3A_330 = arith.constant 0.000000e+00 : f32
        %broadcast_in_dim3A_331 = vector.broadcast %jit3A_330 : f32 to vector<256x256xf32>
        %select_n3A_332 = arith.select %eq3A_329, %select_n3A, %broadcast_in_dim3A_331 : vector<256x256xi1>, vector<256x256xf32>
        %reduce_sum3A_333 = arith.constant dense<0.000000e+00> : vector<256xf32>
        %reduce_sum3A_334 = vector.multi_reduction <add>, %select_n3A_332, %reduce_sum3A_333 [0] : vector<256x256xf32> to vector<256xf32>
        %broadcast_in_dim3A_335 = vector.shape_cast %reduce_sum3A_334 : vector<256xf32> to vector<1x256xf32>
        %eq3A_336 = arith.constant 1.400000e+01 : f32
        %eq3A_337 = vector.broadcast %eq3A_336 : f32 to vector<256x256xf32>
        %eq3A_338 = arith.cmpf oeq, %select_n3A_219, %eq3A_337 : vector<256x256xf32>
        %jit3A_339 = arith.constant 0.000000e+00 : f32
        %broadcast_in_dim3A_340 = vector.broadcast %jit3A_339 : f32 to vector<256x256xf32>
        %select_n3A_341 = arith.select %eq3A_338, %select_n3A, %broadcast_in_dim3A_340 : vector<256x256xi1>, vector<256x256xf32>
        %reduce_sum3A_342 = arith.constant dense<0.000000e+00> : vector<256xf32>
        %reduce_sum3A_343 = vector.multi_reduction <add>, %select_n3A_341, %reduce_sum3A_342 [0] : vector<256x256xf32> to vector<256xf32>
        %broadcast_in_dim3A_344 = vector.shape_cast %reduce_sum3A_343 : vector<256xf32> to vector<1x256xf32>
        %eq3A_345 = arith.constant 1.500000e+01 : f32
        %eq3A_346 = vector.broadcast %eq3A_345 : f32 to vector<256x256xf32>
        %eq3A_347 = arith.cmpf oeq, %select_n3A_219, %eq3A_346 : vector<256x256xf32>
        %jit3A_348 = arith.constant 0.000000e+00 : f32
        %broadcast_in_dim3A_349 = vector.broadcast %jit3A_348 : f32 to vector<256x256xf32>
        %select_n3A_350 = arith.select %eq3A_347, %select_n3A, %broadcast_in_dim3A_349 : vector<256x256xi1>, vector<256x256xf32>
        %reduce_sum3A_351 = arith.constant dense<0.000000e+00> : vector<256xf32>
        %reduce_sum3A_352 = vector.multi_reduction <add>, %select_n3A_350, %reduce_sum3A_351 [0] : vector<256x256xf32> to vector<256xf32>
        %broadcast_in_dim3A_353 = vector.shape_cast %reduce_sum3A_352 : vector<256xf32> to vector<1x256xf32>
        %eq3A_354 = arith.constant 1.600000e+01 : f32
        %eq3A_355 = vector.broadcast %eq3A_354 : f32 to vector<256x256xf32>
        %eq3A_356 = arith.cmpf oeq, %select_n3A_219, %eq3A_355 : vector<256x256xf32>
        %jit3A_357 = arith.constant 0.000000e+00 : f32
        %broadcast_in_dim3A_358 = vector.broadcast %jit3A_357 : f32 to vector<256x256xf32>
        %select_n3A_359 = arith.select %eq3A_356, %select_n3A, %broadcast_in_dim3A_358 : vector<256x256xi1>, vector<256x256xf32>
        %reduce_sum3A_360 = arith.constant dense<0.000000e+00> : vector<256xf32>
        %reduce_sum3A_361 = vector.multi_reduction <add>, %select_n3A_359, %reduce_sum3A_360 [0] : vector<256x256xf32> to vector<256xf32>
        %broadcast_in_dim3A_362 = vector.shape_cast %reduce_sum3A_361 : vector<256xf32> to vector<1x256xf32>
        %mul3A_363 = arith.constant 256 : i32
        %mul3A_364 = arith.muli %arg1, %mul3A_363 : i32
        %get3A_365 = arith.constant 0 : index
        %get3A_366 = arith.constant 1 : index
        %get3A_367 = arith.constant 0 : index
        %get3A_368 = arith.index_cast %mul3A_364 : i32 to index
        %get3A_369 = vector.load %arg7[%get3A_365, %get3A_366, %get3A_367, %get3A_368] : memref<1x3x16x8192xf32, #tpu.memory_space<vmem>>, vector<1x1x16x256xf32>
        %get3A_370 = vector.shape_cast %get3A_369 : vector<1x1x16x256xf32> to vector<16x256xf32>
        %concatenate3A = tpu.concatenate %broadcast_in_dim3A_227, %broadcast_in_dim3A_236, %broadcast_in_dim3A_245, %broadcast_in_dim3A_254, %broadcast_in_dim3A_263, %broadcast_in_dim3A_272, %broadcast_in_dim3A_281, %broadcast_in_dim3A_290, %broadcast_in_dim3A_299, %broadcast_in_dim3A_308, %broadcast_in_dim3A_317, %broadcast_in_dim3A_326, %broadcast_in_dim3A_335, %broadcast_in_dim3A_344, %broadcast_in_dim3A_353, %broadcast_in_dim3A_362 in 0 : vector<1x256xf32>, vector<1x256xf32>, vector<1x256xf32>, vector<1x256xf32>, vector<1x256xf32>, vector<1x256xf32>, vector<1x256xf32>, vector<1x256xf32>, vector<1x256xf32>, vector<1x256xf32>, vector<1x256xf32>, vector<1x256xf32>, vector<1x256xf32>, vector<1x256xf32>, vector<1x256xf32>, vector<1x256xf32> -> vector<16x256xf32>
        %add3A_371 = arith.addf %get3A_370, %concatenate3A : vector<16x256xf32>
        %swap3A = arith.constant 0 : index
        %swap3A_372 = arith.constant 1 : index
        %swap3A_373 = arith.constant 0 : index
        %swap3A_374 = arith.index_cast %mul3A_364 : i32 to index
        %swap3A_375 = vector.load %arg7[%swap3A, %swap3A_372, %swap3A_373, %swap3A_374] : memref<1x3x16x8192xf32, #tpu.memory_space<vmem>>, vector<1x1x16x256xf32>
        %swap3A_376 = vector.shape_cast %swap3A_375 : vector<1x1x16x256xf32> to vector<16x256xf32>
        %swap3A_377 = vector.shape_cast %add3A_371 : vector<16x256xf32> to vector<1x1x16x256xf32>
        tpu.vector_store %arg7[%swap3A, %swap3A_372, %swap3A_373, %swap3A_374], %swap3A_377 {strides = array<i32>} : memref<1x3x16x8192xf32, #tpu.memory_space<vmem>>, vector<1x1x16x256xf32>,
        %reduce_sum3A_378 = arith.constant dense<0.000000e+00> : vector<256xf32>
        %reduce_sum3A_379 = vector.multi_reduction <add>, %convert_element_type3A_140, %reduce_sum3A_378 [0] : vector<256x256xf32> to vector<256xf32>
        %broadcast_in_dim3A_380 = vector.shape_cast %reduce_sum3A_379 : vector<256xf32> to vector<1x256xf32>
        %add3A_381 = arith.addf %get3A_162, %broadcast_in_dim3A_380 : vector<1x256xf32>
        %swap3A_382 = arith.constant 1 : index
        %swap3A_383 = arith.constant 0 : index
        %swap3A_384 = arith.constant 0 : index
        %swap3A_385 = vector.load %arg10[%swap3A_382, %swap3A_383, %swap3A_384] : memref<3x1x256xf32, #tpu.memory_space<vmem>>, vector<1x1x256xf32>
        %swap3A_386 = vector.shape_cast %swap3A_385 : vector<1x1x256xf32> to vector<1x256xf32>
        %swap3A_387 = vector.shape_cast %add3A_381 : vector<1x256xf32> to vector<1x1x256xf32>
        tpu.vector_store %arg10[%swap3A_382, %swap3A_383, %swap3A_384], %swap3A_387 {strides = array<i32>} : memref<3x1x256xf32, #tpu.memory_space<vmem>>, vector<1x1x256xf32>,
      } else {
      }
      %le3A_173 = arith.constant 2.500000e-01 : f32
      %le3A_174 = vector.broadcast %le3A_173 : f32 to vector<256x256xf32>
      %le3A_175 = arith.cmpf ole, %max3A_81, %le3A_174 : vector<256x256xf32>
      %convert_element_type3A_176 = arith.extui %le3A_175 : vector<256x256xi1> to vector<256x256xi32>
      %convert_element_type3A_177 = arith.sitofp %convert_element_type3A_176 : vector<256x256xi32> to vector<256x256xf32>
      %mul3A_178 = arith.constant 256 : i32
      %mul3A_179 = arith.muli %arg2, %mul3A_178 : i32
      %get3A_180 = arith.constant 2 : index
      %get3A_181 = arith.index_cast %mul3A_179 : i32 to index
      %get3A_182 = arith.constant 0 : index
      %get3A_183 = vector.load %arg9[%get3A_180, %get3A_181, %get3A_182] : memref<3x2048x1xf32, #tpu.memory_space<vmem>>, vector<1x256x1xf32>
      %get3A_184 = vector.shape_cast %get3A_183 : vector<1x256x1xf32> to vector<256x1xf32>
      %reduce_min3A_185 = vector.shape_cast %get3A_184 : vector<256x1xf32> to vector<1x256x1xf32>
      %reduce_min3A_186 = arith.constant dense<0x7F800000> : vector<1xf32>
      %reduce_min3A_187 = vector.multi_reduction <minimumf>, %reduce_min3A_185, %reduce_min3A_186 [1, 2] : vector<1x256x1xf32> to vector<1xf32>
      %reduce_min3A_188 = vector.shape_cast %reduce_min3A_187 : vector<1xf32> to vector<1x1x1xf32>
      %reduce_min3A_189 = vector.extract %reduce_min3A_188[0, 0, 0] : f32 from vector<1x1x1xf32>
      %lt3A_190 = arith.constant 1.600000e+01 : f32
      %lt3A_191 = arith.cmpf olt, %reduce_min3A_189, %lt3A_190 : f32
      %convert_element_type3A_192 = arith.extui %lt3A_191 : i1 to i32
      %cond3A_193 = arith.constant 0 : i32
      %cond3A_194 = arith.cmpi ne, %convert_element_type3A_192, %cond3A_193 : i32
      scf.if %cond3A_194 {
        %dot_general3A = arith.constant dense<0.000000e+00> : vector<256x256xf32>
        %dot_general3A_210 = tpu.matmul %convert_element_type3A_177, %convert_element_type3A_96, %dot_general3A {dimension_numbers = #tpu.dot_dimension_numbers<[1], [0], [0], [1], [0, 0, 1, 1], [], []>, transpose_lhs_hint = false} : vector<256x256xf32>, vector<256x256xf32>, vector<256x256xf32> -> vector<256x256xf32>
        %add3A_211 = vector.broadcast %get3A_184 : vector<256x1xf32> to vector<256x256xf32>
        %add3A_212 = arith.addf %add3A_211, %dot_general3A_210 : vector<256x256xf32>
        %le3A_213 = arith.constant 1.600000e+01 : f32
        %le3A_214 = vector.broadcast %le3A_213 : f32 to vector<256x256xf32>
        %le3A_215 = arith.cmpf ole, %add3A_212, %le3A_214 : vector<256x256xf32>
        %and3A_216 = arith.andi %le3A_175, %le3A_215 : vector<256x256xi1>
        %jit3A = arith.constant 0.000000e+00 : f32
        %broadcast_in_dim3A = vector.broadcast %jit3A : f32 to vector<256x256xf32>
        %select_n3A = arith.select %and3A_216, %add3A_89, %broadcast_in_dim3A : vector<256x256xi1>, vector<256x256xf32>
        %jit3A_217 = arith.constant 0.000000e+00 : f32
        %broadcast_in_dim3A_218 = vector.broadcast %jit3A_217 : f32 to vector<256x256xf32>
        %select_n3A_219 = arith.select %and3A_216, %add3A_212, %broadcast_in_dim3A_218 : vector<256x256xi1>, vector<256x256xf32>
        %eq3A_220 = arith.constant 1.000000e+00 : f32
        %eq3A_221 = vector.broadcast %eq3A_220 : f32 to vector<256x256xf32>
        %eq3A_222 = arith.cmpf oeq, %select_n3A_219, %eq3A_221 : vector<256x256xf32>
        %jit3A_223 = arith.constant 0.000000e+00 : f32
        %broadcast_in_dim3A_224 = vector.broadcast %jit3A_223 : f32 to vector<256x256xf32>
        %select_n3A_225 = arith.select %eq3A_222, %select_n3A, %broadcast_in_dim3A_224 : vector<256x256xi1>, vector<256x256xf32>
        %reduce_sum3A = arith.constant dense<0.000000e+00> : vector<256xf32>
        %reduce_sum3A_226 = vector.multi_reduction <add>, %select_n3A_225, %reduce_sum3A [1] : vector<256x256xf32> to vector<256xf32>
        %broadcast_in_dim3A_227 = vector.shape_cast %reduce_sum3A_226 : vector<256xf32> to vector<256x1xf32>
        %eq3A_228 = arith.constant 2.000000e+00 : f32
        %eq3A_229 = vector.broadcast %eq3A_228 : f32 to vector<256x256xf32>
        %eq3A_230 = arith.cmpf oeq, %select_n3A_219, %eq3A_229 : vector<256x256xf32>
        %jit3A_231 = arith.constant 0.000000e+00 : f32
        %broadcast_in_dim3A_232 = vector.broadcast %jit3A_231 : f32 to vector<256x256xf32>
        %select_n3A_233 = arith.select %eq3A_230, %select_n3A, %broadcast_in_dim3A_232 : vector<256x256xi1>, vector<256x256xf32>
        %reduce_sum3A_234 = arith.constant dense<0.000000e+00> : vector<256xf32>
        %reduce_sum3A_235 = vector.multi_reduction <add>, %select_n3A_233, %reduce_sum3A_234 [1] : vector<256x256xf32> to vector<256xf32>
        %broadcast_in_dim3A_236 = vector.shape_cast %reduce_sum3A_235 : vector<256xf32> to vector<256x1xf32>
        %eq3A_237 = arith.constant 3.000000e+00 : f32
        %eq3A_238 = vector.broadcast %eq3A_237 : f32 to vector<256x256xf32>
        %eq3A_239 = arith.cmpf oeq, %select_n3A_219, %eq3A_238 : vector<256x256xf32>
        %jit3A_240 = arith.constant 0.000000e+00 : f32
        %broadcast_in_dim3A_241 = vector.broadcast %jit3A_240 : f32 to vector<256x256xf32>
        %select_n3A_242 = arith.select %eq3A_239, %select_n3A, %broadcast_in_dim3A_241 : vector<256x256xi1>, vector<256x256xf32>
        %reduce_sum3A_243 = arith.constant dense<0.000000e+00> : vector<256xf32>
        %reduce_sum3A_244 = vector.multi_reduction <add>, %select_n3A_242, %reduce_sum3A_243 [1] : vector<256x256xf32> to vector<256xf32>
        %broadcast_in_dim3A_245 = vector.shape_cast %reduce_sum3A_244 : vector<256xf32> to vector<256x1xf32>
        %eq3A_246 = arith.constant 4.000000e+00 : f32
        %eq3A_247 = vector.broadcast %eq3A_246 : f32 to vector<256x256xf32>
        %eq3A_248 = arith.cmpf oeq, %select_n3A_219, %eq3A_247 : vector<256x256xf32>
        %jit3A_249 = arith.constant 0.000000e+00 : f32
        %broadcast_in_dim3A_250 = vector.broadcast %jit3A_249 : f32 to vector<256x256xf32>
        %select_n3A_251 = arith.select %eq3A_248, %select_n3A, %broadcast_in_dim3A_250 : vector<256x256xi1>, vector<256x256xf32>
        %reduce_sum3A_252 = arith.constant dense<0.000000e+00> : vector<256xf32>
        %reduce_sum3A_253 = vector.multi_reduction <add>, %select_n3A_251, %reduce_sum3A_252 [1] : vector<256x256xf32> to vector<256xf32>
        %broadcast_in_dim3A_254 = vector.shape_cast %reduce_sum3A_253 : vector<256xf32> to vector<256x1xf32>
        %eq3A_255 = arith.constant 5.000000e+00 : f32
        %eq3A_256 = vector.broadcast %eq3A_255 : f32 to vector<256x256xf32>
        %eq3A_257 = arith.cmpf oeq, %select_n3A_219, %eq3A_256 : vector<256x256xf32>
        %jit3A_258 = arith.constant 0.000000e+00 : f32
        %broadcast_in_dim3A_259 = vector.broadcast %jit3A_258 : f32 to vector<256x256xf32>
        %select_n3A_260 = arith.select %eq3A_257, %select_n3A, %broadcast_in_dim3A_259 : vector<256x256xi1>, vector<256x256xf32>
        %reduce_sum3A_261 = arith.constant dense<0.000000e+00> : vector<256xf32>
        %reduce_sum3A_262 = vector.multi_reduction <add>, %select_n3A_260, %reduce_sum3A_261 [1] : vector<256x256xf32> to vector<256xf32>
        %broadcast_in_dim3A_263 = vector.shape_cast %reduce_sum3A_262 : vector<256xf32> to vector<256x1xf32>
        %eq3A_264 = arith.constant 6.000000e+00 : f32
        %eq3A_265 = vector.broadcast %eq3A_264 : f32 to vector<256x256xf32>
        %eq3A_266 = arith.cmpf oeq, %select_n3A_219, %eq3A_265 : vector<256x256xf32>
        %jit3A_267 = arith.constant 0.000000e+00 : f32
        %broadcast_in_dim3A_268 = vector.broadcast %jit3A_267 : f32 to vector<256x256xf32>
        %select_n3A_269 = arith.select %eq3A_266, %select_n3A, %broadcast_in_dim3A_268 : vector<256x256xi1>, vector<256x256xf32>
        %reduce_sum3A_270 = arith.constant dense<0.000000e+00> : vector<256xf32>
        %reduce_sum3A_271 = vector.multi_reduction <add>, %select_n3A_269, %reduce_sum3A_270 [1] : vector<256x256xf32> to vector<256xf32>
        %broadcast_in_dim3A_272 = vector.shape_cast %reduce_sum3A_271 : vector<256xf32> to vector<256x1xf32>
        %eq3A_273 = arith.constant 7.000000e+00 : f32
        %eq3A_274 = vector.broadcast %eq3A_273 : f32 to vector<256x256xf32>
        %eq3A_275 = arith.cmpf oeq, %select_n3A_219, %eq3A_274 : vector<256x256xf32>
        %jit3A_276 = arith.constant 0.000000e+00 : f32
        %broadcast_in_dim3A_277 = vector.broadcast %jit3A_276 : f32 to vector<256x256xf32>
        %select_n3A_278 = arith.select %eq3A_275, %select_n3A, %broadcast_in_dim3A_277 : vector<256x256xi1>, vector<256x256xf32>
        %reduce_sum3A_279 = arith.constant dense<0.000000e+00> : vector<256xf32>
        %reduce_sum3A_280 = vector.multi_reduction <add>, %select_n3A_278, %reduce_sum3A_279 [1] : vector<256x256xf32> to vector<256xf32>
        %broadcast_in_dim3A_281 = vector.shape_cast %reduce_sum3A_280 : vector<256xf32> to vector<256x1xf32>
        %eq3A_282 = arith.constant 8.000000e+00 : f32
        %eq3A_283 = vector.broadcast %eq3A_282 : f32 to vector<256x256xf32>
        %eq3A_284 = arith.cmpf oeq, %select_n3A_219, %eq3A_283 : vector<256x256xf32>
        %jit3A_285 = arith.constant 0.000000e+00 : f32
        %broadcast_in_dim3A_286 = vector.broadcast %jit3A_285 : f32 to vector<256x256xf32>
        %select_n3A_287 = arith.select %eq3A_284, %select_n3A, %broadcast_in_dim3A_286 : vector<256x256xi1>, vector<256x256xf32>
        %reduce_sum3A_288 = arith.constant dense<0.000000e+00> : vector<256xf32>
        %reduce_sum3A_289 = vector.multi_reduction <add>, %select_n3A_287, %reduce_sum3A_288 [1] : vector<256x256xf32> to vector<256xf32>
        %broadcast_in_dim3A_290 = vector.shape_cast %reduce_sum3A_289 : vector<256xf32> to vector<256x1xf32>
        %eq3A_291 = arith.constant 9.000000e+00 : f32
        %eq3A_292 = vector.broadcast %eq3A_291 : f32 to vector<256x256xf32>
        %eq3A_293 = arith.cmpf oeq, %select_n3A_219, %eq3A_292 : vector<256x256xf32>
        %jit3A_294 = arith.constant 0.000000e+00 : f32
        %broadcast_in_dim3A_295 = vector.broadcast %jit3A_294 : f32 to vector<256x256xf32>
        %select_n3A_296 = arith.select %eq3A_293, %select_n3A, %broadcast_in_dim3A_295 : vector<256x256xi1>, vector<256x256xf32>
        %reduce_sum3A_297 = arith.constant dense<0.000000e+00> : vector<256xf32>
        %reduce_sum3A_298 = vector.multi_reduction <add>, %select_n3A_296, %reduce_sum3A_297 [1] : vector<256x256xf32> to vector<256xf32>
        %broadcast_in_dim3A_299 = vector.shape_cast %reduce_sum3A_298 : vector<256xf32> to vector<256x1xf32>
        %eq3A_300 = arith.constant 1.000000e+01 : f32
        %eq3A_301 = vector.broadcast %eq3A_300 : f32 to vector<256x256xf32>
        %eq3A_302 = arith.cmpf oeq, %select_n3A_219, %eq3A_301 : vector<256x256xf32>
        %jit3A_303 = arith.constant 0.000000e+00 : f32
        %broadcast_in_dim3A_304 = vector.broadcast %jit3A_303 : f32 to vector<256x256xf32>
        %select_n3A_305 = arith.select %eq3A_302, %select_n3A, %broadcast_in_dim3A_304 : vector<256x256xi1>, vector<256x256xf32>
        %reduce_sum3A_306 = arith.constant dense<0.000000e+00> : vector<256xf32>
        %reduce_sum3A_307 = vector.multi_reduction <add>, %select_n3A_305, %reduce_sum3A_306 [1] : vector<256x256xf32> to vector<256xf32>
        %broadcast_in_dim3A_308 = vector.shape_cast %reduce_sum3A_307 : vector<256xf32> to vector<256x1xf32>
        %eq3A_309 = arith.constant 1.100000e+01 : f32
        %eq3A_310 = vector.broadcast %eq3A_309 : f32 to vector<256x256xf32>
        %eq3A_311 = arith.cmpf oeq, %select_n3A_219, %eq3A_310 : vector<256x256xf32>
        %jit3A_312 = arith.constant 0.000000e+00 : f32
        %broadcast_in_dim3A_313 = vector.broadcast %jit3A_312 : f32 to vector<256x256xf32>
        %select_n3A_314 = arith.select %eq3A_311, %select_n3A, %broadcast_in_dim3A_313 : vector<256x256xi1>, vector<256x256xf32>
        %reduce_sum3A_315 = arith.constant dense<0.000000e+00> : vector<256xf32>
        %reduce_sum3A_316 = vector.multi_reduction <add>, %select_n3A_314, %reduce_sum3A_315 [1] : vector<256x256xf32> to vector<256xf32>
        %broadcast_in_dim3A_317 = vector.shape_cast %reduce_sum3A_316 : vector<256xf32> to vector<256x1xf32>
        %eq3A_318 = arith.constant 1.200000e+01 : f32
        %eq3A_319 = vector.broadcast %eq3A_318 : f32 to vector<256x256xf32>
        %eq3A_320 = arith.cmpf oeq, %select_n3A_219, %eq3A_319 : vector<256x256xf32>
        %jit3A_321 = arith.constant 0.000000e+00 : f32
        %broadcast_in_dim3A_322 = vector.broadcast %jit3A_321 : f32 to vector<256x256xf32>
        %select_n3A_323 = arith.select %eq3A_320, %select_n3A, %broadcast_in_dim3A_322 : vector<256x256xi1>, vector<256x256xf32>
        %reduce_sum3A_324 = arith.constant dense<0.000000e+00> : vector<256xf32>
        %reduce_sum3A_325 = vector.multi_reduction <add>, %select_n3A_323, %reduce_sum3A_324 [1] : vector<256x256xf32> to vector<256xf32>
        %broadcast_in_dim3A_326 = vector.shape_cast %reduce_sum3A_325 : vector<256xf32> to vector<256x1xf32>
        %eq3A_327 = arith.constant 1.300000e+01 : f32
        %eq3A_328 = vector.broadcast %eq3A_327 : f32 to vector<256x256xf32>
        %eq3A_329 = arith.cmpf oeq, %select_n3A_219, %eq3A_328 : vector<256x256xf32>
        %jit3A_330 = arith.constant 0.000000e+00 : f32
        %broadcast_in_dim3A_331 = vector.broadcast %jit3A_330 : f32 to vector<256x256xf32>
        %select_n3A_332 = arith.select %eq3A_329, %select_n3A, %broadcast_in_dim3A_331 : vector<256x256xi1>, vector<256x256xf32>
        %reduce_sum3A_333 = arith.constant dense<0.000000e+00> : vector<256xf32>
        %reduce_sum3A_334 = vector.multi_reduction <add>, %select_n3A_332, %reduce_sum3A_333 [1] : vector<256x256xf32> to vector<256xf32>
        %broadcast_in_dim3A_335 = vector.shape_cast %reduce_sum3A_334 : vector<256xf32> to vector<256x1xf32>
        %eq3A_336 = arith.constant 1.400000e+01 : f32
        %eq3A_337 = vector.broadcast %eq3A_336 : f32 to vector<256x256xf32>
        %eq3A_338 = arith.cmpf oeq, %select_n3A_219, %eq3A_337 : vector<256x256xf32>
        %jit3A_339 = arith.constant 0.000000e+00 : f32
        %broadcast_in_dim3A_340 = vector.broadcast %jit3A_339 : f32 to vector<256x256xf32>
        %select_n3A_341 = arith.select %eq3A_338, %select_n3A, %broadcast_in_dim3A_340 : vector<256x256xi1>, vector<256x256xf32>
        %reduce_sum3A_342 = arith.constant dense<0.000000e+00> : vector<256xf32>
        %reduce_sum3A_343 = vector.multi_reduction <add>, %select_n3A_341, %reduce_sum3A_342 [1] : vector<256x256xf32> to vector<256xf32>
        %broadcast_in_dim3A_344 = vector.shape_cast %reduce_sum3A_343 : vector<256xf32> to vector<256x1xf32>
        %eq3A_345 = arith.constant 1.500000e+01 : f32
        %eq3A_346 = vector.broadcast %eq3A_345 : f32 to vector<256x256xf32>
        %eq3A_347 = arith.cmpf oeq, %select_n3A_219, %eq3A_346 : vector<256x256xf32>
        %jit3A_348 = arith.constant 0.000000e+00 : f32
        %broadcast_in_dim3A_349 = vector.broadcast %jit3A_348 : f32 to vector<256x256xf32>
        %select_n3A_350 = arith.select %eq3A_347, %select_n3A, %broadcast_in_dim3A_349 : vector<256x256xi1>, vector<256x256xf32>
        %reduce_sum3A_351 = arith.constant dense<0.000000e+00> : vector<256xf32>
        %reduce_sum3A_352 = vector.multi_reduction <add>, %select_n3A_350, %reduce_sum3A_351 [1] : vector<256x256xf32> to vector<256xf32>
        %broadcast_in_dim3A_353 = vector.shape_cast %reduce_sum3A_352 : vector<256xf32> to vector<256x1xf32>
        %eq3A_354 = arith.constant 1.600000e+01 : f32
        %eq3A_355 = vector.broadcast %eq3A_354 : f32 to vector<256x256xf32>
        %eq3A_356 = arith.cmpf oeq, %select_n3A_219, %eq3A_355 : vector<256x256xf32>
        %jit3A_357 = arith.constant 0.000000e+00 : f32
        %broadcast_in_dim3A_358 = vector.broadcast %jit3A_357 : f32 to vector<256x256xf32>
        %select_n3A_359 = arith.select %eq3A_356, %select_n3A, %broadcast_in_dim3A_358 : vector<256x256xi1>, vector<256x256xf32>
        %reduce_sum3A_360 = arith.constant dense<0.000000e+00> : vector<256xf32>
        %reduce_sum3A_361 = vector.multi_reduction <add>, %select_n3A_359, %reduce_sum3A_360 [1] : vector<256x256xf32> to vector<256xf32>
        %broadcast_in_dim3A_362 = vector.shape_cast %reduce_sum3A_361 : vector<256xf32> to vector<256x1xf32>
        %mul3A_363 = arith.constant 256 : i32
        %mul3A_364 = arith.muli %arg2, %mul3A_363 : i32
        %get3A_365 = arith.constant 0 : index
        %get3A_366 = arith.constant 2 : index
        %get3A_367 = arith.index_cast %mul3A_364 : i32 to index
        %get3A_368 = arith.constant 0 : index
        %get3A_369 = vector.load %arg5[%get3A_365, %get3A_366, %get3A_367, %get3A_368] : memref<1x3x2048x16xf32, #tpu.memory_space<vmem>>, vector<1x1x256x16xf32>
        %get3A_370 = vector.shape_cast %get3A_369 : vector<1x1x256x16xf32> to vector<256x16xf32>
        %concatenate3A = tpu.concatenate %broadcast_in_dim3A_227, %broadcast_in_dim3A_236, %broadcast_in_dim3A_245, %broadcast_in_dim3A_254, %broadcast_in_dim3A_263, %broadcast_in_dim3A_272, %broadcast_in_dim3A_281, %broadcast_in_dim3A_290, %broadcast_in_dim3A_299, %broadcast_in_dim3A_308, %broadcast_in_dim3A_317, %broadcast_in_dim3A_326, %broadcast_in_dim3A_335, %broadcast_in_dim3A_344, %broadcast_in_dim3A_353, %broadcast_in_dim3A_362 in 1 : vector<256x1xf32>, vector<256x1xf32>, vector<256x1xf32>, vector<256x1xf32>, vector<256x1xf32>, vector<256x1xf32>, vector<256x1xf32>, vector<256x1xf32>, vector<256x1xf32>, vector<256x1xf32>, vector<256x1xf32>, vector<256x1xf32>, vector<256x1xf32>, vector<256x1xf32>, vector<256x1xf32>, vector<256x1xf32> -> vector<256x16xf32>
        %add3A_371 = arith.addf %get3A_370, %concatenate3A : vector<256x16xf32>
        %swap3A = arith.constant 0 : index
        %swap3A_372 = arith.constant 2 : index
        %swap3A_373 = arith.index_cast %mul3A_364 : i32 to index
        %swap3A_374 = arith.constant 0 : index
        %swap3A_375 = vector.load %arg5[%swap3A, %swap3A_372, %swap3A_373, %swap3A_374] : memref<1x3x2048x16xf32, #tpu.memory_space<vmem>>, vector<1x1x256x16xf32>
        %swap3A_376 = vector.shape_cast %swap3A_375 : vector<1x1x256x16xf32> to vector<256x16xf32>
        %swap3A_377 = vector.shape_cast %add3A_371 : vector<256x16xf32> to vector<1x1x256x16xf32>
        tpu.vector_store %arg5[%swap3A, %swap3A_372, %swap3A_373, %swap3A_374], %swap3A_377 {strides = array<i32>} : memref<1x3x2048x16xf32, #tpu.memory_space<vmem>>, vector<1x1x256x16xf32>,
        %reduce_sum3A_378 = arith.constant dense<0.000000e+00> : vector<256xf32>
        %reduce_sum3A_379 = vector.multi_reduction <add>, %convert_element_type3A_177, %reduce_sum3A_378 [1] : vector<256x256xf32> to vector<256xf32>
        %broadcast_in_dim3A_380 = vector.shape_cast %reduce_sum3A_379 : vector<256xf32> to vector<256x1xf32>
        %add3A_381 = arith.addf %get3A_184, %broadcast_in_dim3A_380 : vector<256x1xf32>
        %mul3A_382 = arith.constant 256 : i32
        %mul3A_383 = arith.muli %arg2, %mul3A_382 : i32
        %swap3A_384 = arith.constant 2 : index
        %swap3A_385 = arith.index_cast %mul3A_383 : i32 to index
        %swap3A_386 = arith.constant 0 : index
        %swap3A_387 = vector.load %arg9[%swap3A_384, %swap3A_385, %swap3A_386] : memref<3x2048x1xf32, #tpu.memory_space<vmem>>, vector<1x256x1xf32>
        %swap3A_388 = vector.shape_cast %swap3A_387 : vector<1x256x1xf32> to vector<256x1xf32>
        %swap3A_389 = vector.shape_cast %add3A_381 : vector<256x1xf32> to vector<1x256x1xf32>
        tpu.vector_store %arg9[%swap3A_384, %swap3A_385, %swap3A_386], %swap3A_389 {strides = array<i32>} : memref<3x2048x1xf32, #tpu.memory_space<vmem>>, vector<1x256x1xf32>,
      } else {
      }
      %get3A_195 = arith.constant 2 : index
      %get3A_196 = arith.constant 0 : index
      %get3A_197 = arith.constant 0 : index
      %get3A_198 = vector.load %arg10[%get3A_195, %get3A_196, %get3A_197] : memref<3x1x256xf32, #tpu.memory_space<vmem>>, vector<1x1x256xf32>
      %get3A_199 = vector.shape_cast %get3A_198 : vector<1x1x256xf32> to vector<1x256xf32>
      %reduce_min3A_200 = vector.shape_cast %get3A_199 : vector<1x256xf32> to vector<1x1x256xf32>
      %reduce_min3A_201 = arith.constant dense<0x7F800000> : vector<1xf32>
      %reduce_min3A_202 = vector.multi_reduction <minimumf>, %reduce_min3A_200, %reduce_min3A_201 [1, 2] : vector<1x1x256xf32> to vector<1xf32>
      %reduce_min3A_203 = vector.shape_cast %reduce_min3A_202 : vector<1xf32> to vector<1x1x1xf32>
      %reduce_min3A_204 = vector.extract %reduce_min3A_203[0, 0, 0] : f32 from vector<1x1x1xf32>
      %lt3A_205 = arith.constant 1.600000e+01 : f32
      %lt3A_206 = arith.cmpf olt, %reduce_min3A_204, %lt3A_205 : f32
      %convert_element_type3A_207 = arith.extui %lt3A_206 : i1 to i32
      %cond3A_208 = arith.constant 0 : i32
      %cond3A_209 = arith.cmpi ne, %convert_element_type3A_207, %cond3A_208 : i32
      scf.if %cond3A_209 {
        %dot_general3A = arith.constant dense<0.000000e+00> : vector<256x256xf32>
        %dot_general3A_210 = tpu.matmul %convert_element_type3A_99, %convert_element_type3A_177, %dot_general3A {dimension_numbers = #tpu.dot_dimension_numbers<[1], [0], [0], [1], [0, 0, 1, 1], [], []>, transpose_lhs_hint = false} : vector<256x256xf32>, vector<256x256xf32>, vector<256x256xf32> -> vector<256x256xf32>
        %add3A_211 = vector.broadcast %get3A_199 : vector<1x256xf32> to vector<256x256xf32>
        %add3A_212 = arith.addf %add3A_211, %dot_general3A_210 : vector<256x256xf32>
        %le3A_213 = arith.constant 1.600000e+01 : f32
        %le3A_214 = vector.broadcast %le3A_213 : f32 to vector<256x256xf32>
        %le3A_215 = arith.cmpf ole, %add3A_212, %le3A_214 : vector<256x256xf32>
        %and3A_216 = arith.andi %le3A_175, %le3A_215 : vector<256x256xi1>
        %jit3A = arith.constant 0.000000e+00 : f32
        %broadcast_in_dim3A = vector.broadcast %jit3A : f32 to vector<256x256xf32>
        %select_n3A = arith.select %and3A_216, %add3A_94, %broadcast_in_dim3A : vector<256x256xi1>, vector<256x256xf32>
        %jit3A_217 = arith.constant 0.000000e+00 : f32
        %broadcast_in_dim3A_218 = vector.broadcast %jit3A_217 : f32 to vector<256x256xf32>
        %select_n3A_219 = arith.select %and3A_216, %add3A_212, %broadcast_in_dim3A_218 : vector<256x256xi1>, vector<256x256xf32>
        %eq3A_220 = arith.constant 1.000000e+00 : f32
        %eq3A_221 = vector.broadcast %eq3A_220 : f32 to vector<256x256xf32>
        %eq3A_222 = arith.cmpf oeq, %select_n3A_219, %eq3A_221 : vector<256x256xf32>
        %jit3A_223 = arith.constant 0.000000e+00 : f32
        %broadcast_in_dim3A_224 = vector.broadcast %jit3A_223 : f32 to vector<256x256xf32>
        %select_n3A_225 = arith.select %eq3A_222, %select_n3A, %broadcast_in_dim3A_224 : vector<256x256xi1>, vector<256x256xf32>
        %reduce_sum3A = arith.constant dense<0.000000e+00> : vector<256xf32>
        %reduce_sum3A_226 = vector.multi_reduction <add>, %select_n3A_225, %reduce_sum3A [0] : vector<256x256xf32> to vector<256xf32>
        %broadcast_in_dim3A_227 = vector.shape_cast %reduce_sum3A_226 : vector<256xf32> to vector<1x256xf32>
        %eq3A_228 = arith.constant 2.000000e+00 : f32
        %eq3A_229 = vector.broadcast %eq3A_228 : f32 to vector<256x256xf32>
        %eq3A_230 = arith.cmpf oeq, %select_n3A_219, %eq3A_229 : vector<256x256xf32>
        %jit3A_231 = arith.constant 0.000000e+00 : f32
        %broadcast_in_dim3A_232 = vector.broadcast %jit3A_231 : f32 to vector<256x256xf32>
        %select_n3A_233 = arith.select %eq3A_230, %select_n3A, %broadcast_in_dim3A_232 : vector<256x256xi1>, vector<256x256xf32>
        %reduce_sum3A_234 = arith.constant dense<0.000000e+00> : vector<256xf32>
        %reduce_sum3A_235 = vector.multi_reduction <add>, %select_n3A_233, %reduce_sum3A_234 [0] : vector<256x256xf32> to vector<256xf32>
        %broadcast_in_dim3A_236 = vector.shape_cast %reduce_sum3A_235 : vector<256xf32> to vector<1x256xf32>
        %eq3A_237 = arith.constant 3.000000e+00 : f32
        %eq3A_238 = vector.broadcast %eq3A_237 : f32 to vector<256x256xf32>
        %eq3A_239 = arith.cmpf oeq, %select_n3A_219, %eq3A_238 : vector<256x256xf32>
        %jit3A_240 = arith.constant 0.000000e+00 : f32
        %broadcast_in_dim3A_241 = vector.broadcast %jit3A_240 : f32 to vector<256x256xf32>
        %select_n3A_242 = arith.select %eq3A_239, %select_n3A, %broadcast_in_dim3A_241 : vector<256x256xi1>, vector<256x256xf32>
        %reduce_sum3A_243 = arith.constant dense<0.000000e+00> : vector<256xf32>
        %reduce_sum3A_244 = vector.multi_reduction <add>, %select_n3A_242, %reduce_sum3A_243 [0] : vector<256x256xf32> to vector<256xf32>
        %broadcast_in_dim3A_245 = vector.shape_cast %reduce_sum3A_244 : vector<256xf32> to vector<1x256xf32>
        %eq3A_246 = arith.constant 4.000000e+00 : f32
        %eq3A_247 = vector.broadcast %eq3A_246 : f32 to vector<256x256xf32>
        %eq3A_248 = arith.cmpf oeq, %select_n3A_219, %eq3A_247 : vector<256x256xf32>
        %jit3A_249 = arith.constant 0.000000e+00 : f32
        %broadcast_in_dim3A_250 = vector.broadcast %jit3A_249 : f32 to vector<256x256xf32>
        %select_n3A_251 = arith.select %eq3A_248, %select_n3A, %broadcast_in_dim3A_250 : vector<256x256xi1>, vector<256x256xf32>
        %reduce_sum3A_252 = arith.constant dense<0.000000e+00> : vector<256xf32>
        %reduce_sum3A_253 = vector.multi_reduction <add>, %select_n3A_251, %reduce_sum3A_252 [0] : vector<256x256xf32> to vector<256xf32>
        %broadcast_in_dim3A_254 = vector.shape_cast %reduce_sum3A_253 : vector<256xf32> to vector<1x256xf32>
        %eq3A_255 = arith.constant 5.000000e+00 : f32
        %eq3A_256 = vector.broadcast %eq3A_255 : f32 to vector<256x256xf32>
        %eq3A_257 = arith.cmpf oeq, %select_n3A_219, %eq3A_256 : vector<256x256xf32>
        %jit3A_258 = arith.constant 0.000000e+00 : f32
        %broadcast_in_dim3A_259 = vector.broadcast %jit3A_258 : f32 to vector<256x256xf32>
        %select_n3A_260 = arith.select %eq3A_257, %select_n3A, %broadcast_in_dim3A_259 : vector<256x256xi1>, vector<256x256xf32>
        %reduce_sum3A_261 = arith.constant dense<0.000000e+00> : vector<256xf32>
        %reduce_sum3A_262 = vector.multi_reduction <add>, %select_n3A_260, %reduce_sum3A_261 [0] : vector<256x256xf32> to vector<256xf32>
        %broadcast_in_dim3A_263 = vector.shape_cast %reduce_sum3A_262 : vector<256xf32> to vector<1x256xf32>
        %eq3A_264 = arith.constant 6.000000e+00 : f32
        %eq3A_265 = vector.broadcast %eq3A_264 : f32 to vector<256x256xf32>
        %eq3A_266 = arith.cmpf oeq, %select_n3A_219, %eq3A_265 : vector<256x256xf32>
        %jit3A_267 = arith.constant 0.000000e+00 : f32
        %broadcast_in_dim3A_268 = vector.broadcast %jit3A_267 : f32 to vector<256x256xf32>
        %select_n3A_269 = arith.select %eq3A_266, %select_n3A, %broadcast_in_dim3A_268 : vector<256x256xi1>, vector<256x256xf32>
        %reduce_sum3A_270 = arith.constant dense<0.000000e+00> : vector<256xf32>
        %reduce_sum3A_271 = vector.multi_reduction <add>, %select_n3A_269, %reduce_sum3A_270 [0] : vector<256x256xf32> to vector<256xf32>
        %broadcast_in_dim3A_272 = vector.shape_cast %reduce_sum3A_271 : vector<256xf32> to vector<1x256xf32>
        %eq3A_273 = arith.constant 7.000000e+00 : f32
        %eq3A_274 = vector.broadcast %eq3A_273 : f32 to vector<256x256xf32>
        %eq3A_275 = arith.cmpf oeq, %select_n3A_219, %eq3A_274 : vector<256x256xf32>
        %jit3A_276 = arith.constant 0.000000e+00 : f32
        %broadcast_in_dim3A_277 = vector.broadcast %jit3A_276 : f32 to vector<256x256xf32>
        %select_n3A_278 = arith.select %eq3A_275, %select_n3A, %broadcast_in_dim3A_277 : vector<256x256xi1>, vector<256x256xf32>
        %reduce_sum3A_279 = arith.constant dense<0.000000e+00> : vector<256xf32>
        %reduce_sum3A_280 = vector.multi_reduction <add>, %select_n3A_278, %reduce_sum3A_279 [0] : vector<256x256xf32> to vector<256xf32>
        %broadcast_in_dim3A_281 = vector.shape_cast %reduce_sum3A_280 : vector<256xf32> to vector<1x256xf32>
        %eq3A_282 = arith.constant 8.000000e+00 : f32
        %eq3A_283 = vector.broadcast %eq3A_282 : f32 to vector<256x256xf32>
        %eq3A_284 = arith.cmpf oeq, %select_n3A_219, %eq3A_283 : vector<256x256xf32>
        %jit3A_285 = arith.constant 0.000000e+00 : f32
        %broadcast_in_dim3A_286 = vector.broadcast %jit3A_285 : f32 to vector<256x256xf32>
        %select_n3A_287 = arith.select %eq3A_284, %select_n3A, %broadcast_in_dim3A_286 : vector<256x256xi1>, vector<256x256xf32>
        %reduce_sum3A_288 = arith.constant dense<0.000000e+00> : vector<256xf32>
        %reduce_sum3A_289 = vector.multi_reduction <add>, %select_n3A_287, %reduce_sum3A_288 [0] : vector<256x256xf32> to vector<256xf32>
        %broadcast_in_dim3A_290 = vector.shape_cast %reduce_sum3A_289 : vector<256xf32> to vector<1x256xf32>
        %eq3A_291 = arith.constant 9.000000e+00 : f32
        %eq3A_292 = vector.broadcast %eq3A_291 : f32 to vector<256x256xf32>
        %eq3A_293 = arith.cmpf oeq, %select_n3A_219, %eq3A_292 : vector<256x256xf32>
        %jit3A_294 = arith.constant 0.000000e+00 : f32
        %broadcast_in_dim3A_295 = vector.broadcast %jit3A_294 : f32 to vector<256x256xf32>
        %select_n3A_296 = arith.select %eq3A_293, %select_n3A, %broadcast_in_dim3A_295 : vector<256x256xi1>, vector<256x256xf32>
        %reduce_sum3A_297 = arith.constant dense<0.000000e+00> : vector<256xf32>
        %reduce_sum3A_298 = vector.multi_reduction <add>, %select_n3A_296, %reduce_sum3A_297 [0] : vector<256x256xf32> to vector<256xf32>
        %broadcast_in_dim3A_299 = vector.shape_cast %reduce_sum3A_298 : vector<256xf32> to vector<1x256xf32>
        %eq3A_300 = arith.constant 1.000000e+01 : f32
        %eq3A_301 = vector.broadcast %eq3A_300 : f32 to vector<256x256xf32>
        %eq3A_302 = arith.cmpf oeq, %select_n3A_219, %eq3A_301 : vector<256x256xf32>
        %jit3A_303 = arith.constant 0.000000e+00 : f32
        %broadcast_in_dim3A_304 = vector.broadcast %jit3A_303 : f32 to vector<256x256xf32>
        %select_n3A_305 = arith.select %eq3A_302, %select_n3A, %broadcast_in_dim3A_304 : vector<256x256xi1>, vector<256x256xf32>
        %reduce_sum3A_306 = arith.constant dense<0.000000e+00> : vector<256xf32>
        %reduce_sum3A_307 = vector.multi_reduction <add>, %select_n3A_305, %reduce_sum3A_306 [0] : vector<256x256xf32> to vector<256xf32>
        %broadcast_in_dim3A_308 = vector.shape_cast %reduce_sum3A_307 : vector<256xf32> to vector<1x256xf32>
        %eq3A_309 = arith.constant 1.100000e+01 : f32
        %eq3A_310 = vector.broadcast %eq3A_309 : f32 to vector<256x256xf32>
        %eq3A_311 = arith.cmpf oeq, %select_n3A_219, %eq3A_310 : vector<256x256xf32>
        %jit3A_312 = arith.constant 0.000000e+00 : f32
        %broadcast_in_dim3A_313 = vector.broadcast %jit3A_312 : f32 to vector<256x256xf32>
        %select_n3A_314 = arith.select %eq3A_311, %select_n3A, %broadcast_in_dim3A_313 : vector<256x256xi1>, vector<256x256xf32>
        %reduce_sum3A_315 = arith.constant dense<0.000000e+00> : vector<256xf32>
        %reduce_sum3A_316 = vector.multi_reduction <add>, %select_n3A_314, %reduce_sum3A_315 [0] : vector<256x256xf32> to vector<256xf32>
        %broadcast_in_dim3A_317 = vector.shape_cast %reduce_sum3A_316 : vector<256xf32> to vector<1x256xf32>
        %eq3A_318 = arith.constant 1.200000e+01 : f32
        %eq3A_319 = vector.broadcast %eq3A_318 : f32 to vector<256x256xf32>
        %eq3A_320 = arith.cmpf oeq, %select_n3A_219, %eq3A_319 : vector<256x256xf32>
        %jit3A_321 = arith.constant 0.000000e+00 : f32
        %broadcast_in_dim3A_322 = vector.broadcast %jit3A_321 : f32 to vector<256x256xf32>
        %select_n3A_323 = arith.select %eq3A_320, %select_n3A, %broadcast_in_dim3A_322 : vector<256x256xi1>, vector<256x256xf32>
        %reduce_sum3A_324 = arith.constant dense<0.000000e+00> : vector<256xf32>
        %reduce_sum3A_325 = vector.multi_reduction <add>, %select_n3A_323, %reduce_sum3A_324 [0] : vector<256x256xf32> to vector<256xf32>
        %broadcast_in_dim3A_326 = vector.shape_cast %reduce_sum3A_325 : vector<256xf32> to vector<1x256xf32>
        %eq3A_327 = arith.constant 1.300000e+01 : f32
        %eq3A_328 = vector.broadcast %eq3A_327 : f32 to vector<256x256xf32>
        %eq3A_329 = arith.cmpf oeq, %select_n3A_219, %eq3A_328 : vector<256x256xf32>
        %jit3A_330 = arith.constant 0.000000e+00 : f32
        %broadcast_in_dim3A_331 = vector.broadcast %jit3A_330 : f32 to vector<256x256xf32>
        %select_n3A_332 = arith.select %eq3A_329, %select_n3A, %broadcast_in_dim3A_331 : vector<256x256xi1>, vector<256x256xf32>
        %reduce_sum3A_333 = arith.constant dense<0.000000e+00> : vector<256xf32>
        %reduce_sum3A_334 = vector.multi_reduction <add>, %select_n3A_332, %reduce_sum3A_333 [0] : vector<256x256xf32> to vector<256xf32>
        %broadcast_in_dim3A_335 = vector.shape_cast %reduce_sum3A_334 : vector<256xf32> to vector<1x256xf32>
        %eq3A_336 = arith.constant 1.400000e+01 : f32
        %eq3A_337 = vector.broadcast %eq3A_336 : f32 to vector<256x256xf32>
        %eq3A_338 = arith.cmpf oeq, %select_n3A_219, %eq3A_337 : vector<256x256xf32>
        %jit3A_339 = arith.constant 0.000000e+00 : f32
        %broadcast_in_dim3A_340 = vector.broadcast %jit3A_339 : f32 to vector<256x256xf32>
        %select_n3A_341 = arith.select %eq3A_338, %select_n3A, %broadcast_in_dim3A_340 : vector<256x256xi1>, vector<256x256xf32>
        %reduce_sum3A_342 = arith.constant dense<0.000000e+00> : vector<256xf32>
        %reduce_sum3A_343 = vector.multi_reduction <add>, %select_n3A_341, %reduce_sum3A_342 [0] : vector<256x256xf32> to vector<256xf32>
        %broadcast_in_dim3A_344 = vector.shape_cast %reduce_sum3A_343 : vector<256xf32> to vector<1x256xf32>
        %eq3A_345 = arith.constant 1.500000e+01 : f32
        %eq3A_346 = vector.broadcast %eq3A_345 : f32 to vector<256x256xf32>
        %eq3A_347 = arith.cmpf oeq, %select_n3A_219, %eq3A_346 : vector<256x256xf32>
        %jit3A_348 = arith.constant 0.000000e+00 : f32
        %broadcast_in_dim3A_349 = vector.broadcast %jit3A_348 : f32 to vector<256x256xf32>
        %select_n3A_350 = arith.select %eq3A_347, %select_n3A, %broadcast_in_dim3A_349 : vector<256x256xi1>, vector<256x256xf32>
        %reduce_sum3A_351 = arith.constant dense<0.000000e+00> : vector<256xf32>
        %reduce_sum3A_352 = vector.multi_reduction <add>, %select_n3A_350, %reduce_sum3A_351 [0] : vector<256x256xf32> to vector<256xf32>
        %broadcast_in_dim3A_353 = vector.shape_cast %reduce_sum3A_352 : vector<256xf32> to vector<1x256xf32>
        %eq3A_354 = arith.constant 1.600000e+01 : f32
        %eq3A_355 = vector.broadcast %eq3A_354 : f32 to vector<256x256xf32>
        %eq3A_356 = arith.cmpf oeq, %select_n3A_219, %eq3A_355 : vector<256x256xf32>
        %jit3A_357 = arith.constant 0.000000e+00 : f32
        %broadcast_in_dim3A_358 = vector.broadcast %jit3A_357 : f32 to vector<256x256xf32>
        %select_n3A_359 = arith.select %eq3A_356, %select_n3A, %broadcast_in_dim3A_358 : vector<256x256xi1>, vector<256x256xf32>
        %reduce_sum3A_360 = arith.constant dense<0.000000e+00> : vector<256xf32>
        %reduce_sum3A_361 = vector.multi_reduction <add>, %select_n3A_359, %reduce_sum3A_360 [0] : vector<256x256xf32> to vector<256xf32>
        %broadcast_in_dim3A_362 = vector.shape_cast %reduce_sum3A_361 : vector<256xf32> to vector<1x256xf32>
        %mul3A_363 = arith.constant 256 : i32
        %mul3A_364 = arith.muli %arg1, %mul3A_363 : i32
        %get3A_365 = arith.constant 0 : index
        %get3A_366 = arith.constant 2 : index
        %get3A_367 = arith.constant 0 : index
        %get3A_368 = arith.index_cast %mul3A_364 : i32 to index
        %get3A_369 = vector.load %arg7[%get3A_365, %get3A_366, %get3A_367, %get3A_368] : memref<1x3x16x8192xf32, #tpu.memory_space<vmem>>, vector<1x1x16x256xf32>
        %get3A_370 = vector.shape_cast %get3A_369 : vector<1x1x16x256xf32> to vector<16x256xf32>
        %concatenate3A = tpu.concatenate %broadcast_in_dim3A_227, %broadcast_in_dim3A_236, %broadcast_in_dim3A_245, %broadcast_in_dim3A_254, %broadcast_in_dim3A_263, %broadcast_in_dim3A_272, %broadcast_in_dim3A_281, %broadcast_in_dim3A_290, %broadcast_in_dim3A_299, %broadcast_in_dim3A_308, %broadcast_in_dim3A_317, %broadcast_in_dim3A_326, %broadcast_in_dim3A_335, %broadcast_in_dim3A_344, %broadcast_in_dim3A_353, %broadcast_in_dim3A_362 in 0 : vector<1x256xf32>, vector<1x256xf32>, vector<1x256xf32>, vector<1x256xf32>, vector<1x256xf32>, vector<1x256xf32>, vector<1x256xf32>, vector<1x256xf32>, vector<1x256xf32>, vector<1x256xf32>, vector<1x256xf32>, vector<1x256xf32>, vector<1x256xf32>, vector<1x256xf32>, vector<1x256xf32>, vector<1x256xf32> -> vector<16x256xf32>
        %add3A_371 = arith.addf %get3A_370, %concatenate3A : vector<16x256xf32>
        %swap3A = arith.constant 0 : index
        %swap3A_372 = arith.constant 2 : index
        %swap3A_373 = arith.constant 0 : index
        %swap3A_374 = arith.index_cast %mul3A_364 : i32 to index
        %swap3A_375 = vector.load %arg7[%swap3A, %swap3A_372, %swap3A_373, %swap3A_374] : memref<1x3x16x8192xf32, #tpu.memory_space<vmem>>, vector<1x1x16x256xf32>
        %swap3A_376 = vector.shape_cast %swap3A_375 : vector<1x1x16x256xf32> to vector<16x256xf32>
        %swap3A_377 = vector.shape_cast %add3A_371 : vector<16x256xf32> to vector<1x1x16x256xf32>
        tpu.vector_store %arg7[%swap3A, %swap3A_372, %swap3A_373, %swap3A_374], %swap3A_377 {strides = array<i32>} : memref<1x3x16x8192xf32, #tpu.memory_space<vmem>>, vector<1x1x16x256xf32>,
        %reduce_sum3A_378 = arith.constant dense<0.000000e+00> : vector<256xf32>
        %reduce_sum3A_379 = vector.multi_reduction <add>, %convert_element_type3A_177, %reduce_sum3A_378 [0] : vector<256x256xf32> to vector<256xf32>
        %broadcast_in_dim3A_380 = vector.shape_cast %reduce_sum3A_379 : vector<256xf32> to vector<1x256xf32>
        %add3A_381 = arith.addf %get3A_199, %broadcast_in_dim3A_380 : vector<1x256xf32>
        %swap3A_382 = arith.constant 2 : index
        %swap3A_383 = arith.constant 0 : index
        %swap3A_384 = arith.constant 0 : index
        %swap3A_385 = vector.load %arg10[%swap3A_382, %swap3A_383, %swap3A_384] : memref<3x1x256xf32, #tpu.memory_space<vmem>>, vector<1x1x256xf32>
        %swap3A_386 = vector.shape_cast %swap3A_385 : vector<1x1x256xf32> to vector<1x256xf32>
        %swap3A_387 = vector.shape_cast %add3A_381 : vector<1x256xf32> to vector<1x1x256xf32>
        tpu.vector_store %arg10[%swap3A_382, %swap3A_383, %swap3A_384], %swap3A_387 {strides = array<i32>} : memref<3x1x256xf32, #tpu.memory_space<vmem>>, vector<1x1x256xf32>,
      } else {
      }
    } else {
    }
    %eq3A_31 = arith.constant 31 : i32
    %eq3A_32 = arith.cmpi eq, %arg1, %eq3A_31 : i32
    %convert_element_type3A_33 = arith.extui %eq3A_32 : i1 to i32
    %cond3A_34 = arith.constant 0 : i32
    %cond3A_35 = arith.cmpi ne, %convert_element_type3A_33, %cond3A_34 : i32
    scf.if %cond3A_35 {
      %mul3A_41 = arith.constant 256 : i32
      %mul3A_42 = arith.muli %arg2, %mul3A_41 : i32
      %get3A_43 = arith.constant 0 : index
      %get3A_44 = arith.index_cast %mul3A_42 : i32 to index
      %get3A_45 = arith.constant 0 : index
      %get3A_46 = vector.load %arg9[%get3A_43, %get3A_44, %get3A_45] : memref<3x2048x1xf32, #tpu.memory_space<vmem>>, vector<3x256x1xf32>
      %min3A = arith.constant 1.600000e+01 : f32
      %min3A_47 = vector.broadcast %min3A : f32 to vector<3x256x1xf32>
      %min3A_48 = arith.minimumf %get3A_46, %min3A_47 : vector<3x256x1xf32>
      %mul3A_49 = arith.constant 256 : i32
      %mul3A_50 = arith.muli %arg2, %mul3A_49 : i32
      %swap3A = arith.constant 0 : index
      %swap3A_51 = arith.constant 0 : index
      %swap3A_52 = arith.index_cast %mul3A_50 : i32 to index
      %swap3A_53 = arith.constant 0 : index
      %swap3A_54 = vector.load %arg6[%swap3A, %swap3A_51, %swap3A_52, %swap3A_53] : memref<1x3x2048x1xf32, #tpu.memory_space<vmem>>, vector<1x3x256x1xf32>
      %swap3A_55 = vector.shape_cast %swap3A_54 : vector<1x3x256x1xf32> to vector<3x256x1xf32>
      %swap3A_56 = vector.shape_cast %min3A_48 : vector<3x256x1xf32> to vector<1x3x256x1xf32>
      tpu.vector_store %arg6[%swap3A, %swap3A_51, %swap3A_52, %swap3A_53], %swap3A_56 {strides = array<i32>} : memref<1x3x2048x1xf32, #tpu.memory_space<vmem>>, vector<1x3x256x1xf32>,
    } else {
    }
    %eq3A_36 = arith.constant 7 : i32
    %eq3A_37 = arith.cmpi eq, %arg2, %eq3A_36 : i32
    %convert_element_type3A_38 = arith.extui %eq3A_37 : i1 to i32
    %cond3A_39 = arith.constant 0 : i32
    %cond3A_40 = arith.cmpi ne, %convert_element_type3A_38, %cond3A_39 : i32
    scf.if %cond3A_40 {
      %get3A_41 = arith.constant 0 : index
      %get3A_42 = arith.constant 0 : index
      %get3A_43 = arith.constant 0 : index
      %get3A_44 = vector.load %arg10[%get3A_41, %get3A_42, %get3A_43] : memref<3x1x256xf32, #tpu.memory_space<vmem>>, vector<3x1x256xf32>
      %min3A = arith.constant 1.600000e+01 : f32
      %min3A_45 = vector.broadcast %min3A : f32 to vector<3x1x256xf32>
      %min3A_46 = arith.minimumf %get3A_44, %min3A_45 : vector<3x1x256xf32>
      %mul3A_47 = arith.constant 256 : i32
      %mul3A_48 = arith.muli %arg1, %mul3A_47 : i32
      %swap3A = arith.constant 0 : index
      %swap3A_49 = arith.constant 0 : index
      %swap3A_50 = arith.constant 0 : index
      %swap3A_51 = arith.index_cast %mul3A_48 : i32 to index
      %swap3A_52 = vector.load %arg8[%swap3A, %swap3A_49, %swap3A_50, %swap3A_51] : memref<1x3x1x8192xf32, #tpu.memory_space<vmem>>, vector<1x3x1x256xf32>
      %swap3A_53 = vector.shape_cast %swap3A_52 : vector<1x3x1x256xf32> to vector<3x1x256xf32>
      %swap3A_54 = vector.shape_cast %min3A_46 : vector<3x1x256xf32> to vector<1x3x1x256xf32>
      tpu.vector_store %arg8[%swap3A, %swap3A_49, %swap3A_50, %swap3A_51], %swap3A_54 {strides = array<i32>} : memref<1x3x1x8192xf32, #tpu.memory_space<vmem>>, vector<1x3x1x256xf32>,
    } else {
    }
    return
  }
  func.func @transform_0(%arg0: i32, %arg1: i32, %arg2: i32) -> (i32, i32, i32) {
    %c0_i32 = arith.constant 0 : i32
    %c0_i32_0 = arith.constant 0 : i32
    return %arg0, %arg2, %c0_i32 : i32, i32, i32
  }
  func.func @transform_1(%arg0: i32, %arg1: i32, %arg2: i32) -> (i32, i32, i32) {
    %c0_i32 = arith.constant 0 : i32
    %c0_i32_0 = arith.constant 0 : i32
    return %arg0, %c0_i32, %arg1 : i32, i32, i32
  }
  func.func @transform_2(%arg0: i32, %arg1: i32, %arg2: i32) -> (i32, i32, i32, i32) {
    %c0_i32 = arith.constant 0 : i32
    %c0_i32_0 = arith.constant 0 : i32
    %c0_i32_1 = arith.constant 0 : i32
    %c0_i32_2 = arith.constant 0 : i32
    return %arg0, %c0_i32, %c0_i32_0, %c0_i32_1 : i32, i32, i32, i32
  }
  func.func @transform_3(%arg0: i32, %arg1: i32, %arg2: i32) -> (i32, i32, i32, i32) {
    %c0_i32 = arith.constant 0 : i32
    %c0_i32_0 = arith.constant 0 : i32
    %c0_i32_1 = arith.constant 0 : i32
    %c0_i32_2 = arith.constant 0 : i32
    return %arg0, %c0_i32, %c0_i32_0, %c0_i32_1 : i32, i32, i32, i32
  }
  func.func @transform_4(%arg0: i32, %arg1: i32, %arg2: i32) -> (i32, i32, i32, i32) {
    %c0_i32 = arith.constant 0 : i32
    %c0_i32_0 = arith.constant 0 : i32
    %c0_i32_1 = arith.constant 0 : i32
    %c0_i32_2 = arith.constant 0 : i32
    return %arg0, %c0_i32, %c0_i32_0, %c0_i32_1 : i32, i32, i32, i32
  }
  func.func @transform_5(%arg0: i32, %arg1: i32, %arg2: i32) -> (i32, i32, i32, i32) {
    %c0_i32 = arith.constant 0 : i32
    %c0_i32_0 = arith.constant 0 : i32
    %c0_i32_1 = arith.constant 0 : i32
    %c0_i32_2 = arith.constant 0 : i32
    return %arg0, %c0_i32, %c0_i32_0, %c0_i32_1 : i32, i32, i32, i32
  }
}

module attributes {stable_mosaic.version = 14 : i64} {
  func.func @_pool_body(%arg0: i32, %arg1: i32, %arg2: i32, %arg3: memref<1x1x4096x16xf32, #tpu.memory_space<vmem>>, %arg4: memref<1x256x2xf32, #tpu.memory_space<vmem>>, %arg5: memref<1x1x256x1xf32, #tpu.memory_space<vmem>>, %arg6: memref<1x10x64xf32, #tpu.memory_space<vmem>>, %arg7: memref<1x1x64xf32, #tpu.memory_space<vmem>>, %arg8: memref<1x64x64xf32, #tpu.memory_space<vmem>>, %arg9: memref<1x1x64xf32, #tpu.memory_space<vmem>>, %arg10: memref<1x1x1x64xf32, #tpu.memory_space<vmem>>) attributes {dimension_semantics = [#tpu.dimension_semantics<arbitrary>, #tpu.dimension_semantics<arbitrary>, #tpu.dimension_semantics<arbitrary>], iteration_bounds = array<i64: 2, 3, 8>, scalar_prefetch = 0 : i64, scratch_operands = 0 : i64, tpu.core_type = #tpu.core_type<tc>, window_params = [{transform_indices = @transform_0, window_bounds = array<i64: 1, 1, 4096, 16>}, {transform_indices = @transform_1, window_bounds = array<i64: 1, 256, 2>}, {transform_indices = @transform_2, window_bounds = array<i64: 1, 1, 256, 1>}, {transform_indices = @transform_3, window_bounds = array<i64: 1, 10, 64>}, {transform_indices = @transform_4, window_bounds = array<i64: 1, 1, 64>}, {transform_indices = @transform_5, window_bounds = array<i64: 1, 64, 64>}, {transform_indices = @transform_6, window_bounds = array<i64: 1, 1, 64>}, {transform_indices = @transform_7, window_bounds = array<i64: 1, 1, 1, 64>}]} {
    %get3A = arith.constant 0 : index
    %get3A_0 = arith.constant 0 : index
    %get3A_1 = arith.constant 0 : index
    %get3A_2 = arith.constant 0 : index
    %get3A_3 = vector.load %arg3[%get3A, %get3A_0, %get3A_1, %get3A_2] : memref<1x1x4096x16xf32, #tpu.memory_space<vmem>>, vector<1x1x4096x16xf32>
    %get3A_4 = vector.shape_cast %get3A_3 : vector<1x1x4096x16xf32> to vector<4096x16xf32>
    %reshape3A = vector.shape_cast %get3A_4 : vector<4096x16xf32> to vector<256x16x16xf32>
    %get3A_5 = arith.constant 0 : index
    %get3A_6 = arith.constant 0 : index
    %get3A_7 = arith.constant 0 : index
    %get3A_8 = vector.load %arg4[%get3A_5, %get3A_6, %get3A_7] : memref<1x256x2xf32, #tpu.memory_space<vmem>>, vector<1x256x2xf32>
    %get3A_9 = vector.shape_cast %get3A_8 : vector<1x256x2xf32> to vector<256x2xf32>
    %slice3A = vector.extract_strided_slice %reshape3A {offsets = [0, 0, 8], sizes = [256, 16, 2], strides = [1, 1, 1]} : vector<256x16x16xf32> to vector<256x16x2xf32>
    %broadcast_in_dim3A = vector.shape_cast %get3A_9 : vector<256x2xf32> to vector<256x1x2xf32>
    %sub3A = vector.broadcast %broadcast_in_dim3A : vector<256x1x2xf32> to vector<256x16x2xf32>
    %sub3A_10 = arith.subf %slice3A, %sub3A : vector<256x16x2xf32>
    %slice3A_11 = vector.extract_strided_slice %reshape3A {offsets = [0, 0, 0], sizes = [256, 16, 8], strides = [1, 1, 1]} : vector<256x16x16xf32> to vector<256x16x8xf32>
    %concatenate3A = tpu.concatenate %slice3A_11, %sub3A_10 in 2 : vector<256x16x8xf32>, vector<256x16x2xf32> -> vector<256x16x10xf32>
    %reshape3A_12 = vector.shape_cast %concatenate3A : vector<256x16x10xf32> to vector<4096x10xf32>
    %get3A_13 = arith.constant 0 : index
    %get3A_14 = arith.constant 0 : index
    %get3A_15 = arith.constant 0 : index
    %get3A_16 = vector.load %arg6[%get3A_13, %get3A_14, %get3A_15] : memref<1x10x64xf32, #tpu.memory_space<vmem>>, vector<1x10x64xf32>
    %get3A_17 = vector.shape_cast %get3A_16 : vector<1x10x64xf32> to vector<10x64xf32>
    %dot_general3A = arith.constant dense<0.000000e+00> : vector<4096x64xf32>
    %dot_general3A_18 = tpu.matmul %reshape3A_12, %get3A_17, %dot_general3A {dimension_numbers = #tpu.dot_dimension_numbers<[1], [0], [0], [1], [0, 0, 1, 1], [], []>, transpose_lhs_hint = false} : vector<4096x10xf32>, vector<10x64xf32>, vector<4096x64xf32> -> vector<4096x64xf32>
    %get3A_19 = arith.constant 0 : index
    %get3A_20 = arith.constant 0 : index
    %get3A_21 = arith.constant 0 : index
    %get3A_22 = vector.load %arg7[%get3A_19, %get3A_20, %get3A_21] : memref<1x1x64xf32, #tpu.memory_space<vmem>>, vector<1x1x64xf32>
    %get3A_23 = vector.shape_cast %get3A_22 : vector<1x1x64xf32> to vector<1x64xf32>
    %add3A = vector.broadcast %get3A_23 : vector<1x64xf32> to vector<4096x64xf32>
    %add3A_24 = arith.addf %dot_general3A_18, %add3A : vector<4096x64xf32>
    %mul3A = arith.constant 5.000000e-01 : f32
    %mul3A_25 = vector.broadcast %mul3A : f32 to vector<4096x64xf32>
    %mul3A_26 = arith.mulf %mul3A_25, %add3A_24 : vector<4096x64xf32>
    %mul3A_27 = arith.constant 0.707106769 : f32
    %mul3A_28 = vector.broadcast %mul3A_27 : f32 to vector<4096x64xf32>
    %mul3A_29 = arith.mulf %add3A_24, %mul3A_28 : vector<4096x64xf32>
    %erf3A = math.erf %mul3A_29 : vector<4096x64xf32>
    %add3A_30 = arith.constant 1.000000e+00 : f32
    %add3A_31 = vector.broadcast %add3A_30 : f32 to vector<4096x64xf32>
    %add3A_32 = arith.addf %add3A_31, %erf3A : vector<4096x64xf32>
    %mul3A_33 = arith.mulf %mul3A_26, %add3A_32 : vector<4096x64xf32>
    %get3A_34 = arith.constant 0 : index
    %get3A_35 = arith.constant 0 : index
    %get3A_36 = arith.constant 0 : index
    %get3A_37 = vector.load %arg8[%get3A_34, %get3A_35, %get3A_36] : memref<1x64x64xf32, #tpu.memory_space<vmem>>, vector<1x64x64xf32>
    %get3A_38 = vector.shape_cast %get3A_37 : vector<1x64x64xf32> to vector<64x64xf32>
    %dot_general3A_39 = arith.constant dense<0.000000e+00> : vector<4096x64xf32>
    %dot_general3A_40 = tpu.matmul %mul3A_33, %get3A_38, %dot_general3A_39 {dimension_numbers = #tpu.dot_dimension_numbers<[1], [0], [0], [1], [0, 0, 1, 1], [], []>, transpose_lhs_hint = false} : vector<4096x64xf32>, vector<64x64xf32>, vector<4096x64xf32> -> vector<4096x64xf32>
    %get3A_41 = arith.constant 0 : index
    %get3A_42 = arith.constant 0 : index
    %get3A_43 = arith.constant 0 : index
    %get3A_44 = vector.load %arg9[%get3A_41, %get3A_42, %get3A_43] : memref<1x1x64xf32, #tpu.memory_space<vmem>>, vector<1x1x64xf32>
    %get3A_45 = vector.shape_cast %get3A_44 : vector<1x1x64xf32> to vector<1x64xf32>
    %add3A_46 = vector.broadcast %get3A_45 : vector<1x64xf32> to vector<4096x64xf32>
    %add3A_47 = arith.addf %dot_general3A_40, %add3A_46 : vector<4096x64xf32>
    %get3A_48 = arith.constant 0 : index
    %get3A_49 = arith.constant 0 : index
    %get3A_50 = arith.constant 0 : index
    %get3A_51 = arith.constant 0 : index
    %get3A_52 = vector.load %arg5[%get3A_48, %get3A_49, %get3A_50, %get3A_51] : memref<1x1x256x1xf32, #tpu.memory_space<vmem>>, vector<1x1x256x1xf32>
    %get3A_53 = vector.shape_cast %get3A_52 : vector<1x1x256x1xf32> to vector<256x1xf32>
    %iota3A = tpu.iota {dimensions = array<i32: 1>} : vector<256x16xi32>
    %convert_element_type3A = arith.sitofp %iota3A : vector<256x16xi32> to vector<256x16xf32>
    %lt3A = vector.broadcast %get3A_53 : vector<256x1xf32> to vector<256x16xf32>
    %lt3A_54 = arith.cmpf olt, %convert_element_type3A, %lt3A : vector<256x16xf32>
    %convert_element_type3A_55 = arith.extui %lt3A_54 : vector<256x16xi1> to vector<256x16xi32>
    %convert_element_type3A_56 = arith.sitofp %convert_element_type3A_55 : vector<256x16xi32> to vector<256x16xf32>
    %reshape3A_57 = vector.shape_cast %add3A_47 : vector<4096x64xf32> to vector<256x16x64xf32>
    %broadcast_in_dim3A_58 = vector.shape_cast %convert_element_type3A_56 : vector<256x16xf32> to vector<256x16x1xf32>
    %mul3A_59 = vector.broadcast %broadcast_in_dim3A_58 : vector<256x16x1xf32> to vector<256x16x64xf32>
    %mul3A_60 = arith.mulf %reshape3A_57, %mul3A_59 : vector<256x16x64xf32>
    %reduce_sum3A = arith.constant dense<0.000000e+00> : vector<256x64xf32>
    %reduce_sum3A_61 = vector.multi_reduction <add>, %mul3A_60, %reduce_sum3A [1] : vector<256x16x64xf32> to vector<256x64xf32>
    %max3A = arith.constant 1.000000e+00 : f32
    %max3A_62 = vector.broadcast %max3A : f32 to vector<256x1xf32>
    %max3A_63 = arith.maximumf %get3A_53, %max3A_62 : vector<256x1xf32>
    %div3A = vector.broadcast %max3A_63 : vector<256x1xf32> to vector<256x64xf32>
    %div3A_64 = arith.divf %reduce_sum3A_61, %div3A : vector<256x64xf32>
    %eq3A = arith.constant 0 : i32
    %eq3A_65 = arith.cmpi eq, %arg2, %eq3A : i32
    %convert_element_type3A_66 = arith.extui %eq3A_65 : i1 to i32
    %cond3A = arith.constant 0 : i32
    %cond3A_67 = arith.cmpi ne, %convert_element_type3A_66, %cond3A : i32
    scf.if %cond3A_67 {
      %broadcast_in_dim3A_84 = arith.constant 0.000000e+00 : f32
      %broadcast_in_dim3A_85 = vector.broadcast %broadcast_in_dim3A_84 : f32 to vector<1x64xf32>
      %swap3A_86 = arith.constant 0 : index
      %swap3A_87 = arith.constant 0 : index
      %swap3A_88 = arith.constant 0 : index
      %swap3A_89 = arith.constant 0 : index
      %swap3A_90 = vector.load %arg10[%swap3A_86, %swap3A_87, %swap3A_88, %swap3A_89] : memref<1x1x1x64xf32, #tpu.memory_space<vmem>>, vector<1x1x1x64xf32>
      %swap3A_91 = vector.shape_cast %swap3A_90 : vector<1x1x1x64xf32> to vector<1x64xf32>
      %swap3A_92 = vector.shape_cast %broadcast_in_dim3A_85 : vector<1x64xf32> to vector<1x1x1x64xf32>
      tpu.vector_store %arg10[%swap3A_86, %swap3A_87, %swap3A_88, %swap3A_89], %swap3A_92 {strides = array<i32>} : memref<1x1x1x64xf32, #tpu.memory_space<vmem>>, vector<1x1x1x64xf32>,
    } else {
    }
    %get3A_68 = arith.constant 0 : index
    %get3A_69 = arith.constant 0 : index
    %get3A_70 = arith.constant 0 : index
    %get3A_71 = arith.constant 0 : index
    %get3A_72 = vector.load %arg10[%get3A_68, %get3A_69, %get3A_70, %get3A_71] : memref<1x1x1x64xf32, #tpu.memory_space<vmem>>, vector<1x1x1x64xf32>
    %get3A_73 = vector.shape_cast %get3A_72 : vector<1x1x1x64xf32> to vector<1x64xf32>
    %reduce_sum3A_74 = arith.constant dense<0.000000e+00> : vector<64xf32>
    %reduce_sum3A_75 = vector.multi_reduction <add>, %div3A_64, %reduce_sum3A_74 [0] : vector<256x64xf32> to vector<64xf32>
    %broadcast_in_dim3A_76 = vector.shape_cast %reduce_sum3A_75 : vector<64xf32> to vector<1x64xf32>
    %add3A_77 = arith.addf %get3A_73, %broadcast_in_dim3A_76 : vector<1x64xf32>
    %swap3A = arith.constant 0 : index
    %swap3A_78 = arith.constant 0 : index
    %swap3A_79 = arith.constant 0 : index
    %swap3A_80 = arith.constant 0 : index
    %swap3A_81 = vector.load %arg10[%swap3A, %swap3A_78, %swap3A_79, %swap3A_80] : memref<1x1x1x64xf32, #tpu.memory_space<vmem>>, vector<1x1x1x64xf32>
    %swap3A_82 = vector.shape_cast %swap3A_81 : vector<1x1x1x64xf32> to vector<1x64xf32>
    %swap3A_83 = vector.shape_cast %add3A_77 : vector<1x64xf32> to vector<1x1x1x64xf32>
    tpu.vector_store %arg10[%swap3A, %swap3A_78, %swap3A_79, %swap3A_80], %swap3A_83 {strides = array<i32>} : memref<1x1x1x64xf32, #tpu.memory_space<vmem>>, vector<1x1x1x64xf32>,
    return
  }
  func.func @transform_0(%arg0: i32, %arg1: i32, %arg2: i32) -> (i32, i32, i32, i32) {
    %c0_i32 = arith.constant 0 : i32
    %c0_i32_0 = arith.constant 0 : i32
    return %arg0, %arg1, %arg2, %c0_i32 : i32, i32, i32, i32
  }
  func.func @transform_1(%arg0: i32, %arg1: i32, %arg2: i32) -> (i32, i32, i32) {
    %c0_i32 = arith.constant 0 : i32
    %c0_i32_0 = arith.constant 0 : i32
    return %arg0, %arg2, %c0_i32 : i32, i32, i32
  }
  func.func @transform_2(%arg0: i32, %arg1: i32, %arg2: i32) -> (i32, i32, i32, i32) {
    %c0_i32 = arith.constant 0 : i32
    %c0_i32_0 = arith.constant 0 : i32
    return %arg0, %arg1, %arg2, %c0_i32 : i32, i32, i32, i32
  }
  func.func @transform_3(%arg0: i32, %arg1: i32, %arg2: i32) -> (i32, i32, i32) {
    %c0_i32 = arith.constant 0 : i32
    %c0_i32_0 = arith.constant 0 : i32
    %c0_i32_1 = arith.constant 0 : i32
    return %arg1, %c0_i32, %c0_i32_0 : i32, i32, i32
  }
  func.func @transform_4(%arg0: i32, %arg1: i32, %arg2: i32) -> (i32, i32, i32) {
    %c0_i32 = arith.constant 0 : i32
    %c0_i32_0 = arith.constant 0 : i32
    %c0_i32_1 = arith.constant 0 : i32
    return %arg1, %c0_i32, %c0_i32_0 : i32, i32, i32
  }
  func.func @transform_5(%arg0: i32, %arg1: i32, %arg2: i32) -> (i32, i32, i32) {
    %c0_i32 = arith.constant 0 : i32
    %c0_i32_0 = arith.constant 0 : i32
    %c0_i32_1 = arith.constant 0 : i32
    return %arg1, %c0_i32, %c0_i32_0 : i32, i32, i32
  }
  func.func @transform_6(%arg0: i32, %arg1: i32, %arg2: i32) -> (i32, i32, i32) {
    %c0_i32 = arith.constant 0 : i32
    %c0_i32_0 = arith.constant 0 : i32
    %c0_i32_1 = arith.constant 0 : i32
    return %arg1, %c0_i32, %c0_i32_0 : i32, i32, i32
  }
  func.func @transform_7(%arg0: i32, %arg1: i32, %arg2: i32) -> (i32, i32, i32, i32) {
    %c0_i32 = arith.constant 0 : i32
    %c0_i32_0 = arith.constant 0 : i32
    %c0_i32_1 = arith.constant 0 : i32
    return %arg0, %arg1, %c0_i32, %c0_i32_0 : i32, i32, i32, i32
  }
}

module attributes {stable_mosaic.version = 14 : i64} {
  func.func @_pool_body(%arg0: i32, %arg1: i32, %arg2: i32, %arg3: memref<1x1x4096x16xf32, #tpu.memory_space<vmem>>, %arg4: memref<1x256x2xf32, #tpu.memory_space<vmem>>, %arg5: memref<1x1x256x1xf32, #tpu.memory_space<vmem>>, %arg6: memref<1x4x64xf32, #tpu.memory_space<vmem>>, %arg7: memref<1x1x64xf32, #tpu.memory_space<vmem>>, %arg8: memref<1x64x64xf32, #tpu.memory_space<vmem>>, %arg9: memref<1x1x64xf32, #tpu.memory_space<vmem>>, %arg10: memref<1x1x256x64xf32, #tpu.memory_space<vmem>>) attributes {dimension_semantics = [#tpu.dimension_semantics<arbitrary>, #tpu.dimension_semantics<arbitrary>, #tpu.dimension_semantics<arbitrary>], iteration_bounds = array<i64: 2, 3, 32>, scalar_prefetch = 0 : i64, scratch_operands = 0 : i64, tpu.core_type = #tpu.core_type<tc>, window_params = [{transform_indices = @transform_0, window_bounds = array<i64: 1, 1, 4096, 16>}, {transform_indices = @transform_1, window_bounds = array<i64: 1, 256, 2>}, {transform_indices = @transform_2, window_bounds = array<i64: 1, 1, 256, 1>}, {transform_indices = @transform_3, window_bounds = array<i64: 1, 4, 64>}, {transform_indices = @transform_4, window_bounds = array<i64: 1, 1, 64>}, {transform_indices = @transform_5, window_bounds = array<i64: 1, 64, 64>}, {transform_indices = @transform_6, window_bounds = array<i64: 1, 1, 64>}, {transform_indices = @transform_7, window_bounds = array<i64: 1, 1, 256, 64>}]} {
    %get3A = arith.constant 0 : index
    %get3A_0 = arith.constant 0 : index
    %get3A_1 = arith.constant 0 : index
    %get3A_2 = arith.constant 0 : index
    %get3A_3 = vector.load %arg3[%get3A, %get3A_0, %get3A_1, %get3A_2] : memref<1x1x4096x16xf32, #tpu.memory_space<vmem>>, vector<1x1x4096x16xf32>
    %get3A_4 = vector.shape_cast %get3A_3 : vector<1x1x4096x16xf32> to vector<4096x16xf32>
    %reshape3A = vector.shape_cast %get3A_4 : vector<4096x16xf32> to vector<256x16x16xf32>
    %get3A_5 = arith.constant 0 : index
    %get3A_6 = arith.constant 0 : index
    %get3A_7 = arith.constant 0 : index
    %get3A_8 = vector.load %arg4[%get3A_5, %get3A_6, %get3A_7] : memref<1x256x2xf32, #tpu.memory_space<vmem>>, vector<1x256x2xf32>
    %get3A_9 = vector.shape_cast %get3A_8 : vector<1x256x2xf32> to vector<256x2xf32>
    %slice3A = vector.extract_strided_slice %reshape3A {offsets = [0, 0, 2], sizes = [256, 16, 2], strides = [1, 1, 1]} : vector<256x16x16xf32> to vector<256x16x2xf32>
    %broadcast_in_dim3A = vector.shape_cast %get3A_9 : vector<256x2xf32> to vector<256x1x2xf32>
    %sub3A = vector.broadcast %broadcast_in_dim3A : vector<256x1x2xf32> to vector<256x16x2xf32>
    %sub3A_10 = arith.subf %slice3A, %sub3A : vector<256x16x2xf32>
    %slice3A_11 = vector.extract_strided_slice %reshape3A {offsets = [0, 0, 0], sizes = [256, 16, 2], strides = [1, 1, 1]} : vector<256x16x16xf32> to vector<256x16x2xf32>
    %concatenate3A = tpu.concatenate %slice3A_11, %sub3A_10 in 2 : vector<256x16x2xf32>, vector<256x16x2xf32> -> vector<256x16x4xf32>
    %reshape3A_12 = vector.shape_cast %concatenate3A : vector<256x16x4xf32> to vector<4096x4xf32>
    %get3A_13 = arith.constant 0 : index
    %get3A_14 = arith.constant 0 : index
    %get3A_15 = arith.constant 0 : index
    %get3A_16 = vector.load %arg6[%get3A_13, %get3A_14, %get3A_15] : memref<1x4x64xf32, #tpu.memory_space<vmem>>, vector<1x4x64xf32>
    %get3A_17 = vector.shape_cast %get3A_16 : vector<1x4x64xf32> to vector<4x64xf32>
    %dot_general3A = arith.constant dense<0.000000e+00> : vector<4096x64xf32>
    %dot_general3A_18 = tpu.matmul %reshape3A_12, %get3A_17, %dot_general3A {dimension_numbers = #tpu.dot_dimension_numbers<[1], [0], [0], [1], [0, 0, 1, 1], [], []>, transpose_lhs_hint = false} : vector<4096x4xf32>, vector<4x64xf32>, vector<4096x64xf32> -> vector<4096x64xf32>
    %get3A_19 = arith.constant 0 : index
    %get3A_20 = arith.constant 0 : index
    %get3A_21 = arith.constant 0 : index
    %get3A_22 = vector.load %arg7[%get3A_19, %get3A_20, %get3A_21] : memref<1x1x64xf32, #tpu.memory_space<vmem>>, vector<1x1x64xf32>
    %get3A_23 = vector.shape_cast %get3A_22 : vector<1x1x64xf32> to vector<1x64xf32>
    %add3A = vector.broadcast %get3A_23 : vector<1x64xf32> to vector<4096x64xf32>
    %add3A_24 = arith.addf %dot_general3A_18, %add3A : vector<4096x64xf32>
    %mul3A = arith.constant 5.000000e-01 : f32
    %mul3A_25 = vector.broadcast %mul3A : f32 to vector<4096x64xf32>
    %mul3A_26 = arith.mulf %mul3A_25, %add3A_24 : vector<4096x64xf32>
    %mul3A_27 = arith.constant 0.707106769 : f32
    %mul3A_28 = vector.broadcast %mul3A_27 : f32 to vector<4096x64xf32>
    %mul3A_29 = arith.mulf %add3A_24, %mul3A_28 : vector<4096x64xf32>
    %erf3A = math.erf %mul3A_29 : vector<4096x64xf32>
    %add3A_30 = arith.constant 1.000000e+00 : f32
    %add3A_31 = vector.broadcast %add3A_30 : f32 to vector<4096x64xf32>
    %add3A_32 = arith.addf %add3A_31, %erf3A : vector<4096x64xf32>
    %mul3A_33 = arith.mulf %mul3A_26, %add3A_32 : vector<4096x64xf32>
    %get3A_34 = arith.constant 0 : index
    %get3A_35 = arith.constant 0 : index
    %get3A_36 = arith.constant 0 : index
    %get3A_37 = vector.load %arg8[%get3A_34, %get3A_35, %get3A_36] : memref<1x64x64xf32, #tpu.memory_space<vmem>>, vector<1x64x64xf32>
    %get3A_38 = vector.shape_cast %get3A_37 : vector<1x64x64xf32> to vector<64x64xf32>
    %dot_general3A_39 = arith.constant dense<0.000000e+00> : vector<4096x64xf32>
    %dot_general3A_40 = tpu.matmul %mul3A_33, %get3A_38, %dot_general3A_39 {dimension_numbers = #tpu.dot_dimension_numbers<[1], [0], [0], [1], [0, 0, 1, 1], [], []>, transpose_lhs_hint = false} : vector<4096x64xf32>, vector<64x64xf32>, vector<4096x64xf32> -> vector<4096x64xf32>
    %get3A_41 = arith.constant 0 : index
    %get3A_42 = arith.constant 0 : index
    %get3A_43 = arith.constant 0 : index
    %get3A_44 = vector.load %arg9[%get3A_41, %get3A_42, %get3A_43] : memref<1x1x64xf32, #tpu.memory_space<vmem>>, vector<1x1x64xf32>
    %get3A_45 = vector.shape_cast %get3A_44 : vector<1x1x64xf32> to vector<1x64xf32>
    %add3A_46 = vector.broadcast %get3A_45 : vector<1x64xf32> to vector<4096x64xf32>
    %add3A_47 = arith.addf %dot_general3A_40, %add3A_46 : vector<4096x64xf32>
    %get3A_48 = arith.constant 0 : index
    %get3A_49 = arith.constant 0 : index
    %get3A_50 = arith.constant 0 : index
    %get3A_51 = arith.constant 0 : index
    %get3A_52 = vector.load %arg5[%get3A_48, %get3A_49, %get3A_50, %get3A_51] : memref<1x1x256x1xf32, #tpu.memory_space<vmem>>, vector<1x1x256x1xf32>
    %get3A_53 = vector.shape_cast %get3A_52 : vector<1x1x256x1xf32> to vector<256x1xf32>
    %iota3A = tpu.iota {dimensions = array<i32: 1>} : vector<256x16xi32>
    %convert_element_type3A = arith.sitofp %iota3A : vector<256x16xi32> to vector<256x16xf32>
    %lt3A = vector.broadcast %get3A_53 : vector<256x1xf32> to vector<256x16xf32>
    %lt3A_54 = arith.cmpf olt, %convert_element_type3A, %lt3A : vector<256x16xf32>
    %convert_element_type3A_55 = arith.extui %lt3A_54 : vector<256x16xi1> to vector<256x16xi32>
    %convert_element_type3A_56 = arith.sitofp %convert_element_type3A_55 : vector<256x16xi32> to vector<256x16xf32>
    %reshape3A_57 = vector.shape_cast %add3A_47 : vector<4096x64xf32> to vector<256x16x64xf32>
    %broadcast_in_dim3A_58 = vector.shape_cast %convert_element_type3A_56 : vector<256x16xf32> to vector<256x16x1xf32>
    %mul3A_59 = vector.broadcast %broadcast_in_dim3A_58 : vector<256x16x1xf32> to vector<256x16x64xf32>
    %mul3A_60 = arith.mulf %reshape3A_57, %mul3A_59 : vector<256x16x64xf32>
    %reduce_sum3A = arith.constant dense<0.000000e+00> : vector<256x64xf32>
    %reduce_sum3A_61 = vector.multi_reduction <add>, %mul3A_60, %reduce_sum3A [1] : vector<256x16x64xf32> to vector<256x64xf32>
    %max3A = arith.constant 1.000000e+00 : f32
    %max3A_62 = vector.broadcast %max3A : f32 to vector<256x1xf32>
    %max3A_63 = arith.maximumf %get3A_53, %max3A_62 : vector<256x1xf32>
    %div3A = vector.broadcast %max3A_63 : vector<256x1xf32> to vector<256x64xf32>
    %div3A_64 = arith.divf %reduce_sum3A_61, %div3A : vector<256x64xf32>
    %swap3A = arith.constant 0 : index
    %swap3A_65 = arith.constant 0 : index
    %swap3A_66 = arith.constant 0 : index
    %swap3A_67 = arith.constant 0 : index
    %swap3A_68 = vector.load %arg10[%swap3A, %swap3A_65, %swap3A_66, %swap3A_67] : memref<1x1x256x64xf32, #tpu.memory_space<vmem>>, vector<1x1x256x64xf32>
    %swap3A_69 = vector.shape_cast %swap3A_68 : vector<1x1x256x64xf32> to vector<256x64xf32>
    %swap3A_70 = vector.shape_cast %div3A_64 : vector<256x64xf32> to vector<1x1x256x64xf32>
    tpu.vector_store %arg10[%swap3A, %swap3A_65, %swap3A_66, %swap3A_67], %swap3A_70 {strides = array<i32>} : memref<1x1x256x64xf32, #tpu.memory_space<vmem>>, vector<1x1x256x64xf32>,
    return
  }
  func.func @transform_0(%arg0: i32, %arg1: i32, %arg2: i32) -> (i32, i32, i32, i32) {
    %c0_i32 = arith.constant 0 : i32
    %c0_i32_0 = arith.constant 0 : i32
    return %arg0, %arg1, %arg2, %c0_i32 : i32, i32, i32, i32
  }
  func.func @transform_1(%arg0: i32, %arg1: i32, %arg2: i32) -> (i32, i32, i32) {
    %c0_i32 = arith.constant 0 : i32
    %c0_i32_0 = arith.constant 0 : i32
    return %arg0, %arg2, %c0_i32 : i32, i32, i32
  }
  func.func @transform_2(%arg0: i32, %arg1: i32, %arg2: i32) -> (i32, i32, i32, i32) {
    %c0_i32 = arith.constant 0 : i32
    %c0_i32_0 = arith.constant 0 : i32
    return %arg0, %arg1, %arg2, %c0_i32 : i32, i32, i32, i32
  }
  func.func @transform_3(%arg0: i32, %arg1: i32, %arg2: i32) -> (i32, i32, i32) {
    %c0_i32 = arith.constant 0 : i32
    %c0_i32_0 = arith.constant 0 : i32
    %c0_i32_1 = arith.constant 0 : i32
    return %arg1, %c0_i32, %c0_i32_0 : i32, i32, i32
  }
  func.func @transform_4(%arg0: i32, %arg1: i32, %arg2: i32) -> (i32, i32, i32) {
    %c0_i32 = arith.constant 0 : i32
    %c0_i32_0 = arith.constant 0 : i32
    %c0_i32_1 = arith.constant 0 : i32
    return %arg1, %c0_i32, %c0_i32_0 : i32, i32, i32
  }
  func.func @transform_5(%arg0: i32, %arg1: i32, %arg2: i32) -> (i32, i32, i32) {
    %c0_i32 = arith.constant 0 : i32
    %c0_i32_0 = arith.constant 0 : i32
    %c0_i32_1 = arith.constant 0 : i32
    return %arg1, %c0_i32, %c0_i32_0 : i32, i32, i32
  }
  func.func @transform_6(%arg0: i32, %arg1: i32, %arg2: i32) -> (i32, i32, i32) {
    %c0_i32 = arith.constant 0 : i32
    %c0_i32_0 = arith.constant 0 : i32
    %c0_i32_1 = arith.constant 0 : i32
    return %arg1, %c0_i32, %c0_i32_0 : i32, i32, i32
  }
  func.func @transform_7(%arg0: i32, %arg1: i32, %arg2: i32) -> (i32, i32, i32, i32) {
    %c0_i32 = arith.constant 0 : i32
    %c0_i32_0 = arith.constant 0 : i32
    return %arg0, %arg1, %arg2, %c0_i32 : i32, i32, i32, i32
  }
}

module attributes {stable_mosaic.version = 14 : i64} {
  func.func @_head_body(%arg0: memref<2x16xf32, #tpu.memory_space<vmem>>, %arg1: memref<16x64xf32, #tpu.memory_space<vmem>>, %arg2: memref<1x64xf32, #tpu.memory_space<vmem>>, %arg3: memref<64x64xf32, #tpu.memory_space<vmem>>, %arg4: memref<1x64xf32, #tpu.memory_space<vmem>>, %arg5: memref<2x2048x2xf32, #tpu.memory_space<vmem>>, %arg6: memref<2x64xf32, #tpu.memory_space<vmem>>, %arg7: memref<1x64xf32, #tpu.memory_space<vmem>>, %arg8: memref<64x64xf32, #tpu.memory_space<vmem>>, %arg9: memref<1x64xf32, #tpu.memory_space<vmem>>, %arg10: memref<2x192xf32, #tpu.memory_space<vmem>>, %arg11: memref<320x256xf32, #tpu.memory_space<vmem>>, %arg12: memref<1x256xf32, #tpu.memory_space<vmem>>, %arg13: memref<2x256xf32, #tpu.memory_space<vmem>>) attributes {dimension_semantics = [], scalar_prefetch = 0 : i64, scratch_operands = 0 : i64, tpu.core_type = #tpu.core_type<tc>} {
    %get3A = arith.constant 0 : index
    %get3A_0 = arith.constant 0 : index
    %get3A_1 = vector.load %arg0[%get3A, %get3A_0] : memref<2x16xf32, #tpu.memory_space<vmem>>, vector<2x16xf32>
    %get3A_2 = arith.constant 0 : index
    %get3A_3 = arith.constant 0 : index
    %get3A_4 = vector.load %arg1[%get3A_2, %get3A_3] : memref<16x64xf32, #tpu.memory_space<vmem>>, vector<16x64xf32>
    %get3A_5 = arith.constant 0 : index
    %get3A_6 = arith.constant 0 : index
    %get3A_7 = vector.load %arg2[%get3A_5, %get3A_6] : memref<1x64xf32, #tpu.memory_space<vmem>>, vector<1x64xf32>
    %get3A_8 = arith.constant 0 : index
    %get3A_9 = arith.constant 0 : index
    %get3A_10 = vector.load %arg3[%get3A_8, %get3A_9] : memref<64x64xf32, #tpu.memory_space<vmem>>, vector<64x64xf32>
    %get3A_11 = arith.constant 0 : index
    %get3A_12 = arith.constant 0 : index
    %get3A_13 = vector.load %arg4[%get3A_11, %get3A_12] : memref<1x64xf32, #tpu.memory_space<vmem>>, vector<1x64xf32>
    %dot_general3A = arith.constant dense<0.000000e+00> : vector<2x64xf32>
    %dot_general3A_14 = tpu.matmul %get3A_1, %get3A_4, %dot_general3A {dimension_numbers = #tpu.dot_dimension_numbers<[1], [0], [0], [1], [0, 0, 1, 1], [], []>, transpose_lhs_hint = false} : vector<2x16xf32>, vector<16x64xf32>, vector<2x64xf32> -> vector<2x64xf32>
    %add3A = vector.broadcast %get3A_7 : vector<1x64xf32> to vector<2x64xf32>
    %add3A_15 = arith.addf %dot_general3A_14, %add3A : vector<2x64xf32>
    %mul3A = arith.constant 5.000000e-01 : f32
    %mul3A_16 = vector.broadcast %mul3A : f32 to vector<2x64xf32>
    %mul3A_17 = arith.mulf %mul3A_16, %add3A_15 : vector<2x64xf32>
    %mul3A_18 = arith.constant 0.707106769 : f32
    %mul3A_19 = vector.broadcast %mul3A_18 : f32 to vector<2x64xf32>
    %mul3A_20 = arith.mulf %add3A_15, %mul3A_19 : vector<2x64xf32>
    %erf3A = math.erf %mul3A_20 : vector<2x64xf32>
    %add3A_21 = arith.constant 1.000000e+00 : f32
    %add3A_22 = vector.broadcast %add3A_21 : f32 to vector<2x64xf32>
    %add3A_23 = arith.addf %add3A_22, %erf3A : vector<2x64xf32>
    %mul3A_24 = arith.mulf %mul3A_17, %add3A_23 : vector<2x64xf32>
    %dot_general3A_25 = arith.constant dense<0.000000e+00> : vector<2x64xf32>
    %dot_general3A_26 = tpu.matmul %mul3A_24, %get3A_10, %dot_general3A_25 {dimension_numbers = #tpu.dot_dimension_numbers<[1], [0], [0], [1], [0, 0, 1, 1], [], []>, transpose_lhs_hint = false} : vector<2x64xf32>, vector<64x64xf32>, vector<2x64xf32> -> vector<2x64xf32>
    %add3A_27 = vector.broadcast %get3A_13 : vector<1x64xf32> to vector<2x64xf32>
    %add3A_28 = arith.addf %dot_general3A_26, %add3A_27 : vector<2x64xf32>
    %get3A_29 = arith.constant 0 : index
    %get3A_30 = arith.constant 0 : index
    %get3A_31 = arith.constant 0 : index
    %get3A_32 = vector.load %arg5[%get3A_29, %get3A_30, %get3A_31] : memref<2x2048x2xf32, #tpu.memory_space<vmem>>, vector<2x2048x2xf32>
    %reshape3A = vector.shape_cast %get3A_32 : vector<2x2048x2xf32> to vector<4096x2xf32>
    %get3A_33 = arith.constant 0 : index
    %get3A_34 = arith.constant 0 : index
    %get3A_35 = vector.load %arg6[%get3A_33, %get3A_34] : memref<2x64xf32, #tpu.memory_space<vmem>>, vector<2x64xf32>
    %get3A_36 = arith.constant 0 : index
    %get3A_37 = arith.constant 0 : index
    %get3A_38 = vector.load %arg7[%get3A_36, %get3A_37] : memref<1x64xf32, #tpu.memory_space<vmem>>, vector<1x64xf32>
    %get3A_39 = arith.constant 0 : index
    %get3A_40 = arith.constant 0 : index
    %get3A_41 = vector.load %arg8[%get3A_39, %get3A_40] : memref<64x64xf32, #tpu.memory_space<vmem>>, vector<64x64xf32>
    %get3A_42 = arith.constant 0 : index
    %get3A_43 = arith.constant 0 : index
    %get3A_44 = vector.load %arg9[%get3A_42, %get3A_43] : memref<1x64xf32, #tpu.memory_space<vmem>>, vector<1x64xf32>
    %dot_general3A_45 = arith.constant dense<0.000000e+00> : vector<4096x64xf32>
    %dot_general3A_46 = tpu.matmul %reshape3A, %get3A_35, %dot_general3A_45 {dimension_numbers = #tpu.dot_dimension_numbers<[1], [0], [0], [1], [0, 0, 1, 1], [], []>, transpose_lhs_hint = false} : vector<4096x2xf32>, vector<2x64xf32>, vector<4096x64xf32> -> vector<4096x64xf32>
    %add3A_47 = vector.broadcast %get3A_38 : vector<1x64xf32> to vector<4096x64xf32>
    %add3A_48 = arith.addf %dot_general3A_46, %add3A_47 : vector<4096x64xf32>
    %mul3A_49 = arith.constant 5.000000e-01 : f32
    %mul3A_50 = vector.broadcast %mul3A_49 : f32 to vector<4096x64xf32>
    %mul3A_51 = arith.mulf %mul3A_50, %add3A_48 : vector<4096x64xf32>
    %mul3A_52 = arith.constant 0.707106769 : f32
    %mul3A_53 = vector.broadcast %mul3A_52 : f32 to vector<4096x64xf32>
    %mul3A_54 = arith.mulf %add3A_48, %mul3A_53 : vector<4096x64xf32>
    %erf3A_55 = math.erf %mul3A_54 : vector<4096x64xf32>
    %add3A_56 = arith.constant 1.000000e+00 : f32
    %add3A_57 = vector.broadcast %add3A_56 : f32 to vector<4096x64xf32>
    %add3A_58 = arith.addf %add3A_57, %erf3A_55 : vector<4096x64xf32>
    %mul3A_59 = arith.mulf %mul3A_51, %add3A_58 : vector<4096x64xf32>
    %dot_general3A_60 = arith.constant dense<0.000000e+00> : vector<4096x64xf32>
    %dot_general3A_61 = tpu.matmul %mul3A_59, %get3A_41, %dot_general3A_60 {dimension_numbers = #tpu.dot_dimension_numbers<[1], [0], [0], [1], [0, 0, 1, 1], [], []>, transpose_lhs_hint = false} : vector<4096x64xf32>, vector<64x64xf32>, vector<4096x64xf32> -> vector<4096x64xf32>
    %add3A_62 = vector.broadcast %get3A_44 : vector<1x64xf32> to vector<4096x64xf32>
    %add3A_63 = arith.addf %dot_general3A_61, %add3A_62 : vector<4096x64xf32>
    %reshape3A_64 = vector.shape_cast %add3A_63 : vector<4096x64xf32> to vector<2x2048x64xf32>
    %reduce_sum3A = arith.constant dense<0.000000e+00> : vector<2x64xf32>
    %reduce_sum3A_65 = vector.multi_reduction <add>, %reshape3A_64, %reduce_sum3A [1] : vector<2x2048x64xf32> to vector<2x64xf32>
    %div3A = arith.constant 2.048000e+03 : f32
    %div3A_66 = vector.broadcast %div3A : f32 to vector<2x64xf32>
    %div3A_67 = arith.divf %reduce_sum3A_65, %div3A_66 : vector<2x64xf32>
    %get3A_68 = arith.constant 0 : index
    %get3A_69 = arith.constant 0 : index
    %get3A_70 = vector.load %arg10[%get3A_68, %get3A_69] : memref<2x192xf32, #tpu.memory_space<vmem>>, vector<2x192xf32>
    %concatenate3A = tpu.concatenate %add3A_28, %div3A_67, %get3A_70 in 1 : vector<2x64xf32>, vector<2x64xf32>, vector<2x192xf32> -> vector<2x320xf32>
    %get3A_71 = arith.constant 0 : index
    %get3A_72 = arith.constant 0 : index
    %get3A_73 = vector.load %arg11[%get3A_71, %get3A_72] : memref<320x256xf32, #tpu.memory_space<vmem>>, vector<320x256xf32>
    %dot_general3A_74 = arith.constant dense<0.000000e+00> : vector<2x256xf32>
    %dot_general3A_75 = tpu.matmul %concatenate3A, %get3A_73, %dot_general3A_74 {dimension_numbers = #tpu.dot_dimension_numbers<[1], [0], [0], [1], [0, 0, 1, 1], [], []>, transpose_lhs_hint = false} : vector<2x320xf32>, vector<320x256xf32>, vector<2x256xf32> -> vector<2x256xf32>
    %get3A_76 = arith.constant 0 : index
    %get3A_77 = arith.constant 0 : index
    %get3A_78 = vector.load %arg12[%get3A_76, %get3A_77] : memref<1x256xf32, #tpu.memory_space<vmem>>, vector<1x256xf32>
    %add3A_79 = vector.broadcast %get3A_78 : vector<1x256xf32> to vector<2x256xf32>
    %add3A_80 = arith.addf %dot_general3A_75, %add3A_79 : vector<2x256xf32>
    %swap3A = arith.constant 0 : index
    %swap3A_81 = arith.constant 0 : index
    %swap3A_82 = vector.load %arg13[%swap3A, %swap3A_81] : memref<2x256xf32, #tpu.memory_space<vmem>>, vector<2x256xf32>
    tpu.vector_store %arg13[%swap3A, %swap3A_81], %add3A_80 {strides = array<i32>} : memref<2x256xf32, #tpu.memory_space<vmem>>, vector<2x256xf32>,
    return
  }
}

</mosaic_0001>

<sc_bundles>
// kernel: kernel.11.cloned.1.call-start
scs
__scs_entry_jumppad:
0x0: {  	(pc) =	sbr.rel $0x88, $3  }
0x1: {  	(tag) =	ssettag $0x0;
	lr =	simm.s32 $0x1  }
0x2: {  	[smem:$0x3F8A] =	sst lr;
	_ =	strace $0xD0000000  }
0x3: {  	_ = 	snop  }
0x4: {  	_ = 	snop  }
0x5: {  	_ = 	snop  }
0x6: {  	_ = 	snop  }
0x7: {  	_ = 	snop  }
__scs_overlays_trampoline_lowered:
0x8: {  	[smem:$0x3F99] =	sst s0  }
0x9: {  	[smem:$0x3F9A] =	sst s1  }
0xa: {  	[smem:$0x3F9B] =	sst s2  }
0xb: {  	[smem:$0x3F9C] =	sst s3  }
0xc: {  	[smem:$0x3F9D] =	sst s4  }
0xd: {  	[smem:$0x3F9E] =	sst s5  }
0xe: {  	[smem:$0x3F9F] =	sst s6  }
0xf: {  	[smem:$0x3FA0] =	sst s7  }
0x10: {  	[smem:$0x3FA1] =	sst s8  }
0x11: {  	[smem:$0x3FA2] =	sst s9;
	s0 =	simm.s32 @!p0 $0x0  }
0x12: {  	s1 =	sld [smem:$0x3F88];
	s0 =	simm.s32 @p0 $0x1  }
0x13: {  	[smem:$0x3FA3] =	sst s0;
	s0 =	simm.s32 @!p1 $0x0  }
0x14: {  	s2 =	sld [smem:$0x3F87];
	s0 =	simm.s32 @p1 $0x1  }
0x15: {  	[smem:$0x3FA4] =	sst s0;
	s0 =	simm.s32 @!p2 $0x0  }
0x16: {  	s3 =	sld [smem:$0x3FDB];
	s0 =	simm.s32 @p2 $0x1  }
0x17: {  	s4 =	simm.s32 $0x1BF5;
	[smem:$0x3FA6] =	sst s0  }
0x18: {  	s0 =	sld [smem:$0x3F89];
	_ =	swait.ge [sflag:s4], $0x0  }
0x19: {  	s7 =	sld [smem:$0x3F8A]  }
0x1a: {  	s8 =	sadd.s32 $0xFFFFE003, lr  }
0x1b: {  	s9 =	sadd.s32 $0xFFFFFEF7, lr;
	s5 =	simm.s32 $0xFFFFFFFF;
	p2 =	slt.u32 s8, $0xFFFFF086  }
0x1c: {  	p1 =	slt.u32 s9, $0xF7A;
	s5 =	simm.s32 @!p2 $0x0  }
0x1d: {  	s5 =	simm.s32 @p1 $0x1;
	p0 =	seq.s32 s7, s2  }
0x1e: {  	s7 =	smul.u32 @!p0 $0xF7A, s2;
	p2 =	seq.s32 @!p0 s5, $0x0  }
0x1f: {  	s9 =	smul.u32 $0xF7A, s1;
	s8 =	simm.s32 @!p0 $0x1BF5;
	p2 =	por !p2, p0  }
0x20: {  	[sflag:s8] =	ssyncset.s32 @!p0 $0xFFFFF086;
	s6 =	sadd.s32 @!p0 s3, s7;
	s7 =	simm.s32 @!p0 $0x108  }
0x21: {  	s3 =	sadd.s32 s3, s9;
	s6 =	sadd.s32 @!p0 $0x88, s6;
	s7 =	simm.s32 @p2 $0x1082  }
0x22: {  	[simem:s7], [sflag:s8] =	dma.local @!p0 [hbm:s6], $0xF7A  }
0x23: {  	s9 =	sor.u32 $0xD0000000, s2;
	s6 =	simm.s32 $0x108;
	_ =	swait.ge @!p0 [sflag:s8], $0x0  }
0x24: {  	s3 =	sadd.s32 $0x88, s3;
	s6 =	simm.s32 @!p1 $0x1082;
	[sflag:s4] =	ssyncset.s32 $0xFFFFF086  }
0x25: {  	[simem:s6], [sflag:s4] =	dma.local [hbm:s3], $0xF7A  }
0x26: {  	[smem:$0x3F8A] =	sst s1;
	(tag) =	ssettag s2;
	_ =	strace s9  }
0x27: {  	s1 =	sld [smem:$0x3F9A]  }
0x28: {  	s2 =	sld [smem:$0x3F9B]  }
0x29: {  	s4 =	sld [smem:$0x3F9D]  }
0x2a: {  	p0 =	seq.s32 s5, $0x0;
	s5 =	sld [smem:$0x3F9E]  }
0x2b: {  	s6 =	sld [smem:$0x3F9F]  }
0x2c: {  	s7 =	sld [smem:$0x3FA0]  }
0x2d: {  	s3 =	simm.s32 $0x108;
	s8 =	sld [smem:$0x3FA1]  }
0x2e: {  	s3 =	simm.s32 @!p0 $0x1082;
	s9 =	sld [smem:$0x3FA2]  }
0x2f: {  	lr =	sadd.s32 s0, s3;
	s0 =	sld [smem:$0x3F99]  }
0x30: {  	s3 =	sld [smem:$0x3F9C]  }
0x31: {  	[smem:$0x3FA5] =	sst s10  }
0x32: {  	s10 =	sld [smem:$0x3FA3];
	_ =	sdelay $0x3  }
0x33: {  	p0 =	seq.s32 s10, $0x1;
	s10 =	sld [smem:$0x3FA5];
	_ =	sdelay $0x3  }
0x34: {  	[smem:$0x3FA5] =	sst s10  }
0x35: {  	s10 =	sld [smem:$0x3FA4];
	_ =	sdelay $0x3  }
0x36: {  	p1 =	seq.s32 s10, $0x1;
	s10 =	sld [smem:$0x3FA5];
	_ =	sdelay $0x3  }
0x37: {  	[smem:$0x3FA5] =	sst s10  }
0x38: {  	s10 =	sld [smem:$0x3FA6]  }
0x39: {  	_ = 	snop;
	(pc) =	sbr.ind lr, $3  }
0x3a: {  	_ = 	snop  }
0x3b: {  	_ = 	snop  }
0x3c: {  	p2 =	seq.s32 s10, $0x1;
	s10 =	sld [smem:$0x3FA5]  }
0x3d: {  	_ =	shalt  }
0x3e: {  	_ =	shalt  }
0x3f: {  	_ =	shalt  }
0x40: {  	_ =	shalt  }
0x41: {  	_ =	shalt  }
0x42: {  	_ =	shalt  }
0x43: {  	_ =	shalt  }
0x44: {  	_ =	shalt  }
0x45: {  	_ =	shalt  }
0x46: {  	_ =	shalt  }
0x47: {  	_ =	shalt  }
0x48: {  	_ =	shalt  }
0x49: {  	_ =	shalt  }
0x4a: {  	_ =	shalt  }
0x4b: {  	_ =	shalt  }
0x4c: {  	_ =	shalt  }
0x4d: {  	_ =	shalt  }
0x4e: {  	_ =	shalt  }
0x4f: {  	_ =	shalt  }
0x50: {  	_ =	shalt  }
0x51: {  	_ =	shalt  }
0x52: {  	_ =	shalt  }
0x53: {  	_ =	shalt  }
0x54: {  	_ =	shalt  }
0x55: {  	_ =	shalt  }
0x56: {  	_ =	shalt  }
0x57: {  	_ =	shalt  }
0x58: {  	_ =	shalt  }
0x59: {  	_ =	shalt  }
0x5a: {  	_ =	shalt  }
0x5b: {  	_ =	shalt  }
0x5c: {  	_ =	shalt  }
0x5d: {  	_ =	shalt  }
0x5e: {  	_ =	shalt  }
0x5f: {  	_ =	shalt  }
0x60: {  	_ =	shalt  }
0x61: {  	_ =	shalt  }
0x62: {  	_ =	shalt  }
0x63: {  	_ =	shalt  }
0x64: {  	_ =	shalt  }
0x65: {  	_ =	shalt  }
0x66: {  	_ =	shalt  }
0x67: {  	_ =	shalt  }
0x68: {  	_ =	shalt  }
0x69: {  	_ =	shalt  }
0x6a: {  	_ =	shalt  }
0x6b: {  	_ =	shalt  }
0x6c: {  	_ =	shalt  }
0x6d: {  	_ =	shalt  }
0x6e: {  	_ =	shalt  }
0x6f: {  	_ =	shalt  }
0x70: {  	_ =	shalt  }
0x71: {  	_ =	shalt  }
0x72: {  	_ =	shalt  }
0x73: {  	_ =	shalt  }
0x74: {  	_ =	shalt  }
0x75: {  	_ =	shalt  }
0x76: {  	_ =	shalt  }
0x77: {  	_ =	shalt  }
0x78: {  	_ =	shalt  }
0x79: {  	_ =	shalt  }
0x7a: {  	_ =	shalt  }
0x7b: {  	_ =	shalt  }
0x7c: {  	_ =	shalt  }
0x7d: {  	_ =	shalt  }
0x7e: {  	_ =	shalt  }
0x7f: {  	_ =	shalt  }
0x80: {  	_ =	shalt  }
0x81: {  	_ =	shalt  }
0x82: {  	_ =	shalt  }
0x83: {  	_ =	shalt  }
0x84: {  	_ =	shalt  }
0x85: {  	_ =	shalt  }
0x86: {  	_ =	shalt  }
0x87: {  	_ =	shalt  }
.Lfunc_end0:
.L_simem_size_0:
called_computation.1_lowered:
.L_overlay_start_0:
0x88: {  	s2 =	sld [smem:$0x3FD9]  }
0x89: {  	s3 =	sld [smem:$0x3FFE];
	_ =	sdelay $0x1  }
0x8a: {  	s1 =	srdreg.scid  }
0x8b: {  	s0 =	sand.u32 $0x1, s1  }
0x8c: {  	s17 =	sshll.u32 s0, $0xA;
	s2 =	sadd.s32 s3, s2  }
0x8d: {  	s2 =	sadd.s32 s2, s17  }
0x8e: {  	[smem:$0x3FB1] =	sst s2  }
0x8f: {  	_ = 	snop  }
0x90: {  	(tm) =	ssettm $0x1  }
0x91: {  	s18 =	sld [smem:$0x3FFB];
	_ =	sdelay $0x3  }
0x92: {  	_ =	strace s18  }
0x93: {  	s2 =	sld [smem:$0x3FFC];
	_ =	sdelay $0x3  }
0x94: {  	_ =	strace s2  }
0x95: {  	s2 =	sld [smem:$0x3FFD];
	_ =	sdelay $0x3  }
0x96: {  	_ =	strace s2  }
0x97: {  	_ =	strace $0x8FFFFFFF  }
0x98: {  	s19 =	sld [smem:$0x3FDB];
	_ =	sdelay $0x1  }
0x99: {  	s20 =	simm.s32 $_scs_section_size  }
0x9a: {  	s4 =	simm.s32 $_size__tile_overlayer_lowered;
	s5 =	simm.s32 $_tile_overlayer_lowered  }
0x9b: {  	s6 =	simm.s32 $0x1BFF;
	s21 =	sshll.u32 s5, $0x1;
	s3 =	sadd.s32 s20, s19  }
0x9c: {  	s22 =	simm.s32 $0x0;
	s4 =	sshll.u32 s4, $0x1;
	s5 =	sadd.s32 s21, s3  }
0x9d: {  	[timem:s22], [sflag:s6] =	dma.local [hbm:s5], s4  }
0x9e: {  	_ =	swait.ge [sflag:s6], s4  }
0x9f: {  	s4 =	ssub.s32 $0x0, s4;
	[sflag:s6] =	ssyncset.done $0x0  }
0xa0: {  	[sflag:s6] =	ssyncadd.s32 s4;
	_ =	sdelay $0x1  }
0xa1: {  	s23 =	simm.s32 $0x1B8B  }
0xa2: {  	_ =	swait.ge [sflag:s23], $0x1  }
0xa3: {  	[sflag:s23] =	ssyncset.done $0x0  }
0xa4: {  	[sflag:s23] =	ssyncadd.s32 $0xFFFFFFFF  }
0xa5: {  	s4 =	sld [smem:$0x0]  }
0xa6: {  	s5 =	sand.u32 $0xFFFFFFFE, s1  }
0xa7: {  	p0 =	sne.s32 s1, s5  }
0xa8: {  	s5 =	sshll.u32 @p0 s5, $0xE  }
0xa9: {  	s5 =	sadd.s32 @p0 $0x11B8D, s5;
	s6 =	sshll.u32 @p0 s4, $0x11  }
0xaa: {  	s5 =	sor.u32 @p0 s6, s5  }
0xab: {  	[sflag:s5] =	ssyncadd.remote.s32 @p0 $0x1;
	_ =	sdelay $0x1  }
0xac: {  	s5 =	simm.s32 @p0 $0x1B8D  }
0xad: {  	_ =	swait.eq @p0 [sflag:s5], $0x1  }
0xae: {  	[sflag:s5] =	ssyncadd.s32 @p0 $0xFFFFFFFF  }
0xaf: {  	s6 =	sshll.u32 @!p0 s1, $0xE  }
0xb0: {  	s6 =	sor.u32 @!p0 $0x4000, s6;
	s5 =	simm.s32 @!p0 $0x1B8D  }
0xb1: {  	s4 =	sshll.u32 @!p0 s4, $0x11;
	s6 =	sadd.s32 @!p0 $0x11B8D, s6;
	_ =	swait.eq @!p0 [sflag:s5], $0x1  }
0xb2: {  	s4 =	sor.u32 @!p0 s4, s6;
	[sflag:s5] =	ssyncadd.s32 @!p0 $0xFFFFFFFF  }
0xb3: {  	s25 =	simm.s32 $0x1B8E;
	s24 =	sld [smem:$0x3FFE];
	[sflag:s4] =	ssyncadd.remote.s32 @!p0 $0x1  }
0xb4: {  	s26 =	simm.s32 $execute0_lowered;
	[smem:$0x3FD2] =	sst s25  }
0xb5: {  	s5 =	sshll.u32 s26, $0x1;
	_ =	strace $0x80000049;
	[dreg:$0x1] =	wrdreg $0xFFFFFFFF  }
0xb6: {  	s28 =	simm.s32 $_size_execute0_lowered;
	s3 =	sadd.s32 s3, s5;
	[dreg:$0x0] =	wrdreg $0x0  }
0xb7: {  	s5 =	sshll.u32 s28, $0x1;
	[dreg:$0x2] =	wrdreg s3  }
0xb8: {  	[dreg:$0x3] =	wrdreg s5  }
0xb9: {  	[dreg:$0x4] =	wrdreg $0xC0  }
0xba: {  	_ =	task [dreg:s22], $0x5FFFF  }
0xbb: {  	[dreg:$0x1] =	wrdreg $0xFFFFFFFF  }
0xbc: {  	[dreg:$0x0] =	wrdreg $0x60  }
0xbd: {  	[dreg:$0x2] =	wrdreg s24  }
0xbe: {  	[dreg:$0x3] =	wrdreg $0xA  }
0xbf: {  	_ =	task.clear_ibuf [dreg:s22], $0x4FFFF;
	_ =	strace $0x90000049  }
0xc0: {  	s29 =	simm.s32 $0xA;
	_ =	strace $0x8000004B  }
0xc1: {  	_ =	swait.ge [sflag:s29], $0x1  }
0xc2: {  	[sflag:s29] =	ssyncadd.s32 $0xFFFFFFFF  }
0xc3: {  	_ =	strace $0x9000004B  }
0xc4: {  	_ =	sfence  }
0xc5: {  	s30 =	sld [smem:$0x0];
	_ =	sdelay $0x2  }
0xc6: {  	s31 =	sshll.u32 s1, $0xD;
	s1 =	sshrl.u32 s1, $0x2  }
0xc7: {  	s4 =	sand.u32 $0x4000, s31;
	s1 =	sadd.s32 s1, s30  }
0xc8: {  	s0 =	sor.u32 s4, s0;
	s1 =	sshll.u32 s1, $0x11  }
0xc9: {  	s0 =	sor.u32 s1, s0  }
0xca: {  	s0 =	sadd.s32 $0x8F2B, s0  }
0xcb: {  	[sflag:s0] =	ssyncadd.remote.s32 $0x1  }
0xcc: {  	_ =	sfence.sel $0xFFFF  }
0xcd: {  	[dreg:$0x0] =	wrdreg $0xFFFFFFFF;
	(pc) =	sbr.abs _section_cstart, $3  }
0xce: {  	[dreg:$0x1] =	wrdreg $0xFFFFFFFF  }
0xcf: {  	_ =	task.clear_ibuf [dreg:s22], $0x2FFFF;
	_ =	strace $0x9FFFFFFF  }
0xd0: {  	(tm) =	ssettm $0x7FFFFFFF  }
0xd1: {  	_ =	shalt  }
tec
execute0_lowered:
.L_overlay_start_1:
0x0: {  	(tag) =	ssettag $0x1  }
0x1: {  	s1 =	srdreg.scid;
	s0 =	stileid.u32  }
0x2: {  	s1 =	sand.u32 $0x1, s1;
	s2 =	sshll.u32 s0, $0x1  }
0x3: {  	s3 =	sor.u32 s1, s2  }
0x4: {  	s4 =	rddreg [dreg:$0x0];
	s30 =	smul.u32 $0x6000, s3  }
0x5: {  	[dreg:$0x5] =	wrdreg s1;
	s2 =	simm.s32 $0x0;
	s3 =	smul.u32 $0xC000, s3  }
0x6: {  	s29 =	sadd.s32 $0xD3E00, s4;
	s31 =	sadd.s32 $0xEBE00, s4;
	[smem:$0x7FF] =	sst s2  }
0x7: {  	_ =	strace $0x8000004A;
	s5 =	sshrl.u32 s30, $0x3;
	s3 =	sadd.s32 s31, s3  }
0x8: {  	s11 =	sor.u32 $0x800, s30;
	s5 =	sadd.s32 s29, s5;
	[dreg:$0x4] =	wrdreg s3  }
0x9: {  	s26 =	sshrl.u32 s11, $0x3;
	[dreg:$0x2] =	wrdreg s5  }
0xa: {  	s5 =	sadd.s32 s29, s26;
	s6 =	rddreg [dreg:$0x2]  }
0xb: {  	s3 =	simm.s32 $0x3;
	[dreg:$0x3] =	wrdreg s5  }
0xc: {  	[tilespmem:s2], [sflag:$0x3] =	stream.linear.gather [hbm4b:s6+s2], $0x800, $0x38;
	[tilespmem:$0x11000] =	vst v63  }
0xd: {  	_ =	swait.ge [sflag:s3], $0x800  }
0xe: {  	s4 =	sadd.s32 $0x11E00, s4;
	[sflag:s3] =	ssyncset.done $0x0  }
0xf: {  	s5 =	simm.s32 $0x800;
	s6 =	simm.s32 $0x1000;
	[sflag:s3] =	ssyncadd.s32 $0xFFFFF800  }
0x10: {  	[tilespmem:s6], [sflag:$0x1] =	stream.indirect.gather [hbm4b:s4+s5], $0x10, s2, s5, $0xb8;
	[tilespmem:$0x11000] =	vst v63  }
0x11: {  	s7 =	rddreg [dreg:$0x3]  }
0x12: {  	[tilespmem:s5], [sflag:$0x3] =	stream.linear.gather [hbm4b:s7+s2], $0x800, $0x38;
	[tilespmem:$0x11000] =	vst v63  }
0x13: {  	_ =	swait.ge [sflag:s3], $0x800  }
0x14: {  	[sflag:s3] =	ssyncset.done $0x0  }
0x15: {  	s8 =	simm.s32 $0x1;
	s7 =	simm.s32 $0x9000;
	[sflag:s3] =	ssyncadd.s32 $0xFFFFF800  }
0x16: {  	[tilespmem:s7], [sflag:$0x2] =	stream.indirect.gather [hbm4b:s4+s5], $0x10, s5, s5, $0xb8;
	[tilespmem:$0x11000] =	vst v63  }
0x17: {  	_ =	swait.ge [sflag:s8], $0x8000  }
0x18: {  	[sflag:s8] =	ssyncset.done $0x0  }
0x19: {  	s9 =	rddreg [dreg:$0x4];
	[sflag:s8] =	ssyncadd.s32 $0xFFFF8000  }
0x1a: {  	[hbm4b:s9+s2] =	stream.linear.scatter [tilespmem:s6], [sflag:$0x3], $0x8000, $0x38;
	[tilespmem:$0x11000] =	vst v63  }
0x1b: {  	s13 =	sor.u32 $0x1000, s30;
	_ =	swait.ge [sflag:s3], $0x8000  }
0x1c: {  	s0 =	sshrl.u32 s13, $0x3;
	[sflag:s3] =	ssyncset.done $0x0  }
0x1d: {  	s9 =	sadd.s32 s29, s0;
	[sflag:s3] =	ssyncadd.s32 $0xFFFF8000  }
0x1e: {  	[tilespmem:s2], [sflag:$0x3] =	stream.linear.gather [hbm4b:s9+s2], $0x800, $0x38;
	[tilespmem:$0x11000] =	vst v63  }
0x1f: {  	_ =	swait.ge [sflag:s3], $0x800  }
0x20: {  	[sflag:s3] =	ssyncset.done $0x0  }
0x21: {  	s10 =	simm.s32 $0x2;
	[sflag:s3] =	ssyncadd.s32 $0xFFFFF800  }
0x22: {  	[tilespmem:s6], [sflag:$0x1] =	stream.indirect.gather [hbm4b:s4+s5], $0x10, s2, s5, $0xb8;
	[tilespmem:$0x11000] =	vst v63  }
0x23: {  	_ =	swait.ge [sflag:s10], $0x8000  }
0x24: {  	s11 =	sshll.u32 s11, $0x1;
	[sflag:s10] =	ssyncset.done $0x0  }
0x25: {  	s11 =	sadd.s32 s31, s11;
	[sflag:s10] =	ssyncadd.s32 $0xFFFF8000  }
0x26: {  	[hbm4b:s11+s2] =	stream.linear.scatter [tilespmem:s7], [sflag:$0x3], $0x8000, $0x38;
	[tilespmem:$0x11000] =	vst v63  }
0x27: {  	s15 =	sor.u32 $0x1800, s30;
	_ =	swait.ge [sflag:s3], $0x8000  }
0x28: {  	s12 =	sshrl.u32 s15, $0x3;
	[sflag:s3] =	ssyncset.done $0x0  }
0x29: {  	s12 =	sadd.s32 s29, s12;
	[sflag:s3] =	ssyncadd.s32 $0xFFFF8000  }
0x2a: {  	[tilespmem:s5], [sflag:$0x3] =	stream.linear.gather [hbm4b:s12+s2], $0x800, $0x38;
	[tilespmem:$0x11000] =	vst v63  }
0x2b: {  	_ =	swait.ge [sflag:s3], $0x800  }
0x2c: {  	[sflag:s3] =	ssyncset.done $0x0  }
0x2d: {  	[sflag:s3] =	ssyncadd.s32 $0xFFFFF800  }
0x2e: {  	[tilespmem:s7], [sflag:$0x2] =	stream.indirect.gather [hbm4b:s4+s5], $0x10, s5, s5, $0xb8;
	[tilespmem:$0x11000] =	vst v63  }
0x2f: {  	_ =	swait.ge [sflag:s8], $0x8000  }
0x30: {  	s13 =	sshll.u32 s13, $0x1;
	[sflag:s8] =	ssyncset.done $0x0  }
0x31: {  	s13 =	sadd.s32 s31, s13;
	[sflag:s8] =	ssyncadd.s32 $0xFFFF8000  }
0x32: {  	[hbm4b:s13+s2] =	stream.linear.scatter [tilespmem:s6], [sflag:$0x3], $0x8000, $0x38;
	[tilespmem:$0x11000] =	vst v63  }
0x33: {  	s17 =	sadd.s32 $0x2000, s30;
	_ =	swait.ge [sflag:s3], $0x8000  }
0x34: {  	s14 =	sshrl.u32 s17, $0x3;
	[sflag:s3] =	ssyncset.done $0x0  }
0x35: {  	s14 =	sadd.s32 s29, s14;
	[sflag:s3] =	ssyncadd.s32 $0xFFFF8000  }
0x36: {  	[tilespmem:s2], [sflag:$0x3] =	stream.linear.gather [hbm4b:s14+s2], $0x800, $0x38;
	[tilespmem:$0x11000] =	vst v63  }
0x37: {  	_ =	swait.ge [sflag:s3], $0x800  }
0x38: {  	[sflag:s3] =	ssyncset.done $0x0  }
0x39: {  	[sflag:s3] =	ssyncadd.s32 $0xFFFFF800  }
0x3a: {  	[tilespmem:s6], [sflag:$0x1] =	stream.indirect.gather [hbm4b:s4+s5], $0x10, s2, s5, $0xb8;
	[tilespmem:$0x11000] =	vst v63  }
0x3b: {  	_ =	swait.ge [sflag:s10], $0x8000  }
0x3c: {  	s15 =	sshll.u32 s15, $0x1;
	[sflag:s10] =	ssyncset.done $0x0  }
0x3d: {  	s15 =	sadd.s32 s31, s15;
	[sflag:s10] =	ssyncadd.s32 $0xFFFF8000  }
0x3e: {  	[hbm4b:s15+s2] =	stream.linear.scatter [tilespmem:s7], [sflag:$0x3], $0x8000, $0x38;
	[tilespmem:$0x11000] =	vst v63  }
0x3f: {  	s19 =	sadd.s32 $0x2800, s30;
	_ =	swait.ge [sflag:s3], $0x8000  }
0x40: {  	s16 =	sshrl.u32 s19, $0x3;
	[sflag:s3] =	ssyncset.done $0x0  }
0x41: {  	s16 =	sadd.s32 s29, s16;
	[sflag:s3] =	ssyncadd.s32 $0xFFFF8000  }
0x42: {  	[tilespmem:s5], [sflag:$0x3] =	stream.linear.gather [hbm4b:s16+s2], $0x800, $0x38;
	[tilespmem:$0x11000] =	vst v63  }
0x43: {  	_ =	swait.ge [sflag:s3], $0x800  }
0x44: {  	[sflag:s3] =	ssyncset.done $0x0  }
0x45: {  	[sflag:s3] =	ssyncadd.s32 $0xFFFFF800  }
0x46: {  	[tilespmem:s7], [sflag:$0x2] =	stream.indirect.gather [hbm4b:s4+s5], $0x10, s5, s5, $0xb8;
	[tilespmem:$0x11000] =	vst v63  }
0x47: {  	_ =	swait.ge [sflag:s8], $0x8000  }
0x48: {  	s17 =	sshll.u32 s17, $0x1;
	[sflag:s8] =	ssyncset.done $0x0  }
0x49: {  	s17 =	sadd.s32 s31, s17;
	[sflag:s8] =	ssyncadd.s32 $0xFFFF8000  }
0x4a: {  	[hbm4b:s17+s2] =	stream.linear.scatter [tilespmem:s6], [sflag:$0x3], $0x8000, $0x38;
	[tilespmem:$0x11000] =	vst v63  }
0x4b: {  	s21 =	sadd.s32 $0x3000, s30;
	_ =	swait.ge [sflag:s3], $0x8000  }
0x4c: {  	s18 =	sshrl.u32 s21, $0x3;
	[sflag:s3] =	ssyncset.done $0x0  }
0x4d: {  	s18 =	sadd.s32 s29, s18;
	[sflag:s3] =	ssyncadd.s32 $0xFFFF8000  }
0x4e: {  	[tilespmem:s2], [sflag:$0x3] =	stream.linear.gather [hbm4b:s18+s2], $0x800, $0x38;
	[tilespmem:$0x11000] =	vst v63  }
0x4f: {  	_ =	swait.ge [sflag:s3], $0x800  }
0x50: {  	[sflag:s3] =	ssyncset.done $0x0  }
0x51: {  	[sflag:s3] =	ssyncadd.s32 $0xFFFFF800  }
0x52: {  	[tilespmem:s6], [sflag:$0x1] =	stream.indirect.gather [hbm4b:s4+s5], $0x10, s2, s5, $0xb8;
	[tilespmem:$0x11000] =	vst v63  }
0x53: {  	_ =	swait.ge [sflag:s10], $0x8000  }
0x54: {  	s19 =	sshll.u32 s19, $0x1;
	[sflag:s10] =	ssyncset.done $0x0  }
0x55: {  	s19 =	sadd.s32 s31, s19;
	[sflag:s10] =	ssyncadd.s32 $0xFFFF8000  }
0x56: {  	[hbm4b:s19+s2] =	stream.linear.scatter [tilespmem:s7], [sflag:$0x3], $0x8000, $0x38;
	[tilespmem:$0x11000] =	vst v63  }
0x57: {  	s23 =	sadd.s32 $0x3800, s30;
	_ =	swait.ge [sflag:s3], $0x8000  }
0x58: {  	s20 =	sshrl.u32 s23, $0x3;
	[sflag:s3] =	ssyncset.done $0x0  }
0x59: {  	s20 =	sadd.s32 s29, s20;
	[sflag:s3] =	ssyncadd.s32 $0xFFFF8000  }
0x5a: {  	[tilespmem:s5], [sflag:$0x3] =	stream.linear.gather [hbm4b:s20+s2], $0x800, $0x38;
	[tilespmem:$0x11000] =	vst v63  }
0x5b: {  	_ =	swait.ge [sflag:s3], $0x800  }
0x5c: {  	[sflag:s3] =	ssyncset.done $0x0  }
0x5d: {  	[sflag:s3] =	ssyncadd.s32 $0xFFFFF800  }
0x5e: {  	[tilespmem:s7], [sflag:$0x2] =	stream.indirect.gather [hbm4b:s4+s5], $0x10, s5, s5, $0xb8;
	[tilespmem:$0x11000] =	vst v63  }
0x5f: {  	_ =	swait.ge [sflag:s8], $0x8000  }
0x60: {  	s21 =	sshll.u32 s21, $0x1;
	[sflag:s8] =	ssyncset.done $0x0  }
0x61: {  	s21 =	sadd.s32 s31, s21;
	[sflag:s8] =	ssyncadd.s32 $0xFFFF8000  }
0x62: {  	[hbm4b:s21+s2] =	stream.linear.scatter [tilespmem:s6], [sflag:$0x3], $0x8000, $0x38;
	[tilespmem:$0x11000] =	vst v63  }
0x63: {  	s25 =	sadd.s32 $0x4000, s30;
	_ =	swait.ge [sflag:s3], $0x8000  }
0x64: {  	s22 =	sshrl.u32 s25, $0x3;
	[sflag:s3] =	ssyncset.done $0x0  }
0x65: {  	s22 =	sadd.s32 s29, s22;
	[sflag:s3] =	ssyncadd.s32 $0xFFFF8000  }
0x66: {  	[tilespmem:s2], [sflag:$0x3] =	stream.linear.gather [hbm4b:s22+s2], $0x800, $0x38;
	[tilespmem:$0x11000] =	vst v63  }
0x67: {  	_ =	swait.ge [sflag:s3], $0x800  }
0x68: {  	[sflag:s3] =	ssyncset.done $0x0  }
0x69: {  	[sflag:s3] =	ssyncadd.s32 $0xFFFFF800  }
0x6a: {  	[tilespmem:s6], [sflag:$0x1] =	stream.indirect.gather [hbm4b:s4+s5], $0x10, s2, s5, $0xb8;
	[tilespmem:$0x11000] =	vst v63  }
0x6b: {  	_ =	swait.ge [sflag:s10], $0x8000  }
0x6c: {  	s23 =	sshll.u32 s23, $0x1;
	[sflag:s10] =	ssyncset.done $0x0  }
0x6d: {  	s23 =	sadd.s32 s31, s23;
	[sflag:s10] =	ssyncadd.s32 $0xFFFF8000  }
0x6e: {  	[hbm4b:s23+s2] =	stream.linear.scatter [tilespmem:s7], [sflag:$0x3], $0x8000, $0x38;
	[tilespmem:$0x11000] =	vst v63  }
0x6f: {  	s28 =	sadd.s32 $0x4800, s30;
	_ =	swait.ge [sflag:s3], $0x8000  }
0x70: {  	s24 =	sshrl.u32 s28, $0x3;
	[sflag:s3] =	ssyncset.done $0x0  }
0x71: {  	s24 =	sadd.s32 s29, s24;
	[sflag:s3] =	ssyncadd.s32 $0xFFFF8000  }
0x72: {  	[tilespmem:s5], [sflag:$0x3] =	stream.linear.gather [hbm4b:s24+s2], $0x800, $0x38;
	[tilespmem:$0x11000] =	vst v63  }
0x73: {  	_ =	swait.ge [sflag:s3], $0x800  }
0x74: {  	[sflag:s3] =	ssyncset.done $0x0  }
0x75: {  	[sflag:s3] =	ssyncadd.s32 $0xFFFFF800  }
0x76: {  	[tilespmem:s7], [sflag:$0x2] =	stream.indirect.gather [hbm4b:s4+s5], $0x10, s5, s5, $0xb8;
	[tilespmem:$0x11000] =	vst v63  }
0x77: {  	_ =	swait.ge [sflag:s8], $0x8000  }
0x78: {  	s25 =	sshll.u32 s25, $0x1;
	[sflag:s8] =	ssyncset.done $0x0  }
0x79: {  	s25 =	sadd.s32 s31, s25;
	[sflag:s8] =	ssyncadd.s32 $0xFFFF8000  }
0x7a: {  	[hbm4b:s25+s2] =	stream.linear.scatter [tilespmem:s6], [sflag:$0x3], $0x8000, $0x38;
	[tilespmem:$0x11000] =	vst v63  }
0x7b: {  	s1 =	sadd.s32 $0x5000, s30;
	_ =	swait.ge [sflag:s3], $0x8000  }
0x7c: {  	s26 =	sshrl.u32 s1, $0x3;
	[sflag:s3] =	ssyncset.done $0x0  }
0x7d: {  	s26 =	sadd.s32 s29, s26;
	[sflag:s3] =	ssyncadd.s32 $0xFFFF8000  }
0x7e: {  	[tilespmem:s2], [sflag:$0x3] =	stream.linear.gather [hbm4b:s26+s2], $0x800, $0x38;
	[tilespmem:$0x11000] =	vst v63  }
0x7f: {  	_ =	swait.ge [sflag:s3], $0x800  }
0x80: {  	[sflag:s3] =	ssyncset.done $0x0  }
0x81: {  	[sflag:s3] =	ssyncadd.s32 $0xFFFFF800  }
0x82: {  	[tilespmem:s6], [sflag:$0x1] =	stream.indirect.gather [hbm4b:s4+s5], $0x10, s2, s5, $0xb8;
	[tilespmem:$0x11000] =	vst v63  }
0x83: {  	_ =	swait.ge [sflag:s10], $0x8000  }
0x84: {  	s28 =	sshll.u32 s28, $0x1;
	[sflag:s10] =	ssyncset.done $0x0  }
0x85: {  	s28 =	sadd.s32 s31, s28;
	[dreg:$0x6] =	wrdreg s31;
	[sflag:s10] =	ssyncadd.s32 $0xFFFF8000  }
0x86: {  	[hbm4b:s28+s2] =	stream.linear.scatter [tilespmem:s7], [sflag:$0x3], $0x8000, $0x38;
	[tilespmem:$0x11000] =	vst v63  }
0x87: {  	s0 =	sadd.s32 $0x5800, s30;
	_ =	swait.ge [sflag:s3], $0x8000  }
0x88: {  	s30 =	sshrl.u32 s0, $0x3;
	[sflag:s3] =	ssyncset.done $0x0  }
0x89: {  	s29 =	sadd.s32 s29, s30;
	[sflag:s3] =	ssyncadd.s32 $0xFFFF8000  }
0x8a: {  	[tilespmem:s5], [sflag:$0x3] =	stream.linear.gather [hbm4b:s29+s2], $0x800, $0x38;
	[tilespmem:$0x11000] =	vst v63  }
0x8b: {  	_ =	swait.ge [sflag:s3], $0x800  }
0x8c: {  	[sflag:s3] =	ssyncset.done $0x0  }
0x8d: {  	[sflag:s3] =	ssyncadd.s32 $0xFFFFF800  }
0x8e: {  	[tilespmem:s7], [sflag:$0x2] =	stream.indirect.gather [hbm4b:s4+s5], $0x10, s5, s5, $0xb8;
	[tilespmem:$0x11000] =	vst v63  }
0x8f: {  	_ =	swait.ge [sflag:s8], $0x8000  }
0x90: {  	s1 =	sshll.u32 s1, $0x1;
	[sflag:s8] =	ssyncset.done $0x0  }
0x91: {  	s30 =	sadd.s32 s31, s1;
	[sflag:s8] =	ssyncadd.s32 $0xFFFF8000  }
0x92: {  	[hbm4b:s30+s2] =	stream.linear.scatter [tilespmem:s6], [sflag:$0x3], $0x8000, $0x38;
	[tilespmem:$0x11000] =	vst v63  }
0x93: {  	_ =	swait.ge [sflag:s3], $0x8000  }
0x94: {  	s1 =	rddreg [dreg:$0x5]  }
0x95: {  	s1 =	ssub.s32 $0x2, s1  }
0x96: {  	s31 =	sshrl.u32 s1, $0x1  }
0x97: {  	s1 =	ssub.s32 s1, s31  }
0x98: {  	[sflag:s3] =	ssyncset.done $0x0;
	s1 =	smax.u32 s1, $0x1  }
0x99: {  	[sflag:s3] =	ssyncadd.s32 $0xFFFF8000;
	p0 =	sne.s32 s1, $0x1  }
.Ltmp0:
0x9a: {  	_ =	swait.ge [sflag:s10], $0x8000;
	(pc) =	sbr.rel @!p0 .LBB2_2-.Ltmp0, $4  }
0x9b: {  	s0 =	sshll.u32 s0, $0x1;
	[sflag:s10] =	ssyncset.done $0x0;
	s31 =	rddreg [dreg:$0x6]  }
0x9c: {  	s31 =	sadd.s32 s31, s0;
	[sflag:s10] =	ssyncadd.s32 $0xFFFF8000  }
0x9d: {  	[hbm4b:s31+s2] =	stream.linear.scatter [tilespmem:s7], [sflag:$0x3], $0x8000, $0x38;
	[tilespmem:$0x11000] =	vst v63  }
0x9e: {  	s1 =	sadd.s32 $0xFFFFFFFF, s1;
	_ =	swait.ge [sflag:s3], $0x8000  }
.LBB2_1:
0x9f: {  	[sflag:s3] =	ssyncset.done $0x0  }
0xa0: {  	s0 =	rddreg [dreg:$0x2];
	[sflag:s3] =	ssyncadd.s32 $0xFFFF8000  }
0xa1: {  	[tilespmem:s2], [sflag:$0x3] =	stream.linear.gather [hbm4b:s0+s2], $0x800, $0x38;
	[tilespmem:$0x11000] =	vst v63  }
0xa2: {  	_ =	swait.ge [sflag:s3], $0x800  }
0xa3: {  	[sflag:s3] =	ssyncset.done $0x0  }
0xa4: {  	[sflag:s3] =	ssyncadd.s32 $0xFFFFF800  }
0xa5: {  	[tilespmem:s6], [sflag:$0x1] =	stream.indirect.gather [hbm4b:s4+s5], $0x10, s2, s5, $0xb8;
	[tilespmem:$0x11000] =	vst v63  }
0xa6: {  	s0 =	rddreg [dreg:$0x3]  }
0xa7: {  	[tilespmem:s5], [sflag:$0x3] =	stream.linear.gather [hbm4b:s0+s2], $0x800, $0x38;
	[tilespmem:$0x11000] =	vst v63  }
0xa8: {  	_ =	swait.ge [sflag:s3], $0x800  }
0xa9: {  	[sflag:s3] =	ssyncset.done $0x0  }
0xaa: {  	[sflag:s3] =	ssyncadd.s32 $0xFFFFF800  }
0xab: {  	[tilespmem:s7], [sflag:$0x2] =	stream.indirect.gather [hbm4b:s4+s5], $0x10, s5, s5, $0xb8;
	[tilespmem:$0x11000] =	vst v63  }
0xac: {  	_ =	swait.ge [sflag:s8], $0x8000  }
0xad: {  	[sflag:s8] =	ssyncset.done $0x0  }
0xae: {  	s0 =	rddreg [dreg:$0x4];
	[sflag:s8] =	ssyncadd.s32 $0xFFFF8000  }
0xaf: {  	[hbm4b:s0+s2] =	stream.linear.scatter [tilespmem:s6], [sflag:$0x3], $0x8000, $0x38;
	[tilespmem:$0x11000] =	vst v63  }
0xb0: {  	_ =	swait.ge [sflag:s3], $0x8000  }
0xb1: {  	[sflag:s3] =	ssyncset.done $0x0  }
0xb2: {  	[sflag:s3] =	ssyncadd.s32 $0xFFFF8000  }
0xb3: {  	[tilespmem:s2], [sflag:$0x3] =	stream.linear.gather [hbm4b:s9+s2], $0x800, $0x38;
	[tilespmem:$0x11000] =	vst v63  }
0xb4: {  	_ =	swait.ge [sflag:s3], $0x800  }
0xb5: {  	[sflag:s3] =	ssyncset.done $0x0  }
0xb6: {  	[sflag:s3] =	ssyncadd.s32 $0xFFFFF800  }
0xb7: {  	[tilespmem:s6], [sflag:$0x1] =	stream.indirect.gather [hbm4b:s4+s5], $0x10, s2, s5, $0xb8;
	[tilespmem:$0x11000] =	vst v63  }
0xb8: {  	_ =	swait.ge [sflag:s10], $0x8000  }
0xb9: {  	[sflag:s10] =	ssyncset.done $0x0  }
0xba: {  	[sflag:s10] =	ssyncadd.s32 $0xFFFF8000  }
0xbb: {  	[hbm4b:s11+s2] =	stream.linear.scatter [tilespmem:s7], [sflag:$0x3], $0x8000, $0x38;
	[tilespmem:$0x11000] =	vst v63  }
0xbc: {  	_ =	swait.ge [sflag:s3], $0x8000  }
0xbd: {  	[sflag:s3] =	ssyncset.done $0x0  }
0xbe: {  	[sflag:s3] =	ssyncadd.s32 $0xFFFF8000  }
0xbf: {  	[tilespmem:s5], [sflag:$0x3] =	stream.linear.gather [hbm4b:s12+s2], $0x800, $0x38;
	[tilespmem:$0x11000] =	vst v63  }
0xc0: {  	_ =	swait.ge [sflag:s3], $0x800  }
0xc1: {  	[sflag:s3] =	ssyncset.done $0x0  }
0xc2: {  	[sflag:s3] =	ssyncadd.s32 $0xFFFFF800  }
0xc3: {  	[tilespmem:s7], [sflag:$0x2] =	stream.indirect.gather [hbm4b:s4+s5], $0x10, s5, s5, $0xb8;
	[tilespmem:$0x11000] =	vst v63  }
0xc4: {  	_ =	swait.ge [sflag:s8], $0x8000  }
0xc5: {  	[sflag:s8] =	ssyncset.done $0x0  }
0xc6: {  	[sflag:s8] =	ssyncadd.s32 $0xFFFF8000  }
0xc7: {  	[hbm4b:s13+s2] =	stream.linear.scatter [tilespmem:s6], [sflag:$0x3], $0x8000, $0x38;
	[tilespmem:$0x11000] =	vst v63  }
0xc8: {  	_ =	swait.ge [sflag:s3], $0x8000  }
0xc9: {  	[sflag:s3] =	ssyncset.done $0x0  }
0xca: {  	[sflag:s3] =	ssyncadd.s32 $0xFFFF8000  }
0xcb: {  	[tilespmem:s2], [sflag:$0x3] =	stream.linear.gather [hbm4b:s14+s2], $0x800, $0x38;
	[tilespmem:$0x11000] =	vst v63  }
0xcc: {  	_ =	swait.ge [sflag:s3], $0x800  }
0xcd: {  	[sflag:s3] =	ssyncset.done $0x0  }
0xce: {  	[sflag:s3] =	ssyncadd.s32 $0xFFFFF800  }
0xcf: {  	[tilespmem:s6], [sflag:$0x1] =	stream.indirect.gather [hbm4b:s4+s5], $0x10, s2, s5, $0xb8;
	[tilespmem:$0x11000] =	vst v63  }
0xd0: {  	_ =	swait.ge [sflag:s10], $0x8000  }
0xd1: {  	[sflag:s10] =	ssyncset.done $0x0  }
0xd2: {  	[sflag:s10] =	ssyncadd.s32 $0xFFFF8000  }
0xd3: {  	[hbm4b:s15+s2] =	stream.linear.scatter [tilespmem:s7], [sflag:$0x3], $0x8000, $0x38;
	[tilespmem:$0x11000] =	vst v63  }
0xd4: {  	_ =	swait.ge [sflag:s3], $0x8000  }
0xd5: {  	[sflag:s3] =	ssyncset.done $0x0  }
0xd6: {  	[sflag:s3] =	ssyncadd.s32 $0xFFFF8000  }
0xd7: {  	[tilespmem:s5], [sflag:$0x3] =	stream.linear.gather [hbm4b:s16+s2], $0x800, $0x38;
	[tilespmem:$0x11000] =	vst v63  }
0xd8: {  	_ =	swait.ge [sflag:s3], $0x800  }
0xd9: {  	[sflag:s3] =	ssyncset.done $0x0  }
0xda: {  	[sflag:s3] =	ssyncadd.s32 $0xFFFFF800  }
0xdb: {  	[tilespmem:s7], [sflag:$0x2] =	stream.indirect.gather [hbm4b:s4+s5], $0x10, s5, s5, $0xb8;
	[tilespmem:$0x11000] =	vst v63  }
0xdc: {  	_ =	swait.ge [sflag:s8], $0x8000  }
0xdd: {  	[sflag:s8] =	ssyncset.done $0x0  }
0xde: {  	[sflag:s8] =	ssyncadd.s32 $0xFFFF8000  }
0xdf: {  	[hbm4b:s17+s2] =	stream.linear.scatter [tilespmem:s6], [sflag:$0x3], $0x8000, $0x38;
	[tilespmem:$0x11000] =	vst v63  }
0xe0: {  	_ =	swait.ge [sflag:s3], $0x8000  }
0xe1: {  	[sflag:s3] =	ssyncset.done $0x0  }
0xe2: {  	[sflag:s3] =	ssyncadd.s32 $0xFFFF8000  }
0xe3: {  	[tilespmem:s2], [sflag:$0x3] =	stream.linear.gather [hbm4b:s18+s2], $0x800, $0x38;
	[tilespmem:$0x11000] =	vst v63  }
0xe4: {  	_ =	swait.ge [sflag:s3], $0x800  }
0xe5: {  	[sflag:s3] =	ssyncset.done $0x0  }
0xe6: {  	[sflag:s3] =	ssyncadd.s32 $0xFFFFF800  }
0xe7: {  	[tilespmem:s6], [sflag:$0x1] =	stream.indirect.gather [hbm4b:s4+s5], $0x10, s2, s5, $0xb8;
	[tilespmem:$0x11000] =	vst v63  }
0xe8: {  	_ =	swait.ge [sflag:s10], $0x8000  }
0xe9: {  	[sflag:s10] =	ssyncset.done $0x0  }
0xea: {  	[sflag:s10] =	ssyncadd.s32 $0xFFFF8000  }
0xeb: {  	[hbm4b:s19+s2] =	stream.linear.scatter [tilespmem:s7], [sflag:$0x3], $0x8000, $0x38;
	[tilespmem:$0x11000] =	vst v63  }
0xec: {  	_ =	swait.ge [sflag:s3], $0x8000  }
0xed: {  	[sflag:s3] =	ssyncset.done $0x0  }
0xee: {  	[sflag:s3] =	ssyncadd.s32 $0xFFFF8000  }
0xef: {  	[tilespmem:s5], [sflag:$0x3] =	stream.linear.gather [hbm4b:s20+s2], $0x800, $0x38;
	[tilespmem:$0x11000] =	vst v63  }
0xf0: {  	_ =	swait.ge [sflag:s3], $0x800  }
0xf1: {  	[sflag:s3] =	ssyncset.done $0x0  }
0xf2: {  	[sflag:s3] =	ssyncadd.s32 $0xFFFFF800  }
0xf3: {  	[tilespmem:s7], [sflag:$0x2] =	stream.indirect.gather [hbm4b:s4+s5], $0x10, s5, s5, $0xb8;
	[tilespmem:$0x11000] =	vst v63  }
0xf4: {  	_ =	swait.ge [sflag:s8], $0x8000  }
0xf5: {  	[sflag:s8] =	ssyncset.done $0x0  }
0xf6: {  	[sflag:s8] =	ssyncadd.s32 $0xFFFF8000  }
0xf7: {  	[hbm4b:s21+s2] =	stream.linear.scatter [tilespmem:s6], [sflag:$0x3], $0x8000, $0x38;
	[tilespmem:$0x11000] =	vst v63  }
0xf8: {  	_ =	swait.ge [sflag:s3], $0x8000  }
0xf9: {  	[sflag:s3] =	ssyncset.done $0x0  }
0xfa: {  	[sflag:s3] =	ssyncadd.s32 $0xFFFF8000  }
0xfb: {  	[tilespmem:s2], [sflag:$0x3] =	stream.linear.gather [hbm4b:s22+s2], $0x800, $0x38;
	[tilespmem:$0x11000] =	vst v63  }
0xfc: {  	_ =	swait.ge [sflag:s3], $0x800  }
0xfd: {  	[sflag:s3] =	ssyncset.done $0x0  }
0xfe: {  	[sflag:s3] =	ssyncadd.s32 $0xFFFFF800  }
0xff: {  	[tilespmem:s6], [sflag:$0x1] =	stream.indirect.gather [hbm4b:s4+s5], $0x10, s2, s5, $0xb8;
	[tilespmem:$0x11000] =	vst v63  }
0x100: {  	_ =	swait.ge [sflag:s10], $0x8000  }
0x101: {  	[sflag:s10] =	ssyncset.done $0x0  }
0x102: {  	[sflag:s10] =	ssyncadd.s32 $0xFFFF8000  }
0x103: {  	[hbm4b:s23+s2] =	stream.linear.scatter [tilespmem:s7], [sflag:$0x3], $0x8000, $0x38;
	[tilespmem:$0x11000] =	vst v63  }
0x104: {  	_ =	swait.ge [sflag:s3], $0x8000  }
0x105: {  	[sflag:s3] =	ssyncset.done $0x0  }
0x106: {  	[sflag:s3] =	ssyncadd.s32 $0xFFFF8000  }
0x107: {  	[tilespmem:s5], [sflag:$0x3] =	stream.linear.gather [hbm4b:s24+s2], $0x800, $0x38;
	[tilespmem:$0x11000] =	vst v63  }
0x108: {  	_ =	swait.ge [sflag:s3], $0x800  }
0x109: {  	[sflag:s3] =	ssyncset.done $0x0  }
0x10a: {  	[sflag:s3] =	ssyncadd.s32 $0xFFFFF800  }
0x10b: {  	[tilespmem:s7], [sflag:$0x2] =	stream.indirect.gather [hbm4b:s4+s5], $0x10, s5, s5, $0xb8;
	[tilespmem:$0x11000] =	vst v63  }
0x10c: {  	_ =	swait.ge [sflag:s8], $0x8000  }
0x10d: {  	[sflag:s8] =	ssyncset.done $0x0  }
0x10e: {  	[sflag:s8] =	ssyncadd.s32 $0xFFFF8000  }
0x10f: {  	[hbm4b:s25+s2] =	stream.linear.scatter [tilespmem:s6], [sflag:$0x3], $0x8000, $0x38;
	[tilespmem:$0x11000] =	vst v63  }
0x110: {  	_ =	swait.ge [sflag:s3], $0x8000  }
0x111: {  	[sflag:s3] =	ssyncset.done $0x0  }
0x112: {  	[sflag:s3] =	ssyncadd.s32 $0xFFFF8000  }
0x113: {  	[tilespmem:s2], [sflag:$0x3] =	stream.linear.gather [hbm4b:s26+s2], $0x800, $0x38;
	[tilespmem:$0x11000] =	vst v63  }
0x114: {  	_ =	swait.ge [sflag:s3], $0x800  }
0x115: {  	[sflag:s3] =	ssyncset.done $0x0  }
0x116: {  	[sflag:s3] =	ssyncadd.s32 $0xFFFFF800  }
0x117: {  	[tilespmem:s6], [sflag:$0x1] =	stream.indirect.gather [hbm4b:s4+s5], $0x10, s2, s5, $0xb8;
	[tilespmem:$0x11000] =	vst v63  }
0x118: {  	_ =	swait.ge [sflag:s10], $0x8000  }
0x119: {  	[sflag:s10] =	ssyncset.done $0x0  }
0x11a: {  	[sflag:s10] =	ssyncadd.s32 $0xFFFF8000  }
0x11b: {  	[hbm4b:s28+s2] =	stream.linear.scatter [tilespmem:s7], [sflag:$0x3], $0x8000, $0x38;
	[tilespmem:$0x11000] =	vst v63  }
0x11c: {  	_ =	swait.ge [sflag:s3], $0x8000  }
0x11d: {  	[sflag:s3] =	ssyncset.done $0x0  }
0x11e: {  	[sflag:s3] =	ssyncadd.s32 $0xFFFF8000  }
0x11f: {  	[tilespmem:s5], [sflag:$0x3] =	stream.linear.gather [hbm4b:s29+s2], $0x800, $0x38;
	[tilespmem:$0x11000] =	vst v63  }
0x120: {  	_ =	swait.ge [sflag:s3], $0x800  }
0x121: {  	[sflag:s3] =	ssyncset.done $0x0  }
0x122: {  	[sflag:s3] =	ssyncadd.s32 $0xFFFFF800  }
0x123: {  	[tilespmem:s7], [sflag:$0x2] =	stream.indirect.gather [hbm4b:s4+s5], $0x10, s5, s5, $0xb8;
	[tilespmem:$0x11000] =	vst v63  }
0x124: {  	_ =	swait.ge [sflag:s8], $0x8000  }
0x125: {  	[sflag:s8] =	ssyncset.done $0x0  }
0x126: {  	[sflag:s8] =	ssyncadd.s32 $0xFFFF8000  }
0x127: {  	[hbm4b:s30+s2] =	stream.linear.scatter [tilespmem:s6], [sflag:$0x3], $0x8000, $0x38;
	[tilespmem:$0x11000] =	vst v63  }
0x128: {  	_ =	swait.ge [sflag:s3], $0x8000  }
0x129: {  	[sflag:s3] =	ssyncset.done $0x0  }
0x12a: {  	p0 =	sne.s32 s1, $0x1;
	[sflag:s3] =	ssyncadd.s32 $0xFFFF8000  }
.Ltmp1:
0x12b: {  	_ =	swait.ge [sflag:s10], $0x8000;
	(pc) =	sbr.rel @p0 .LBB2_1-.Ltmp1, $4  }
0x12c: {  	[sflag:s10] =	ssyncset.done $0x0  }
0x12d: {  	[sflag:s10] =	ssyncadd.s32 $0xFFFF8000  }
0x12e: {  	[hbm4b:s31+s2] =	stream.linear.scatter [tilespmem:s7], [sflag:$0x3], $0x8000, $0x38;
	[tilespmem:$0x11000] =	vst v63  }
0x12f: {  	s1 =	sadd.s32 $0xFFFFFFFF, s1;
	_ =	swait.ge [sflag:s3], $0x8000  }
.LBB2_2:
0x130: {  	[sflag:s3] =	ssyncset.done $0x0  }
0x131: {  	[sflag:s3] =	ssyncadd.s32 $0xFFFF8000  }
0x132: {  	_ =	sfence.sel $0x180000  }
0x133: {  	[bflag:$0x0] =	sbarrier.arrive $0xFFFF  }
0x134: {  	_ =	strace $0x9000004A  }
0x135: {  	s0 =	stileid.u32;
	[bflag:$0x2] =	sbarrier.arrive $0xFFFF  }
0x136: {  	p0 =	sne.s32 s0, $0x0;
	s0 =	rddreg [dreg:$0x1]  }
0x137: {  	s0 =	sadd.s32 @!p0 $0x100000, s0  }
0x138: {  	[sflag:s0] =	ssyncadd.tile.s32 @!p0 $0x1;
	_ =	shalt  }
.Lfunc_end2:
_tile_overlayer_lowered:
.L_overlay_start_2:
0x139: {  	(tag) =	ssettag $0x2  }
0x13a: {  	s0 =	rddreg [dreg:$0x0];
	s2 =	stileid.u32  }
0x13b: {  	s1 =	rddreg [dreg:$0x1];
	p0 =	sne.s32 s2, $0x0  }
0x13c: {  	s3 =	rddreg [dreg:$0x2];
	[bflag:$0x3] =	sbarrier.arrive $0xFFFF;
	s2 =	simm.s32 @!p0 $0x1C03  }
0x13d: {  	[timem:s3], [sflag:s2] =	dma.local @!p0 [hbm:s0], s1  }
0x13e: {  	s0 =	simm.s32 @!p0 $0x3  }
0x13f: {  	_ =	swait.ge @!p0 [sflag:s0], s1  }
0x140: {  	s1 =	ssub.s32 @!p0 $0x0, s1;
	[sflag:s0] =	ssyncset.done @!p0 $0x0  }
0x141: {  	[sflag:s0] =	ssyncadd.s32 @!p0 s1  }
0x142: {  	[bflag:$0x3] =	sbarrier.arrive $0xFFFF  }
0x143: {  	_ =	shalt  }

// kernel: kernel.8.cloned.1.call-start
scs
__scs_entry_jumppad:
0x0: {  	(pc) =	sbr.rel $0x88, $3  }
0x1: {  	(tag) =	ssettag $0x0;
	lr =	simm.s32 $0x1  }
0x2: {  	[smem:$0x3F8A] =	sst lr;
	_ =	strace $0xD0000000  }
0x3: {  	_ = 	snop  }
0x4: {  	_ = 	snop  }
0x5: {  	_ = 	snop  }
0x6: {  	_ = 	snop  }
0x7: {  	_ = 	snop  }
__scs_overlays_trampoline_lowered:
0x8: {  	[smem:$0x3F99] =	sst s0  }
0x9: {  	[smem:$0x3F9A] =	sst s1  }
0xa: {  	[smem:$0x3F9B] =	sst s2  }
0xb: {  	[smem:$0x3F9C] =	sst s3  }
0xc: {  	[smem:$0x3F9D] =	sst s4  }
0xd: {  	[smem:$0x3F9E] =	sst s5  }
0xe: {  	[smem:$0x3F9F] =	sst s6  }
0xf: {  	[smem:$0x3FA0] =	sst s7  }
0x10: {  	[smem:$0x3FA1] =	sst s8  }
0x11: {  	[smem:$0x3FA2] =	sst s9;
	s0 =	simm.s32 @!p0 $0x0  }
0x12: {  	s1 =	sld [smem:$0x3F88];
	s0 =	simm.s32 @p0 $0x1  }
0x13: {  	[smem:$0x3FA3] =	sst s0;
	s0 =	simm.s32 @!p1 $0x0  }
0x14: {  	s2 =	sld [smem:$0x3F87];
	s0 =	simm.s32 @p1 $0x1  }
0x15: {  	[smem:$0x3FA4] =	sst s0;
	s0 =	simm.s32 @!p2 $0x0  }
0x16: {  	s3 =	sld [smem:$0x3FDB];
	s0 =	simm.s32 @p2 $0x1  }
0x17: {  	s4 =	simm.s32 $0x1BF5;
	[smem:$0x3FA6] =	sst s0  }
0x18: {  	s0 =	sld [smem:$0x3F89];
	_ =	swait.ge [sflag:s4], $0x0  }
0x19: {  	s7 =	sld [smem:$0x3F8A]  }
0x1a: {  	s8 =	sadd.s32 $0xFFFFE003, lr  }
0x1b: {  	s9 =	sadd.s32 $0xFFFFFEF7, lr;
	s5 =	simm.s32 $0xFFFFFFFF;
	p2 =	slt.u32 s8, $0xFFFFF086  }
0x1c: {  	p1 =	slt.u32 s9, $0xF7A;
	s5 =	simm.s32 @!p2 $0x0  }
0x1d: {  	s5 =	simm.s32 @p1 $0x1;
	p0 =	seq.s32 s7, s2  }
0x1e: {  	s7 =	smul.u32 @!p0 $0xF7A, s2;
	p2 =	seq.s32 @!p0 s5, $0x0  }
0x1f: {  	s9 =	smul.u32 $0xF7A, s1;
	s8 =	simm.s32 @!p0 $0x1BF5;
	p2 =	por !p2, p0  }
0x20: {  	[sflag:s8] =	ssyncset.s32 @!p0 $0xFFFFF086;
	s6 =	sadd.s32 @!p0 s3, s7;
	s7 =	simm.s32 @!p0 $0x108  }
0x21: {  	s3 =	sadd.s32 s3, s9;
	s6 =	sadd.s32 @!p0 $0x88, s6;
	s7 =	simm.s32 @p2 $0x1082  }
0x22: {  	[simem:s7], [sflag:s8] =	dma.local @!p0 [hbm:s6], $0xF7A  }
0x23: {  	s9 =	sor.u32 $0xD0000000, s2;
	s6 =	simm.s32 $0x108;
	_ =	swait.ge @!p0 [sflag:s8], $0x0  }
0x24: {  	s3 =	sadd.s32 $0x88, s3;
	s6 =	simm.s32 @!p1 $0x1082;
	[sflag:s4] =	ssyncset.s32 $0xFFFFF086  }
0x25: {  	[simem:s6], [sflag:s4] =	dma.local [hbm:s3], $0xF7A  }
0x26: {  	[smem:$0x3F8A] =	sst s1;
	(tag) =	ssettag s2;
	_ =	strace s9  }
0x27: {  	s1 =	sld [smem:$0x3F9A]  }
0x28: {  	s2 =	sld [smem:$0x3F9B]  }
0x29: {  	s4 =	sld [smem:$0x3F9D]  }
0x2a: {  	p0 =	seq.s32 s5, $0x0;
	s5 =	sld [smem:$0x3F9E]  }
0x2b: {  	s6 =	sld [smem:$0x3F9F]  }
0x2c: {  	s7 =	sld [smem:$0x3FA0]  }
0x2d: {  	s3 =	simm.s32 $0x108;
	s8 =	sld [smem:$0x3FA1]  }
0x2e: {  	s3 =	simm.s32 @!p0 $0x1082;
	s9 =	sld [smem:$0x3FA2]  }
0x2f: {  	lr =	sadd.s32 s0, s3;
	s0 =	sld [smem:$0x3F99]  }
0x30: {  	s3 =	sld [smem:$0x3F9C]  }
0x31: {  	[smem:$0x3FA5] =	sst s10  }
0x32: {  	s10 =	sld [smem:$0x3FA3];
	_ =	sdelay $0x3  }
0x33: {  	p0 =	seq.s32 s10, $0x1;
	s10 =	sld [smem:$0x3FA5];
	_ =	sdelay $0x3  }
0x34: {  	[smem:$0x3FA5] =	sst s10  }
0x35: {  	s10 =	sld [smem:$0x3FA4];
	_ =	sdelay $0x3  }
0x36: {  	p1 =	seq.s32 s10, $0x1;
	s10 =	sld [smem:$0x3FA5];
	_ =	sdelay $0x3  }
0x37: {  	[smem:$0x3FA5] =	sst s10  }
0x38: {  	s10 =	sld [smem:$0x3FA6]  }
0x39: {  	_ = 	snop;
	(pc) =	sbr.ind lr, $3  }
0x3a: {  	_ = 	snop  }
0x3b: {  	_ = 	snop  }
0x3c: {  	p2 =	seq.s32 s10, $0x1;
	s10 =	sld [smem:$0x3FA5]  }
0x3d: {  	_ =	shalt  }
0x3e: {  	_ =	shalt  }
0x3f: {  	_ =	shalt  }
0x40: {  	_ =	shalt  }
0x41: {  	_ =	shalt  }
0x42: {  	_ =	shalt  }
0x43: {  	_ =	shalt  }
0x44: {  	_ =	shalt  }
0x45: {  	_ =	shalt  }
0x46: {  	_ =	shalt  }
0x47: {  	_ =	shalt  }
0x48: {  	_ =	shalt  }
0x49: {  	_ =	shalt  }
0x4a: {  	_ =	shalt  }
0x4b: {  	_ =	shalt  }
0x4c: {  	_ =	shalt  }
0x4d: {  	_ =	shalt  }
0x4e: {  	_ =	shalt  }
0x4f: {  	_ =	shalt  }
0x50: {  	_ =	shalt  }
0x51: {  	_ =	shalt  }
0x52: {  	_ =	shalt  }
0x53: {  	_ =	shalt  }
0x54: {  	_ =	shalt  }
0x55: {  	_ =	shalt  }
0x56: {  	_ =	shalt  }
0x57: {  	_ =	shalt  }
0x58: {  	_ =	shalt  }
0x59: {  	_ =	shalt  }
0x5a: {  	_ =	shalt  }
0x5b: {  	_ =	shalt  }
0x5c: {  	_ =	shalt  }
0x5d: {  	_ =	shalt  }
0x5e: {  	_ =	shalt  }
0x5f: {  	_ =	shalt  }
0x60: {  	_ =	shalt  }
0x61: {  	_ =	shalt  }
0x62: {  	_ =	shalt  }
0x63: {  	_ =	shalt  }
0x64: {  	_ =	shalt  }
0x65: {  	_ =	shalt  }
0x66: {  	_ =	shalt  }
0x67: {  	_ =	shalt  }
0x68: {  	_ =	shalt  }
0x69: {  	_ =	shalt  }
0x6a: {  	_ =	shalt  }
0x6b: {  	_ =	shalt  }
0x6c: {  	_ =	shalt  }
0x6d: {  	_ =	shalt  }
0x6e: {  	_ =	shalt  }
0x6f: {  	_ =	shalt  }
0x70: {  	_ =	shalt  }
0x71: {  	_ =	shalt  }
0x72: {  	_ =	shalt  }
0x73: {  	_ =	shalt  }
0x74: {  	_ =	shalt  }
0x75: {  	_ =	shalt  }
0x76: {  	_ =	shalt  }
0x77: {  	_ =	shalt  }
0x78: {  	_ =	shalt  }
0x79: {  	_ =	shalt  }
0x7a: {  	_ =	shalt  }
0x7b: {  	_ =	shalt  }
0x7c: {  	_ =	shalt  }
0x7d: {  	_ =	shalt  }
0x7e: {  	_ =	shalt  }
0x7f: {  	_ =	shalt  }
0x80: {  	_ =	shalt  }
0x81: {  	_ =	shalt  }
0x82: {  	_ =	shalt  }
0x83: {  	_ =	shalt  }
0x84: {  	_ =	shalt  }
0x85: {  	_ =	shalt  }
0x86: {  	_ =	shalt  }
0x87: {  	_ =	shalt  }
.Lfunc_end0:
.L_simem_size_0:
called_computation_lowered:
.L_overlay_start_0:
0x88: {  	s2 =	sld [smem:$0x3FD9]  }
0x89: {  	s3 =	sld [smem:$0x3FFE];
	_ =	sdelay $0x1  }
0x8a: {  	s1 =	srdreg.scid  }
0x8b: {  	s0 =	sand.u32 $0x1, s1  }
0x8c: {  	s14 =	sshll.u32 s0, $0xA;
	s2 =	sadd.s32 s3, s2  }
0x8d: {  	s2 =	sadd.s32 s2, s14  }
0x8e: {  	[smem:$0x3FB1] =	sst s2  }
0x8f: {  	_ = 	snop  }
0x90: {  	s2 =	sld [smem:$0x3FD0];
	_ =	sdelay $0x2  }
0x91: {  	s15 =	simm.s32 $0xB;
	s4 =	simm.s32 $0x10  }
0x92: {  	[smem:s4], [sflag:s15] =	dma.local [hbm:s2], $0x1  }
0x93: {  	_ =	swait.eq [sflag:s15], $0x1  }
0x94: {  	[sflag:s15] =	ssyncset.done $0x0  }
0x95: {  	[sflag:s15] =	ssyncadd.s32 $0xFFFFFFFF  }
0x96: {  	s16 =	sld [smem:$0x11];
	(tm) =	ssettm $0x1  }
0x97: {  	s17 =	sld [smem:$0x3FFB];
	_ =	sdelay $0x3  }
0x98: {  	_ =	strace s17  }
0x99: {  	s3 =	sld [smem:$0x3FFC];
	_ =	sdelay $0x3  }
0x9a: {  	_ =	strace s3  }
0x9b: {  	s3 =	sld [smem:$0x3FFD];
	_ =	sdelay $0x3  }
0x9c: {  	_ =	strace s3  }
0x9d: {  	_ =	strace $0x8FFFFFFF  }
0x9e: {  	s18 =	sld [smem:$0x3FDB];
	_ =	sdelay $0x1  }
0x9f: {  	s19 =	simm.s32 $_scs_section_size  }
0xa0: {  	s5 =	simm.s32 $_size__tile_overlayer_lowered;
	s6 =	simm.s32 $_tile_overlayer_lowered  }
0xa1: {  	s22 =	simm.s32 $0x1BFF;
	s21 =	sshll.u32 s6, $0x1;
	s3 =	sadd.s32 s19, s18  }
0xa2: {  	s7 =	simm.s32 $0x0;
	s20 =	sshll.u32 s5, $0x1;
	s5 =	sadd.s32 s21, s3  }
0xa3: {  	[timem:s7], [sflag:s22] =	dma.local [hbm:s5], s20  }
0xa4: {  	_ =	swait.ge [sflag:s22], s20  }
0xa5: {  	s4 =	ssub.s32 $0x0, s20;
	[sflag:s22] =	ssyncset.done $0x0  }
0xa6: {  	[sflag:s22] =	ssyncadd.s32 s4;
	_ =	sdelay $0x1  }
0xa7: {  	s23 =	simm.s32 $0x1B8B  }
0xa8: {  	_ =	swait.ge [sflag:s23], $0x1  }
0xa9: {  	[sflag:s23] =	ssyncset.done $0x0  }
0xaa: {  	s25 =	simm.s32 $0x1B8E;
	s24 =	sld [smem:$0x3FFE];
	[sflag:s23] =	ssyncadd.s32 $0xFFFFFFFF  }
0xab: {  	s26 =	simm.s32 $execute0_lowered;
	[smem:$0x3FD2] =	sst s25  }
0xac: {  	s5 =	sshll.u32 s26, $0x1;
	_ =	strace $0x80000046;
	[dreg:$0x1] =	wrdreg $0xFFFFFFFF  }
0xad: {  	s28 =	simm.s32 $_size_execute0_lowered;
	s3 =	sadd.s32 s3, s5;
	[dreg:$0x0] =	wrdreg $0x0  }
0xae: {  	s5 =	sshll.u32 s28, $0x1;
	[dreg:$0x2] =	wrdreg s3  }
0xaf: {  	[dreg:$0x3] =	wrdreg s5  }
0xb0: {  	[dreg:$0x4] =	wrdreg $0xC0  }
0xb1: {  	_ =	task [dreg:s7], $0x5FFFF  }
0xb2: {  	[dreg:$0x1] =	wrdreg $0xFFFFFFFF  }
0xb3: {  	[dreg:$0x0] =	wrdreg $0x60  }
0xb4: {  	[dreg:$0x2] =	wrdreg s24  }
0xb5: {  	[dreg:$0x3] =	wrdreg s16  }
0xb6: {  	[dreg:$0x4] =	wrdreg $0x9  }
0xb7: {  	_ =	task.clear_ibuf [dreg:s7], $0x5FFFF;
	_ =	strace $0x90000046  }
0xb8: {  	s29 =	simm.s32 $0x9;
	_ =	strace $0x80000048  }
0xb9: {  	_ =	swait.ge [sflag:s29], $0x1  }
0xba: {  	[sflag:s29] =	ssyncadd.s32 $0xFFFFFFFF  }
0xbb: {  	_ =	strace $0x90000048  }
0xbc: {  	_ =	sfence  }
0xbd: {  	s30 =	sld [smem:$0x0];
	_ =	sdelay $0x2  }
0xbe: {  	s31 =	sshll.u32 s1, $0xD;
	s1 =	sshrl.u32 s1, $0x2  }
0xbf: {  	s3 =	sand.u32 $0x4000, s31;
	s1 =	sadd.s32 s1, s30  }
0xc0: {  	s0 =	sor.u32 s3, s0;
	s1 =	sshll.u32 s1, $0x11  }
0xc1: {  	s0 =	sor.u32 s1, s0  }
0xc2: {  	s0 =	sadd.s32 $0x8F2B, s0  }
0xc3: {  	[sflag:s0] =	ssyncadd.remote.s32 $0x1  }
0xc4: {  	_ =	sfence.sel $0xFFFF  }
0xc5: {  	[dreg:$0x0] =	wrdreg $0xFFFFFFFF;
	(pc) =	sbr.abs _section_cstart, $3  }
0xc6: {  	[dreg:$0x1] =	wrdreg $0xFFFFFFFF  }
0xc7: {  	_ =	task.clear_ibuf [dreg:s7], $0x2FFFF;
	_ =	strace $0x9FFFFFFF  }
0xc8: {  	(tm) =	ssettm $0x7FFFFFFF  }
0xc9: {  	_ =	shalt  }
tec
execute0_lowered:
.L_overlay_start_1:
0x0: {  	(tag) =	ssettag $0x1  }
0x1: {  	s1 =	srdreg.scid;
	s0 =	stileid.u32  }
0x2: {  	s15 =	sand.u32 $0x1, s1;
	s29 =	sshll.u32 s0, $0x1  }
0x3: {  	s5 =	rddreg [dreg:$0x0];
	s11 =	sor.u32 s15, s29  }
0x4: {  	s16 =	rddreg [dreg:$0x1];
	s12 =	smul.u32 $0x1800, s11  }
0x5: {  	s2 =	simm.s32 $0x0;
	s1 =	rddreg [dreg:$0x2]  }
0x6: {  	[smem:$0x7FF] =	sst s2;
	s13 =	sadd.s32 $0xBE00, s5;
	s3 =	sshrl.u32 s12, $0x3  }
0x7: {  	_ =	strace $0x80000047;
	s4 =	sadd.s32 s13, s3;
	s3 =	simm.s32 $0x3  }
0x8: {  	[tilespmem:s2], [sflag:$0x3] =	stream.linear.gather [hbm4b:s4+s2], $0x800, $0x38;
	[tilespmem:$0x11000] =	vst v63  }
0x9: {  	s6 =	simm.s32 $0x800;
	_ =	swait.ge [sflag:s3], $0x800  }
0xa: {  	s7 =	simm.s32 $0x1000;
	s14 =	sadd.s32 $0x800, s12;
	[sflag:s3] =	ssyncset.done $0x0  }
0xb: {  	s5 =	sadd.s32 $0x3E00, s5;
	s8 =	sshrl.u32 s14, $0x3;
	[sflag:s3] =	ssyncadd.s32 $0xFFFFF800  }
0xc: {  	[tilespmem:s7], [sflag:$0x1] =	stream.indirect.gather [hbm4b:s5+s6], $0x10, s2, s6, $0xb8;
	[tilespmem:$0x11000] =	vst v63  }
0xd: {  	s8 =	sadd.s32 s13, s8  }
0xe: {  	[tilespmem:s6], [sflag:$0x3] =	stream.linear.gather [hbm4b:s8+s2], $0x800, $0x38;
	[tilespmem:$0x11000] =	vst v63  }
0xf: {  	_ =	swait.ge [sflag:s3], $0x800  }
0x10: {  	[sflag:s3] =	ssyncset.done $0x0  }
0x11: {  	s9 =	simm.s32 $0x9000;
	s10 =	simm.s32 $0x1;
	[sflag:s3] =	ssyncadd.s32 $0xFFFFF800  }
0x12: {  	[tilespmem:s9], [sflag:$0x2] =	stream.indirect.gather [hbm4b:s5+s6], $0x10, s6, s6, $0xb8;
	[tilespmem:$0x11000] =	vst v63  }
0x13: {  	s11 =	smul.u32 $0x3000, s11;
	_ =	swait.ge [sflag:s10], $0x8000  }
0x14: {  	[sflag:s10] =	ssyncset.done $0x0  }
0x15: {  	s11 =	sadd.s32 s16, s11;
	[sflag:s10] =	ssyncadd.s32 $0xFFFF8000  }
0x16: {  	[hbm4b:s11+s2] =	stream.linear.scatter [tilespmem:s7], [sflag:$0x3], $0x8000, $0x38;
	[tilespmem:$0x11000] =	vst v63  }
0x17: {  	s17 =	sadd.s32 $0x1000, s12;
	_ =	swait.ge [sflag:s3], $0x8000  }
0x18: {  	s12 =	sshrl.u32 s17, $0x3;
	[sflag:s3] =	ssyncset.done $0x0  }
0x19: {  	s12 =	sadd.s32 s13, s12;
	[sflag:s3] =	ssyncadd.s32 $0xFFFF8000  }
0x1a: {  	[tilespmem:s2], [sflag:$0x3] =	stream.linear.gather [hbm4b:s12+s2], $0x800, $0x38;
	[tilespmem:$0x11000] =	vst v63  }
0x1b: {  	_ =	swait.ge [sflag:s3], $0x800  }
0x1c: {  	[sflag:s3] =	ssyncset.done $0x0  }
0x1d: {  	s13 =	simm.s32 $0x2;
	[sflag:s3] =	ssyncadd.s32 $0xFFFFF800  }
0x1e: {  	[tilespmem:s7], [sflag:$0x1] =	stream.indirect.gather [hbm4b:s5+s6], $0x10, s2, s6, $0xb8;
	[tilespmem:$0x11000] =	vst v63  }
0x1f: {  	_ =	swait.ge [sflag:s13], $0x8000  }
0x20: {  	s14 =	sshll.u32 s14, $0x1;
	[sflag:s13] =	ssyncset.done $0x0  }
0x21: {  	s15 =	ssub.s32 $0x2, s15;
	s14 =	sadd.s32 s16, s14;
	[sflag:s13] =	ssyncadd.s32 $0xFFFF8000  }
0x22: {  	[hbm4b:s14+s2] =	stream.linear.scatter [tilespmem:s9], [sflag:$0x3], $0x8000, $0x38;
	[tilespmem:$0x11000] =	vst v63  }
0x23: {  	s18 =	sshrl.u32 s15, $0x1;
	_ =	swait.ge [sflag:s3], $0x8000  }
0x24: {  	s18 =	ssub.s32 s15, s18;
	[sflag:s3] =	ssyncset.done $0x0  }
0x25: {  	s31 =	smax.u32 s18, $0x1;
	[sflag:s3] =	ssyncadd.s32 $0xFFFF8000  }
0x26: {  	p0 =	sne.s32 s31, $0x1;
	_ =	swait.ge [sflag:s10], $0x8000  }
.Ltmp0:
0x27: {  	s30 =	sshll.u32 s17, $0x1;
	[sflag:s10] =	ssyncset.done $0x0;
	(pc) =	sbr.rel @!p0 .LBB2_2-.Ltmp0, $4  }
0x28: {  	s15 =	sadd.s32 s16, s30;
	[sflag:s10] =	ssyncadd.s32 $0xFFFF8000  }
0x29: {  	[hbm4b:s15+s2] =	stream.linear.scatter [tilespmem:s7], [sflag:$0x3], $0x8000, $0x38;
	[tilespmem:$0x11000] =	vst v63  }
0x2a: {  	_ =	swait.ge [sflag:s3], $0x8000  }
0x2b: {  	s16 =	sadd.s32 $0xFFFFFFFF, s31;
	[sflag:s3] =	ssyncset.done $0x0  }
.LBB2_1:
0x2c: {  	p0 =	sne.s32 s16, $0x1;
	s16 =	sadd.s32 $0xFFFFFFFF, s16;
	[sflag:s3] =	ssyncadd.s32 $0xFFFF8000  }
0x2d: {  	[tilespmem:s2], [sflag:$0x3] =	stream.linear.gather [hbm4b:s4+s2], $0x800, $0x38;
	[tilespmem:$0x11000] =	vst v63  }
0x2e: {  	_ =	swait.ge [sflag:s3], $0x800  }
0x2f: {  	[sflag:s3] =	ssyncset.done $0x0  }
0x30: {  	[sflag:s3] =	ssyncadd.s32 $0xFFFFF800  }
0x31: {  	[tilespmem:s7], [sflag:$0x1] =	stream.indirect.gather [hbm4b:s5+s6], $0x10, s2, s6, $0xb8;
	[tilespmem:$0x11000] =	vst v63  }
0x32: {  	_ = 	snop  }
0x33: {  	[tilespmem:s6], [sflag:$0x3] =	stream.linear.gather [hbm4b:s8+s2], $0x800, $0x38;
	[tilespmem:$0x11000] =	vst v63  }
0x34: {  	_ =	swait.ge [sflag:s3], $0x800  }
0x35: {  	[sflag:s3] =	ssyncset.done $0x0  }
0x36: {  	[sflag:s3] =	ssyncadd.s32 $0xFFFFF800  }
0x37: {  	[tilespmem:s9], [sflag:$0x2] =	stream.indirect.gather [hbm4b:s5+s6], $0x10, s6, s6, $0xb8;
	[tilespmem:$0x11000] =	vst v63  }
0x38: {  	_ =	swait.ge [sflag:s10], $0x8000  }
0x39: {  	[sflag:s10] =	ssyncset.done $0x0  }
0x3a: {  	[sflag:s10] =	ssyncadd.s32 $0xFFFF8000  }
0x3b: {  	[hbm4b:s11+s2] =	stream.linear.scatter [tilespmem:s7], [sflag:$0x3], $0x8000, $0x38;
	[tilespmem:$0x11000] =	vst v63  }
0x3c: {  	_ =	swait.ge [sflag:s3], $0x8000  }
0x3d: {  	[sflag:s3] =	ssyncset.done $0x0  }
0x3e: {  	[sflag:s3] =	ssyncadd.s32 $0xFFFF8000  }
0x3f: {  	[tilespmem:s2], [sflag:$0x3] =	stream.linear.gather [hbm4b:s12+s2], $0x800, $0x38;
	[tilespmem:$0x11000] =	vst v63  }
0x40: {  	_ =	swait.ge [sflag:s3], $0x800  }
0x41: {  	[sflag:s3] =	ssyncset.done $0x0  }
0x42: {  	[sflag:s3] =	ssyncadd.s32 $0xFFFFF800  }
0x43: {  	[tilespmem:s7], [sflag:$0x1] =	stream.indirect.gather [hbm4b:s5+s6], $0x10, s2, s6, $0xb8;
	[tilespmem:$0x11000] =	vst v63  }
0x44: {  	_ =	swait.ge [sflag:s13], $0x8000  }
0x45: {  	[sflag:s13] =	ssyncset.done $0x0  }
0x46: {  	[sflag:s13] =	ssyncadd.s32 $0xFFFF8000  }
0x47: {  	[hbm4b:s14+s2] =	stream.linear.scatter [tilespmem:s9], [sflag:$0x3], $0x8000, $0x38;
	[tilespmem:$0x11000] =	vst v63  }
0x48: {  	_ =	swait.ge [sflag:s3], $0x8000  }
0x49: {  	[sflag:s3] =	ssyncset.done $0x0  }
0x4a: {  	[sflag:s3] =	ssyncadd.s32 $0xFFFF8000  }
0x4b: {  	_ =	swait.ge [sflag:s10], $0x8000  }
.Ltmp1:
0x4c: {  	[sflag:s10] =	ssyncset.done $0x0;
	(pc) =	sbr.rel @p0 .LBB2_1-.Ltmp1, $4  }
0x4d: {  	[sflag:s10] =	ssyncadd.s32 $0xFFFF8000  }
0x4e: {  	[hbm4b:s15+s2] =	stream.linear.scatter [tilespmem:s7], [sflag:$0x3], $0x8000, $0x38;
	[tilespmem:$0x11000] =	vst v63  }
0x4f: {  	_ =	swait.ge [sflag:s3], $0x8000  }
0x50: {  	[sflag:s3] =	ssyncset.done $0x0  }
.LBB2_2:
0x51: {  	[sflag:s3] =	ssyncadd.s32 $0xFFFF8000  }
0x52: {  	_ =	sfence.sel $0x180000  }
0x53: {  	[bflag:$0x0] =	sbarrier.arrive $0xFFFF  }
0x54: {  	p0 =	sne.s32 s0, $0x0;
	_ =	strace $0x90000047  }
0x55: {  	s0 =	sadd.s32 @!p0 $0x100000, s1;
	[bflag:$0x2] =	sbarrier.arrive $0xFFFF  }
0x56: {  	[sflag:s0] =	ssyncadd.tile.s32 @!p0 $0x1;
	_ =	shalt  }
.Lfunc_end2:
_tile_overlayer_lowered:
.L_overlay_start_2:
0x57: {  	(tag) =	ssettag $0x2  }
0x58: {  	s0 =	rddreg [dreg:$0x0];
	s2 =	stileid.u32  }
0x59: {  	s1 =	rddreg [dreg:$0x1];
	p0 =	sne.s32 s2, $0x0  }
0x5a: {  	s3 =	rddreg [dreg:$0x2];
	[bflag:$0x3] =	sbarrier.arrive $0xFFFF;
	s2 =	simm.s32 @!p0 $0x1C03  }
0x5b: {  	[timem:s3], [sflag:s2] =	dma.local @!p0 [hbm:s0], s1  }
0x5c: {  	s0 =	simm.s32 @!p0 $0x3  }
0x5d: {  	_ =	swait.ge @!p0 [sflag:s0], s1  }
0x5e: {  	s1 =	ssub.s32 @!p0 $0x0, s1;
	[sflag:s0] =	ssyncset.done @!p0 $0x0  }
0x5f: {  	[sflag:s0] =	ssyncadd.s32 @!p0 s1  }
0x60: {  	[bflag:$0x3] =	sbarrier.arrive $0xFFFF  }
0x61: {  	_ =	shalt  }

</sc_bundles>
